<compile_context>
chip_gen: v7x
topology: tpu7x:2x2x1
jax: 0.10.2.dev20260603
libtpu: 0.0.44.dev20260713+nightly
codegen_flags: <defaults>
</compile_context>

<pallas_src>
import functools

import jax
import jax.numpy as jnp
from jax import lax
from jax.experimental import pallas as pl
from jax.experimental.pallas import tpu as pltpu
from jax.experimental.pallas import tpu_sc as plsc

B = 16384
V = 1000000
E = 64
CTX = 5
H = 256
OUT = 50

N = B * CTX
P = 2 * E
_TPB = 8192
KQ = 245760
VQ = 262720


@functools.lru_cache(maxsize=1)
def _make_sc_gather():
    info = plsc.get_sparse_core_info()
    NC, NS = info.num_cores, info.num_subcores
    NW = NC * NS
    b_per_w = B // NW
    CHR = 64
    n_ch = b_per_w // CHR

    mesh = plsc.VectorSubcoreMesh(core_axis_name="c", subcore_axis_name="s")

    @functools.partial(
        pl.kernel,
        mesh=mesh,
        out_type=jax.ShapeDtypeStruct((B, CTX * P), jnp.int32),
        scratch_types=[
            pltpu.VMEM((CTX, b_per_w), jnp.int32),
            pltpu.VMEM((CHR, CTX * P), jnp.int32),
            pltpu.VMEM((CHR, CTX * P), jnp.int32),
            pltpu.SemaphoreType.DMA,
            pltpu.SemaphoreType.DMA,
        ],
    )
    def gather_k(table_hbm, idx_hbm, out_hbm, idx_v, buf0, buf1, sem0, sem1):
        wid = lax.axis_index("s") * NC + lax.axis_index("c")
        base = wid * b_per_w
        pltpu.sync_copy(idx_hbm.at[:, pl.ds(base, b_per_w)], idx_v)
        bufs = (buf0, buf1)
        sems = (sem0, sem1)
        copies = [[None] * CTX, [None] * CTX]
        for ci in range(n_ch):
            s = ci % 2
            for c in range(CTX):
                copies[s][c] = pltpu.async_copy(
                    table_hbm.at[idx_v.at[c, pl.ds(ci * CHR, CHR)]],
                    bufs[s].at[:, pl.ds(c * P, P)],
                    sems[s],
                )
            if ci > 0:
                pv = (ci - 1) % 2
                for c in range(CTX):
                    copies[pv][c].wait()
                pltpu.sync_copy(
                    bufs[pv], out_hbm.at[pl.ds(base + (ci - 1) * CHR, CHR)]
                )
        last = (n_ch - 1) % 2
        for c in range(CTX):
            copies[last][c].wait()
        pltpu.sync_copy(bufs[last], out_hbm.at[pl.ds(base + (n_ch - 1) * CHR, CHR)])

    return gather_k


def _bfbits(v):
    return lax.bitcast_convert_type(v, jnp.uint32) + jnp.uint32(0x8000)


def _tr_body(t0_ref, t1_ref, t2_ref, t3_ref, out_ref):
    ri = lax.broadcasted_iota(jnp.int32, (E, E), 0)
    ci = lax.broadcasted_iota(jnp.int32, (E, E), 1)
    eye = (ri == ci).astype(jnp.float32)

    def tr(ref):
        return lax.dot_general(
            ref[...], eye, (((0,), (0,)), ((), ())),
            preferred_element_type=jnp.float32,
        )

    tt0, tt1, tt2, tt3 = tr(t0_ref), tr(t1_ref), tr(t2_ref), tr(t3_ref)
    sh = jnp.uint32(16)
    hm = jnp.uint32(0xFFFF0000)
    lo = (_bfbits(tt0) & hm) | jnp.right_shift(_bfbits(tt1), sh)
    hi = (_bfbits(tt2) & hm) | jnp.right_shift(_bfbits(tt3), sh)
    out_ref[...] = lax.bitcast_convert_type(
        jnp.concatenate([lo, hi], axis=1), jnp.int32
    )


def _transpose_pack(tT):
    grid = ((VQ + _TPB - 1) // _TPB,)
    nb = KQ // _TPB
    return pl.pallas_call(
        _tr_body,
        grid=grid,
        in_specs=[
            pl.BlockSpec((E, _TPB), lambda i: (0, i)),
            pl.BlockSpec((E, _TPB), lambda i: (0, i + nb)),
            pl.BlockSpec((E, _TPB), lambda i: (0, i + 2 * nb)),
            pl.BlockSpec((E, _TPB), lambda i: (0, i + 3 * nb)),
        ],
        out_specs=pl.BlockSpec((_TPB, P), lambda i: (i, 0)),
        out_shape=jax.ShapeDtypeStruct((VQ, P), jnp.int32),
    )(tT, tT, tT, tT)


_BLK = 2048


def _mlp_body(flat_ref, x_ref, w1d_ref, b1_ref, w2_ref, b2_ref, out_ref):
    x = x_ref[...]
    q1 = (x >= KQ).astype(jnp.float32)
    q2 = (x >= 2 * KQ).astype(jnp.float32)
    q3 = (x >= 3 * KQ).astype(jnp.float32)
    nz = (x != 0).astype(jnp.float32)
    w0 = nz * (1.0 - q1)
    w1 = q1 * (1.0 - q2)
    w2 = q2 * (1.0 - q3)
    w3 = q3
    padb = jnp.concatenate([w0, w1, w2, w3], axis=1)
    ri = lax.broadcasted_iota(jnp.int32, (4 * CTX, CTX * P), 0)
    ci = lax.broadcasted_iota(jnp.int32, (4 * CTX, CTX * P), 1)
    c_of = ci // P
    half = (ci % P) // E
    SA = (
        ((ri == c_of) & (half == 0)) | ((ri == 2 * CTX + c_of) & (half == 1))
    ).astype(jnp.float32)
    SB = (
        ((ri == CTX + c_of) & (half == 0))
        | ((ri == 3 * CTX + c_of) & (half == 1))
    ).astype(jnp.float32)
    maskA = jnp.dot(padb, SA, preferred_element_type=jnp.float32)
    maskB = jnp.dot(padb, SB, preferred_element_type=jnp.float32)
    w = flat_ref[...]
    A = lax.bitcast_convert_type(w & jnp.int32(-65536), jnp.float32)
    Bv = lax.bitcast_convert_type(jnp.left_shift(w, 16), jnp.float32)
    val = A * maskA + Bv * maskB
    acc = jnp.dot(val, w1d_ref[...], preferred_element_type=jnp.float32)
    h = jnp.tanh(acc + b1_ref[...])
    out_ref[...] = (
        jnp.dot(h, w2_ref[...], preferred_element_type=jnp.float32) + b2_ref[...]
    )


def _mlp(flat, x32, W1dup, b1, W2, b2):
    grid = (B // _BLK,)
    return pl.pallas_call(
        _mlp_body,
        grid=grid,
        in_specs=[
            pl.BlockSpec((_BLK, CTX * P), lambda i: (i, 0)),
            pl.BlockSpec((_BLK, CTX), lambda i: (i, 0)),
            pl.BlockSpec((CTX * P, H), lambda i: (0, 0)),
            pl.BlockSpec((1, H), lambda i: (0, 0)),
            pl.BlockSpec((H, OUT), lambda i: (0, 0)),
            pl.BlockSpec((1, OUT), lambda i: (0, 0)),
        ],
        out_specs=pl.BlockSpec((_BLK, OUT), lambda i: (i, 0)),
        out_shape=jax.ShapeDtypeStruct((B, OUT), jnp.float32),
    )(flat, x32, W1dup, b1, W2, b2)


def kernel(x, table, W1, b1, W2, b2):
    x32 = x.astype(jnp.int32)
    xT = x32.T
    g = (
        (xT >= KQ).astype(jnp.int32)
        + (xT >= 2 * KQ).astype(jnp.int32)
        + (xT >= 3 * KQ).astype(jnp.int32)
    )
    pidxT = xT - g * KQ
    tq = _transpose_pack(table.T)
    flat = _make_sc_gather()(tq, pidxT)
    w1r = W1.reshape(CTX, E, H)
    W1dup = jnp.concatenate([w1r, w1r], axis=1).reshape(CTX * P, H)
    out = _mlp(flat, x32, W1dup, b1.reshape(1, H), W2, b2.reshape(1, OUT))
    return out

# --- scband reference (transcript-rebuilt; emitter-appended) ---
"""Pipeline reference for scband-mlptagger-14130442403890 (READ-ONLY COPY).

The authoritative reference and input builder live on the scoring server;
editing this copy changes nothing except your own understanding.
"""

import jax, jax.numpy as jnp
import numpy as np

B = 16384
V = 1000000
E = 64
CTX = 5
H = 256
OUT = 50
PAD = 0


def setup_inputs(seed: int = 0) -> dict:
    key = jax.random.key(seed)
    k_x, k_t, k_w1, k_b1, k_w2, k_b2 = jax.random.split(key, 6)
    x = jax.random.randint(k_x, (B, CTX), 0, V, dtype=jnp.int64)
    table = jax.random.normal(k_t, (V, E), dtype=jnp.float32)
    W1 = jax.random.normal(k_w1, (E * CTX, H), dtype=jnp.float32) * (1.0 / np.sqrt(E * CTX))
    b1 = jax.random.normal(k_b1, (H,), dtype=jnp.float32) * 0.01
    W2 = jax.random.normal(k_w2, (H, OUT), dtype=jnp.float32) * (1.0 / np.sqrt(H))
    b2 = jax.random.normal(k_b2, (OUT,), dtype=jnp.float32) * 0.01
    return {"x": x, "table": table, "W1": W1, "b1": b1, "W2": W2, "b2": b2}


def reference(x, table, W1, b1, W2, b2):
    # nn.Embedding with padding_idx: pad row is zero
    t = table.at[PAD].set(0.0)
    embedded = jnp.take(t, x, axis=0)              # [B, CTX, E]
    flat = embedded.reshape(x.shape[0], -1)        # [B, CTX*E]
    h = jnp.tanh(flat @ W1 + b1)                   # dropout is identity at inference
    out = h @ W2 + b2
    return out

if __name__ == "__main__":
    import jax
    _d = setup_inputs()
    print(jax.jit(kernel)(*tuple(_d.values())))

</pallas_src>

<mosaic_0001>
#map = affine_map<(d0, d1) -> (0, 0)>
module attributes {stable_mosaic.version = 14 : i64} {
  func.func @gather_k(%arg0: i32, %arg1: i32, %arg2: memref<262720x128xi32, #tpu.memory_space<hbm>>, %arg3: memref<5x16384xi32, #tpu.memory_space<hbm>>, %arg4: memref<16384x640xi32, #tpu.memory_space<hbm>>, %arg5: memref<5x512xi32, #tpu.memory_space<vmem>>, %arg6: memref<64x640xi32, #tpu.memory_space<vmem>>, %arg7: memref<64x640xi32, #tpu.memory_space<vmem>>, %arg8: memref<!tpu.dma_semaphore, #tpu.memory_space<semaphore_mem>>, %arg9: memref<!tpu.dma_semaphore, #tpu.memory_space<semaphore_mem>>) attributes {dimension_semantics = [#tpu.dimension_semantics<core_parallel>, #tpu.dimension_semantics<subcore_parallel>], iteration_bounds = array<i64: 2, 16>, scalar_prefetch = 0 : i64, scratch_operands = 5 : i64, tpu.core_type = #tpu.core_type<sc_vector_subcore>, window_params = [{transform_indices = #map}, {transform_indices = #map}, {transform_indices = #map}]} {
    %mul3A = arith.constant 2 : i32
    %mul3A_0 = arith.muli %arg1, %mul3A : i32
    %add3A = arith.addi %mul3A_0, %arg0 : i32
    %mul3A_1 = arith.constant 512 : i32
    %mul3A_2 = arith.muli %add3A, %mul3A_1 : i32
    "tpu.region"() ({
      %run_scoped3A = tpu.sem_alloc : memref<!tpu.dma_semaphore, #tpu.memory_space<semaphore_mem>>
      %dma_start3A_817 = arith.constant 0 : i32
      %dma_start3A_818 = tpu.memref_slice %arg3[%dma_start3A_817, %mul3A_2] : memref<5x16384xi32, #tpu.memory_space<hbm>> -> memref<5x512xi32, #tpu.memory_space<hbm>>
      %dma_start3A_819 = arith.constant 0 : i32
      %dma_start3A_820 = tpu.memref_slice %arg3[%dma_start3A_819, %mul3A_2] : memref<5x16384xi32, #tpu.memory_space<hbm>> -> memref<5x512xi32, #tpu.memory_space<hbm>>
      tpu.enqueue_dma source(%dma_start3A_820 : memref<5x512xi32, #tpu.memory_space<hbm>>) target(%arg5 : memref<5x512xi32, #tpu.memory_space<vmem>>) target_semaphore(%run_scoped3A : memref<!tpu.dma_semaphore, #tpu.memory_space<semaphore_mem>>)
      %dma_wait3A_821 = arith.constant 0 : i32
      %dma_wait3A_822 = tpu.memref_slice %arg3[%dma_wait3A_821, %mul3A_2] : memref<5x16384xi32, #tpu.memory_space<hbm>> -> memref<5x512xi32, #tpu.memory_space<hbm>>
      %dma_wait3A_823 = arith.constant 0 : i32
      %dma_wait3A_824 = tpu.memref_slice %arg3[%dma_wait3A_823, %mul3A_2] : memref<5x16384xi32, #tpu.memory_space<hbm>> -> memref<5x512xi32, #tpu.memory_space<hbm>>
      tpu.wait_dma2 semaphore(%run_scoped3A : memref<!tpu.dma_semaphore, #tpu.memory_space<semaphore_mem>>) src(%dma_wait3A_824 : memref<5x512xi32, #tpu.memory_space<hbm>>) dst(%arg5 : memref<5x512xi32, #tpu.memory_space<vmem>>)
      tpu.yield
    }) : () -> ()
    %dma_start3A = arith.constant 0 : i32
    %dma_start3A_3 = arith.constant 0 : i32
    %dma_start3A_4 = arith.constant 0 : i32
    %dma_start3A_5 = tpu.memref_slice %arg6[%dma_start3A_3, %dma_start3A_4] : memref<64x640xi32, #tpu.memory_space<vmem>> -> memref<64x128xi32, #tpu.memory_space<vmem>>
    %dma_start3A_6 = arith.constant 0 : i32
    %dma_start3A_7 = tpu.memref_slice %arg5[%dma_start3A, %dma_start3A_6] : memref<5x512xi32, #tpu.memory_space<vmem>> -> memref<1x64xi32, #tpu.memory_space<vmem>>
    %dma_start3A_8 = tpu.memref_squeeze %dma_start3A_7 : memref<1x64xi32, #tpu.memory_space<vmem>> -> memref<64xi32, #tpu.memory_space<vmem>>
    %dma_start3A_9 = arith.constant 0 : i32
    %dma_start3A_10 = arith.constant 0 : i32
    %dma_start3A_11 = tpu.memref_slice %arg2[%dma_start3A_9, %dma_start3A_10] : memref<262720x128xi32, #tpu.memory_space<hbm>> -> memref<262720x128xi32, #tpu.memory_space<hbm>>
    tpu.enqueue_indirect_dma source(%dma_start3A_11 : memref<262720x128xi32, #tpu.memory_space<hbm>>) target(%dma_start3A_5 : memref<64x128xi32, #tpu.memory_space<vmem>>) offsets(%dma_start3A_8 : memref<64xi32, #tpu.memory_space<vmem>>) semaphore(%arg8 : memref<!tpu.dma_semaphore, #tpu.memory_space<semaphore_mem>>)
    %dma_start3A_12 = arith.constant 1 : i32
    %dma_start3A_13 = arith.constant 0 : i32
    %dma_start3A_14 = arith.constant 128 : i32
    %dma_start3A_15 = tpu.memref_slice %arg6[%dma_start3A_13, %dma_start3A_14] : memref<64x640xi32, #tpu.memory_space<vmem>> -> memref<64x128xi32, #tpu.memory_space<vmem>>
    %dma_start3A_16 = arith.constant 0 : i32
    %dma_start3A_17 = tpu.memref_slice %arg5[%dma_start3A_12, %dma_start3A_16] : memref<5x512xi32, #tpu.memory_space<vmem>> -> memref<1x64xi32, #tpu.memory_space<vmem>>
    %dma_start3A_18 = tpu.memref_squeeze %dma_start3A_17 : memref<1x64xi32, #tpu.memory_space<vmem>> -> memref<64xi32, #tpu.memory_space<vmem>>
    %dma_start3A_19 = arith.constant 0 : i32
    %dma_start3A_20 = arith.constant 0 : i32
    %dma_start3A_21 = tpu.memref_slice %arg2[%dma_start3A_19, %dma_start3A_20] : memref<262720x128xi32, #tpu.memory_space<hbm>> -> memref<262720x128xi32, #tpu.memory_space<hbm>>
    tpu.enqueue_indirect_dma source(%dma_start3A_21 : memref<262720x128xi32, #tpu.memory_space<hbm>>) target(%dma_start3A_15 : memref<64x128xi32, #tpu.memory_space<vmem>>) offsets(%dma_start3A_18 : memref<64xi32, #tpu.memory_space<vmem>>) semaphore(%arg8 : memref<!tpu.dma_semaphore, #tpu.memory_space<semaphore_mem>>)
    %dma_start3A_22 = arith.constant 2 : i32
    %dma_start3A_23 = arith.constant 0 : i32
    %dma_start3A_24 = arith.constant 256 : i32
    %dma_start3A_25 = tpu.memref_slice %arg6[%dma_start3A_23, %dma_start3A_24] : memref<64x640xi32, #tpu.memory_space<vmem>> -> memref<64x128xi32, #tpu.memory_space<vmem>>
    %dma_start3A_26 = arith.constant 0 : i32
    %dma_start3A_27 = tpu.memref_slice %arg5[%dma_start3A_22, %dma_start3A_26] : memref<5x512xi32, #tpu.memory_space<vmem>> -> memref<1x64xi32, #tpu.memory_space<vmem>>
    %dma_start3A_28 = tpu.memref_squeeze %dma_start3A_27 : memref<1x64xi32, #tpu.memory_space<vmem>> -> memref<64xi32, #tpu.memory_space<vmem>>
    %dma_start3A_29 = arith.constant 0 : i32
    %dma_start3A_30 = arith.constant 0 : i32
    %dma_start3A_31 = tpu.memref_slice %arg2[%dma_start3A_29, %dma_start3A_30] : memref<262720x128xi32, #tpu.memory_space<hbm>> -> memref<262720x128xi32, #tpu.memory_space<hbm>>
    tpu.enqueue_indirect_dma source(%dma_start3A_31 : memref<262720x128xi32, #tpu.memory_space<hbm>>) target(%dma_start3A_25 : memref<64x128xi32, #tpu.memory_space<vmem>>) offsets(%dma_start3A_28 : memref<64xi32, #tpu.memory_space<vmem>>) semaphore(%arg8 : memref<!tpu.dma_semaphore, #tpu.memory_space<semaphore_mem>>)
    %dma_start3A_32 = arith.constant 3 : i32
    %dma_start3A_33 = arith.constant 0 : i32
    %dma_start3A_34 = arith.constant 384 : i32
    %dma_start3A_35 = tpu.memref_slice %arg6[%dma_start3A_33, %dma_start3A_34] : memref<64x640xi32, #tpu.memory_space<vmem>> -> memref<64x128xi32, #tpu.memory_space<vmem>>
    %dma_start3A_36 = arith.constant 0 : i32
    %dma_start3A_37 = tpu.memref_slice %arg5[%dma_start3A_32, %dma_start3A_36] : memref<5x512xi32, #tpu.memory_space<vmem>> -> memref<1x64xi32, #tpu.memory_space<vmem>>
    %dma_start3A_38 = tpu.memref_squeeze %dma_start3A_37 : memref<1x64xi32, #tpu.memory_space<vmem>> -> memref<64xi32, #tpu.memory_space<vmem>>
    %dma_start3A_39 = arith.constant 0 : i32
    %dma_start3A_40 = arith.constant 0 : i32
    %dma_start3A_41 = tpu.memref_slice %arg2[%dma_start3A_39, %dma_start3A_40] : memref<262720x128xi32, #tpu.memory_space<hbm>> -> memref<262720x128xi32, #tpu.memory_space<hbm>>
    tpu.enqueue_indirect_dma source(%dma_start3A_41 : memref<262720x128xi32, #tpu.memory_space<hbm>>) target(%dma_start3A_35 : memref<64x128xi32, #tpu.memory_space<vmem>>) offsets(%dma_start3A_38 : memref<64xi32, #tpu.memory_space<vmem>>) semaphore(%arg8 : memref<!tpu.dma_semaphore, #tpu.memory_space<semaphore_mem>>)
    %dma_start3A_42 = arith.constant 4 : i32
    %dma_start3A_43 = arith.constant 0 : i32
    %dma_start3A_44 = arith.constant 512 : i32
    %dma_start3A_45 = tpu.memref_slice %arg6[%dma_start3A_43, %dma_start3A_44] : memref<64x640xi32, #tpu.memory_space<vmem>> -> memref<64x128xi32, #tpu.memory_space<vmem>>
    %dma_start3A_46 = arith.constant 0 : i32
    %dma_start3A_47 = tpu.memref_slice %arg5[%dma_start3A_42, %dma_start3A_46] : memref<5x512xi32, #tpu.memory_space<vmem>> -> memref<1x64xi32, #tpu.memory_space<vmem>>
    %dma_start3A_48 = tpu.memref_squeeze %dma_start3A_47 : memref<1x64xi32, #tpu.memory_space<vmem>> -> memref<64xi32, #tpu.memory_space<vmem>>
    %dma_start3A_49 = arith.constant 0 : i32
    %dma_start3A_50 = arith.constant 0 : i32
    %dma_start3A_51 = tpu.memref_slice %arg2[%dma_start3A_49, %dma_start3A_50] : memref<262720x128xi32, #tpu.memory_space<hbm>> -> memref<262720x128xi32, #tpu.memory_space<hbm>>
    tpu.enqueue_indirect_dma source(%dma_start3A_51 : memref<262720x128xi32, #tpu.memory_space<hbm>>) target(%dma_start3A_45 : memref<64x128xi32, #tpu.memory_space<vmem>>) offsets(%dma_start3A_48 : memref<64xi32, #tpu.memory_space<vmem>>) semaphore(%arg8 : memref<!tpu.dma_semaphore, #tpu.memory_space<semaphore_mem>>)
    %dma_start3A_52 = arith.constant 0 : i32
    %dma_start3A_53 = arith.constant 0 : i32
    %dma_start3A_54 = arith.constant 0 : i32
    %dma_start3A_55 = tpu.memref_slice %arg7[%dma_start3A_53, %dma_start3A_54] : memref<64x640xi32, #tpu.memory_space<vmem>> -> memref<64x128xi32, #tpu.memory_space<vmem>>
    %dma_start3A_56 = arith.constant 64 : i32
    %dma_start3A_57 = tpu.memref_slice %arg5[%dma_start3A_52, %dma_start3A_56] : memref<5x512xi32, #tpu.memory_space<vmem>> -> memref<1x64xi32, #tpu.memory_space<vmem>>
    %dma_start3A_58 = tpu.memref_squeeze %dma_start3A_57 : memref<1x64xi32, #tpu.memory_space<vmem>> -> memref<64xi32, #tpu.memory_space<vmem>>
    %dma_start3A_59 = arith.constant 0 : i32
    %dma_start3A_60 = arith.constant 0 : i32
    %dma_start3A_61 = tpu.memref_slice %arg2[%dma_start3A_59, %dma_start3A_60] : memref<262720x128xi32, #tpu.memory_space<hbm>> -> memref<262720x128xi32, #tpu.memory_space<hbm>>
    tpu.enqueue_indirect_dma source(%dma_start3A_61 : memref<262720x128xi32, #tpu.memory_space<hbm>>) target(%dma_start3A_55 : memref<64x128xi32, #tpu.memory_space<vmem>>) offsets(%dma_start3A_58 : memref<64xi32, #tpu.memory_space<vmem>>) semaphore(%arg9 : memref<!tpu.dma_semaphore, #tpu.memory_space<semaphore_mem>>)
    %dma_start3A_62 = arith.constant 1 : i32
    %dma_start3A_63 = arith.constant 0 : i32
    %dma_start3A_64 = arith.constant 128 : i32
    %dma_start3A_65 = tpu.memref_slice %arg7[%dma_start3A_63, %dma_start3A_64] : memref<64x640xi32, #tpu.memory_space<vmem>> -> memref<64x128xi32, #tpu.memory_space<vmem>>
    %dma_start3A_66 = arith.constant 64 : i32
    %dma_start3A_67 = tpu.memref_slice %arg5[%dma_start3A_62, %dma_start3A_66] : memref<5x512xi32, #tpu.memory_space<vmem>> -> memref<1x64xi32, #tpu.memory_space<vmem>>
    %dma_start3A_68 = tpu.memref_squeeze %dma_start3A_67 : memref<1x64xi32, #tpu.memory_space<vmem>> -> memref<64xi32, #tpu.memory_space<vmem>>
    %dma_start3A_69 = arith.constant 0 : i32
    %dma_start3A_70 = arith.constant 0 : i32
    %dma_start3A_71 = tpu.memref_slice %arg2[%dma_start3A_69, %dma_start3A_70] : memref<262720x128xi32, #tpu.memory_space<hbm>> -> memref<262720x128xi32, #tpu.memory_space<hbm>>
    tpu.enqueue_indirect_dma source(%dma_start3A_71 : memref<262720x128xi32, #tpu.memory_space<hbm>>) target(%dma_start3A_65 : memref<64x128xi32, #tpu.memory_space<vmem>>) offsets(%dma_start3A_68 : memref<64xi32, #tpu.memory_space<vmem>>) semaphore(%arg9 : memref<!tpu.dma_semaphore, #tpu.memory_space<semaphore_mem>>)
    %dma_start3A_72 = arith.constant 2 : i32
    %dma_start3A_73 = arith.constant 0 : i32
    %dma_start3A_74 = arith.constant 256 : i32
    %dma_start3A_75 = tpu.memref_slice %arg7[%dma_start3A_73, %dma_start3A_74] : memref<64x640xi32, #tpu.memory_space<vmem>> -> memref<64x128xi32, #tpu.memory_space<vmem>>
    %dma_start3A_76 = arith.constant 64 : i32
    %dma_start3A_77 = tpu.memref_slice %arg5[%dma_start3A_72, %dma_start3A_76] : memref<5x512xi32, #tpu.memory_space<vmem>> -> memref<1x64xi32, #tpu.memory_space<vmem>>
    %dma_start3A_78 = tpu.memref_squeeze %dma_start3A_77 : memref<1x64xi32, #tpu.memory_space<vmem>> -> memref<64xi32, #tpu.memory_space<vmem>>
    %dma_start3A_79 = arith.constant 0 : i32
    %dma_start3A_80 = arith.constant 0 : i32
    %dma_start3A_81 = tpu.memref_slice %arg2[%dma_start3A_79, %dma_start3A_80] : memref<262720x128xi32, #tpu.memory_space<hbm>> -> memref<262720x128xi32, #tpu.memory_space<hbm>>
    tpu.enqueue_indirect_dma source(%dma_start3A_81 : memref<262720x128xi32, #tpu.memory_space<hbm>>) target(%dma_start3A_75 : memref<64x128xi32, #tpu.memory_space<vmem>>) offsets(%dma_start3A_78 : memref<64xi32, #tpu.memory_space<vmem>>) semaphore(%arg9 : memref<!tpu.dma_semaphore, #tpu.memory_space<semaphore_mem>>)
    %dma_start3A_82 = arith.constant 3 : i32
    %dma_start3A_83 = arith.constant 0 : i32
    %dma_start3A_84 = arith.constant 384 : i32
    %dma_start3A_85 = tpu.memref_slice %arg7[%dma_start3A_83, %dma_start3A_84] : memref<64x640xi32, #tpu.memory_space<vmem>> -> memref<64x128xi32, #tpu.memory_space<vmem>>
    %dma_start3A_86 = arith.constant 64 : i32
    %dma_start3A_87 = tpu.memref_slice %arg5[%dma_start3A_82, %dma_start3A_86] : memref<5x512xi32, #tpu.memory_space<vmem>> -> memref<1x64xi32, #tpu.memory_space<vmem>>
    %dma_start3A_88 = tpu.memref_squeeze %dma_start3A_87 : memref<1x64xi32, #tpu.memory_space<vmem>> -> memref<64xi32, #tpu.memory_space<vmem>>
    %dma_start3A_89 = arith.constant 0 : i32
    %dma_start3A_90 = arith.constant 0 : i32
    %dma_start3A_91 = tpu.memref_slice %arg2[%dma_start3A_89, %dma_start3A_90] : memref<262720x128xi32, #tpu.memory_space<hbm>> -> memref<262720x128xi32, #tpu.memory_space<hbm>>
    tpu.enqueue_indirect_dma source(%dma_start3A_91 : memref<262720x128xi32, #tpu.memory_space<hbm>>) target(%dma_start3A_85 : memref<64x128xi32, #tpu.memory_space<vmem>>) offsets(%dma_start3A_88 : memref<64xi32, #tpu.memory_space<vmem>>) semaphore(%arg9 : memref<!tpu.dma_semaphore, #tpu.memory_space<semaphore_mem>>)
    %dma_start3A_92 = arith.constant 4 : i32
    %dma_start3A_93 = arith.constant 0 : i32
    %dma_start3A_94 = arith.constant 512 : i32
    %dma_start3A_95 = tpu.memref_slice %arg7[%dma_start3A_93, %dma_start3A_94] : memref<64x640xi32, #tpu.memory_space<vmem>> -> memref<64x128xi32, #tpu.memory_space<vmem>>
    %dma_start3A_96 = arith.constant 64 : i32
    %dma_start3A_97 = tpu.memref_slice %arg5[%dma_start3A_92, %dma_start3A_96] : memref<5x512xi32, #tpu.memory_space<vmem>> -> memref<1x64xi32, #tpu.memory_space<vmem>>
    %dma_start3A_98 = tpu.memref_squeeze %dma_start3A_97 : memref<1x64xi32, #tpu.memory_space<vmem>> -> memref<64xi32, #tpu.memory_space<vmem>>
    %dma_start3A_99 = arith.constant 0 : i32
    %dma_start3A_100 = arith.constant 0 : i32
    %dma_start3A_101 = tpu.memref_slice %arg2[%dma_start3A_99, %dma_start3A_100] : memref<262720x128xi32, #tpu.memory_space<hbm>> -> memref<262720x128xi32, #tpu.memory_space<hbm>>
    tpu.enqueue_indirect_dma source(%dma_start3A_101 : memref<262720x128xi32, #tpu.memory_space<hbm>>) target(%dma_start3A_95 : memref<64x128xi32, #tpu.memory_space<vmem>>) offsets(%dma_start3A_98 : memref<64xi32, #tpu.memory_space<vmem>>) semaphore(%arg9 : memref<!tpu.dma_semaphore, #tpu.memory_space<semaphore_mem>>)
    %dma_wait3A = arith.constant 0 : i32
    %dma_wait3A_102 = arith.constant 0 : i32
    %dma_wait3A_103 = arith.constant 0 : i32
    %dma_wait3A_104 = tpu.memref_slice %arg6[%dma_wait3A_102, %dma_wait3A_103] : memref<64x640xi32, #tpu.memory_space<vmem>> -> memref<64x128xi32, #tpu.memory_space<vmem>>
    %dma_wait3A_105 = arith.constant 0 : i32
    %dma_wait3A_106 = tpu.memref_slice %arg5[%dma_wait3A, %dma_wait3A_105] : memref<5x512xi32, #tpu.memory_space<vmem>> -> memref<1x64xi32, #tpu.memory_space<vmem>>
    %dma_wait3A_107 = tpu.memref_squeeze %dma_wait3A_106 : memref<1x64xi32, #tpu.memory_space<vmem>> -> memref<64xi32, #tpu.memory_space<vmem>>
    %dma_wait3A_108 = arith.constant 0 : i32
    %dma_wait3A_109 = arith.constant 0 : i32
    %dma_wait3A_110 = tpu.memref_slice %arg2[%dma_wait3A_108, %dma_wait3A_109] : memref<262720x128xi32, #tpu.memory_space<hbm>> -> memref<262720x128xi32, #tpu.memory_space<hbm>>
    tpu.wait_indirect_dma semaphore(%arg8 : memref<!tpu.dma_semaphore, #tpu.memory_space<semaphore_mem>>) src(%dma_wait3A_110 : memref<262720x128xi32, #tpu.memory_space<hbm>>) dst(%dma_wait3A_104 : memref<64x128xi32, #tpu.memory_space<vmem>>)
    %dma_wait3A_111 = arith.constant 1 : i32
    %dma_wait3A_112 = arith.constant 0 : i32
    %dma_wait3A_113 = arith.constant 128 : i32
    %dma_wait3A_114 = tpu.memref_slice %arg6[%dma_wait3A_112, %dma_wait3A_113] : memref<64x640xi32, #tpu.memory_space<vmem>> -> memref<64x128xi32, #tpu.memory_space<vmem>>
    %dma_wait3A_115 = arith.constant 0 : i32
    %dma_wait3A_116 = tpu.memref_slice %arg5[%dma_wait3A_111, %dma_wait3A_115] : memref<5x512xi32, #tpu.memory_space<vmem>> -> memref<1x64xi32, #tpu.memory_space<vmem>>
    %dma_wait3A_117 = tpu.memref_squeeze %dma_wait3A_116 : memref<1x64xi32, #tpu.memory_space<vmem>> -> memref<64xi32, #tpu.memory_space<vmem>>
    %dma_wait3A_118 = arith.constant 0 : i32
    %dma_wait3A_119 = arith.constant 0 : i32
    %dma_wait3A_120 = tpu.memref_slice %arg2[%dma_wait3A_118, %dma_wait3A_119] : memref<262720x128xi32, #tpu.memory_space<hbm>> -> memref<262720x128xi32, #tpu.memory_space<hbm>>
    tpu.wait_indirect_dma semaphore(%arg8 : memref<!tpu.dma_semaphore, #tpu.memory_space<semaphore_mem>>) src(%dma_wait3A_120 : memref<262720x128xi32, #tpu.memory_space<hbm>>) dst(%dma_wait3A_114 : memref<64x128xi32, #tpu.memory_space<vmem>>)
    %dma_wait3A_121 = arith.constant 2 : i32
    %dma_wait3A_122 = arith.constant 0 : i32
    %dma_wait3A_123 = arith.constant 256 : i32
    %dma_wait3A_124 = tpu.memref_slice %arg6[%dma_wait3A_122, %dma_wait3A_123] : memref<64x640xi32, #tpu.memory_space<vmem>> -> memref<64x128xi32, #tpu.memory_space<vmem>>
    %dma_wait3A_125 = arith.constant 0 : i32
    %dma_wait3A_126 = tpu.memref_slice %arg5[%dma_wait3A_121, %dma_wait3A_125] : memref<5x512xi32, #tpu.memory_space<vmem>> -> memref<1x64xi32, #tpu.memory_space<vmem>>
    %dma_wait3A_127 = tpu.memref_squeeze %dma_wait3A_126 : memref<1x64xi32, #tpu.memory_space<vmem>> -> memref<64xi32, #tpu.memory_space<vmem>>
    %dma_wait3A_128 = arith.constant 0 : i32
    %dma_wait3A_129 = arith.constant 0 : i32
    %dma_wait3A_130 = tpu.memref_slice %arg2[%dma_wait3A_128, %dma_wait3A_129] : memref<262720x128xi32, #tpu.memory_space<hbm>> -> memref<262720x128xi32, #tpu.memory_space<hbm>>
    tpu.wait_indirect_dma semaphore(%arg8 : memref<!tpu.dma_semaphore, #tpu.memory_space<semaphore_mem>>) src(%dma_wait3A_130 : memref<262720x128xi32, #tpu.memory_space<hbm>>) dst(%dma_wait3A_124 : memref<64x128xi32, #tpu.memory_space<vmem>>)
    %dma_wait3A_131 = arith.constant 3 : i32
    %dma_wait3A_132 = arith.constant 0 : i32
    %dma_wait3A_133 = arith.constant 384 : i32
    %dma_wait3A_134 = tpu.memref_slice %arg6[%dma_wait3A_132, %dma_wait3A_133] : memref<64x640xi32, #tpu.memory_space<vmem>> -> memref<64x128xi32, #tpu.memory_space<vmem>>
    %dma_wait3A_135 = arith.constant 0 : i32
    %dma_wait3A_136 = tpu.memref_slice %arg5[%dma_wait3A_131, %dma_wait3A_135] : memref<5x512xi32, #tpu.memory_space<vmem>> -> memref<1x64xi32, #tpu.memory_space<vmem>>
    %dma_wait3A_137 = tpu.memref_squeeze %dma_wait3A_136 : memref<1x64xi32, #tpu.memory_space<vmem>> -> memref<64xi32, #tpu.memory_space<vmem>>
    %dma_wait3A_138 = arith.constant 0 : i32
    %dma_wait3A_139 = arith.constant 0 : i32
    %dma_wait3A_140 = tpu.memref_slice %arg2[%dma_wait3A_138, %dma_wait3A_139] : memref<262720x128xi32, #tpu.memory_space<hbm>> -> memref<262720x128xi32, #tpu.memory_space<hbm>>
    tpu.wait_indirect_dma semaphore(%arg8 : memref<!tpu.dma_semaphore, #tpu.memory_space<semaphore_mem>>) src(%dma_wait3A_140 : memref<262720x128xi32, #tpu.memory_space<hbm>>) dst(%dma_wait3A_134 : memref<64x128xi32, #tpu.memory_space<vmem>>)
    %dma_wait3A_141 = arith.constant 4 : i32
    %dma_wait3A_142 = arith.constant 0 : i32
    %dma_wait3A_143 = arith.constant 512 : i32
    %dma_wait3A_144 = tpu.memref_slice %arg6[%dma_wait3A_142, %dma_wait3A_143] : memref<64x640xi32, #tpu.memory_space<vmem>> -> memref<64x128xi32, #tpu.memory_space<vmem>>
    %dma_wait3A_145 = arith.constant 0 : i32
    %dma_wait3A_146 = tpu.memref_slice %arg5[%dma_wait3A_141, %dma_wait3A_145] : memref<5x512xi32, #tpu.memory_space<vmem>> -> memref<1x64xi32, #tpu.memory_space<vmem>>
    %dma_wait3A_147 = tpu.memref_squeeze %dma_wait3A_146 : memref<1x64xi32, #tpu.memory_space<vmem>> -> memref<64xi32, #tpu.memory_space<vmem>>
    %dma_wait3A_148 = arith.constant 0 : i32
    %dma_wait3A_149 = arith.constant 0 : i32
    %dma_wait3A_150 = tpu.memref_slice %arg2[%dma_wait3A_148, %dma_wait3A_149] : memref<262720x128xi32, #tpu.memory_space<hbm>> -> memref<262720x128xi32, #tpu.memory_space<hbm>>
    tpu.wait_indirect_dma semaphore(%arg8 : memref<!tpu.dma_semaphore, #tpu.memory_space<semaphore_mem>>) src(%dma_wait3A_150 : memref<262720x128xi32, #tpu.memory_space<hbm>>) dst(%dma_wait3A_144 : memref<64x128xi32, #tpu.memory_space<vmem>>)
    %add3A_151 = arith.constant 0 : i32
    %add3A_152 = arith.addi %mul3A_2, %add3A_151 : i32
    "tpu.region"() ({
      %run_scoped3A = tpu.sem_alloc : memref<!tpu.dma_semaphore, #tpu.memory_space<semaphore_mem>>
      %dma_start3A_817 = arith.constant 0 : i32
      %dma_start3A_818 = tpu.memref_slice %arg4[%add3A_152, %dma_start3A_817] : memref<16384x640xi32, #tpu.memory_space<hbm>> -> memref<64x640xi32, #tpu.memory_space<hbm>>
      %dma_start3A_819 = arith.constant 0 : i32
      %dma_start3A_820 = tpu.memref_slice %arg4[%add3A_152, %dma_start3A_819] : memref<16384x640xi32, #tpu.memory_space<hbm>> -> memref<64x640xi32, #tpu.memory_space<hbm>>
      tpu.enqueue_dma source(%arg6 : memref<64x640xi32, #tpu.memory_space<vmem>>) target(%dma_start3A_820 : memref<64x640xi32, #tpu.memory_space<hbm>>) target_semaphore(%run_scoped3A : memref<!tpu.dma_semaphore, #tpu.memory_space<semaphore_mem>>)
      %dma_wait3A_821 = arith.constant 0 : i32
      %dma_wait3A_822 = tpu.memref_slice %arg4[%add3A_152, %dma_wait3A_821] : memref<16384x640xi32, #tpu.memory_space<hbm>> -> memref<64x640xi32, #tpu.memory_space<hbm>>
      %dma_wait3A_823 = arith.constant 0 : i32
      %dma_wait3A_824 = tpu.memref_slice %arg4[%add3A_152, %dma_wait3A_823] : memref<16384x640xi32, #tpu.memory_space<hbm>> -> memref<64x640xi32, #tpu.memory_space<hbm>>
      tpu.wait_dma2 semaphore(%run_scoped3A : memref<!tpu.dma_semaphore, #tpu.memory_space<semaphore_mem>>) src(%arg6 : memref<64x640xi32, #tpu.memory_space<vmem>>) dst(%dma_wait3A_824 : memref<64x640xi32, #tpu.memory_space<hbm>>)
      tpu.yield
    }) : () -> ()
    %dma_start3A_153 = arith.constant 0 : i32
    %dma_start3A_154 = arith.constant 0 : i32
    %dma_start3A_155 = arith.constant 0 : i32
    %dma_start3A_156 = tpu.memref_slice %arg6[%dma_start3A_154, %dma_start3A_155] : memref<64x640xi32, #tpu.memory_space<vmem>> -> memref<64x128xi32, #tpu.memory_space<vmem>>
    %dma_start3A_157 = arith.constant 128 : i32
    %dma_start3A_158 = tpu.memref_slice %arg5[%dma_start3A_153, %dma_start3A_157] : memref<5x512xi32, #tpu.memory_space<vmem>> -> memref<1x64xi32, #tpu.memory_space<vmem>>
    %dma_start3A_159 = tpu.memref_squeeze %dma_start3A_158 : memref<1x64xi32, #tpu.memory_space<vmem>> -> memref<64xi32, #tpu.memory_space<vmem>>
    %dma_start3A_160 = arith.constant 0 : i32
    %dma_start3A_161 = arith.constant 0 : i32
    %dma_start3A_162 = tpu.memref_slice %arg2[%dma_start3A_160, %dma_start3A_161] : memref<262720x128xi32, #tpu.memory_space<hbm>> -> memref<262720x128xi32, #tpu.memory_space<hbm>>
    tpu.enqueue_indirect_dma source(%dma_start3A_162 : memref<262720x128xi32, #tpu.memory_space<hbm>>) target(%dma_start3A_156 : memref<64x128xi32, #tpu.memory_space<vmem>>) offsets(%dma_start3A_159 : memref<64xi32, #tpu.memory_space<vmem>>) semaphore(%arg8 : memref<!tpu.dma_semaphore, #tpu.memory_space<semaphore_mem>>)
    %dma_start3A_163 = arith.constant 1 : i32
    %dma_start3A_164 = arith.constant 0 : i32
    %dma_start3A_165 = arith.constant 128 : i32
    %dma_start3A_166 = tpu.memref_slice %arg6[%dma_start3A_164, %dma_start3A_165] : memref<64x640xi32, #tpu.memory_space<vmem>> -> memref<64x128xi32, #tpu.memory_space<vmem>>
    %dma_start3A_167 = arith.constant 128 : i32
    %dma_start3A_168 = tpu.memref_slice %arg5[%dma_start3A_163, %dma_start3A_167] : memref<5x512xi32, #tpu.memory_space<vmem>> -> memref<1x64xi32, #tpu.memory_space<vmem>>
    %dma_start3A_169 = tpu.memref_squeeze %dma_start3A_168 : memref<1x64xi32, #tpu.memory_space<vmem>> -> memref<64xi32, #tpu.memory_space<vmem>>
    %dma_start3A_170 = arith.constant 0 : i32
    %dma_start3A_171 = arith.constant 0 : i32
    %dma_start3A_172 = tpu.memref_slice %arg2[%dma_start3A_170, %dma_start3A_171] : memref<262720x128xi32, #tpu.memory_space<hbm>> -> memref<262720x128xi32, #tpu.memory_space<hbm>>
    tpu.enqueue_indirect_dma source(%dma_start3A_172 : memref<262720x128xi32, #tpu.memory_space<hbm>>) target(%dma_start3A_166 : memref<64x128xi32, #tpu.memory_space<vmem>>) offsets(%dma_start3A_169 : memref<64xi32, #tpu.memory_space<vmem>>) semaphore(%arg8 : memref<!tpu.dma_semaphore, #tpu.memory_space<semaphore_mem>>)
    %dma_start3A_173 = arith.constant 2 : i32
    %dma_start3A_174 = arith.constant 0 : i32
    %dma_start3A_175 = arith.constant 256 : i32
    %dma_start3A_176 = tpu.memref_slice %arg6[%dma_start3A_174, %dma_start3A_175] : memref<64x640xi32, #tpu.memory_space<vmem>> -> memref<64x128xi32, #tpu.memory_space<vmem>>
    %dma_start3A_177 = arith.constant 128 : i32
    %dma_start3A_178 = tpu.memref_slice %arg5[%dma_start3A_173, %dma_start3A_177] : memref<5x512xi32, #tpu.memory_space<vmem>> -> memref<1x64xi32, #tpu.memory_space<vmem>>
    %dma_start3A_179 = tpu.memref_squeeze %dma_start3A_178 : memref<1x64xi32, #tpu.memory_space<vmem>> -> memref<64xi32, #tpu.memory_space<vmem>>
    %dma_start3A_180 = arith.constant 0 : i32
    %dma_start3A_181 = arith.constant 0 : i32
    %dma_start3A_182 = tpu.memref_slice %arg2[%dma_start3A_180, %dma_start3A_181] : memref<262720x128xi32, #tpu.memory_space<hbm>> -> memref<262720x128xi32, #tpu.memory_space<hbm>>
    tpu.enqueue_indirect_dma source(%dma_start3A_182 : memref<262720x128xi32, #tpu.memory_space<hbm>>) target(%dma_start3A_176 : memref<64x128xi32, #tpu.memory_space<vmem>>) offsets(%dma_start3A_179 : memref<64xi32, #tpu.memory_space<vmem>>) semaphore(%arg8 : memref<!tpu.dma_semaphore, #tpu.memory_space<semaphore_mem>>)
    %dma_start3A_183 = arith.constant 3 : i32
    %dma_start3A_184 = arith.constant 0 : i32
    %dma_start3A_185 = arith.constant 384 : i32
    %dma_start3A_186 = tpu.memref_slice %arg6[%dma_start3A_184, %dma_start3A_185] : memref<64x640xi32, #tpu.memory_space<vmem>> -> memref<64x128xi32, #tpu.memory_space<vmem>>
    %dma_start3A_187 = arith.constant 128 : i32
    %dma_start3A_188 = tpu.memref_slice %arg5[%dma_start3A_183, %dma_start3A_187] : memref<5x512xi32, #tpu.memory_space<vmem>> -> memref<1x64xi32, #tpu.memory_space<vmem>>
    %dma_start3A_189 = tpu.memref_squeeze %dma_start3A_188 : memref<1x64xi32, #tpu.memory_space<vmem>> -> memref<64xi32, #tpu.memory_space<vmem>>
    %dma_start3A_190 = arith.constant 0 : i32
    %dma_start3A_191 = arith.constant 0 : i32
    %dma_start3A_192 = tpu.memref_slice %arg2[%dma_start3A_190, %dma_start3A_191] : memref<262720x128xi32, #tpu.memory_space<hbm>> -> memref<262720x128xi32, #tpu.memory_space<hbm>>
    tpu.enqueue_indirect_dma source(%dma_start3A_192 : memref<262720x128xi32, #tpu.memory_space<hbm>>) target(%dma_start3A_186 : memref<64x128xi32, #tpu.memory_space<vmem>>) offsets(%dma_start3A_189 : memref<64xi32, #tpu.memory_space<vmem>>) semaphore(%arg8 : memref<!tpu.dma_semaphore, #tpu.memory_space<semaphore_mem>>)
    %dma_start3A_193 = arith.constant 4 : i32
    %dma_start3A_194 = arith.constant 0 : i32
    %dma_start3A_195 = arith.constant 512 : i32
    %dma_start3A_196 = tpu.memref_slice %arg6[%dma_start3A_194, %dma_start3A_195] : memref<64x640xi32, #tpu.memory_space<vmem>> -> memref<64x128xi32, #tpu.memory_space<vmem>>
    %dma_start3A_197 = arith.constant 128 : i32
    %dma_start3A_198 = tpu.memref_slice %arg5[%dma_start3A_193, %dma_start3A_197] : memref<5x512xi32, #tpu.memory_space<vmem>> -> memref<1x64xi32, #tpu.memory_space<vmem>>
    %dma_start3A_199 = tpu.memref_squeeze %dma_start3A_198 : memref<1x64xi32, #tpu.memory_space<vmem>> -> memref<64xi32, #tpu.memory_space<vmem>>
    %dma_start3A_200 = arith.constant 0 : i32
    %dma_start3A_201 = arith.constant 0 : i32
    %dma_start3A_202 = tpu.memref_slice %arg2[%dma_start3A_200, %dma_start3A_201] : memref<262720x128xi32, #tpu.memory_space<hbm>> -> memref<262720x128xi32, #tpu.memory_space<hbm>>
    tpu.enqueue_indirect_dma source(%dma_start3A_202 : memref<262720x128xi32, #tpu.memory_space<hbm>>) target(%dma_start3A_196 : memref<64x128xi32, #tpu.memory_space<vmem>>) offsets(%dma_start3A_199 : memref<64xi32, #tpu.memory_space<vmem>>) semaphore(%arg8 : memref<!tpu.dma_semaphore, #tpu.memory_space<semaphore_mem>>)
    %dma_wait3A_203 = arith.constant 0 : i32
    %dma_wait3A_204 = arith.constant 0 : i32
    %dma_wait3A_205 = arith.constant 0 : i32
    %dma_wait3A_206 = tpu.memref_slice %arg7[%dma_wait3A_204, %dma_wait3A_205] : memref<64x640xi32, #tpu.memory_space<vmem>> -> memref<64x128xi32, #tpu.memory_space<vmem>>
    %dma_wait3A_207 = arith.constant 64 : i32
    %dma_wait3A_208 = tpu.memref_slice %arg5[%dma_wait3A_203, %dma_wait3A_207] : memref<5x512xi32, #tpu.memory_space<vmem>> -> memref<1x64xi32, #tpu.memory_space<vmem>>
    %dma_wait3A_209 = tpu.memref_squeeze %dma_wait3A_208 : memref<1x64xi32, #tpu.memory_space<vmem>> -> memref<64xi32, #tpu.memory_space<vmem>>
    %dma_wait3A_210 = arith.constant 0 : i32
    %dma_wait3A_211 = arith.constant 0 : i32
    %dma_wait3A_212 = tpu.memref_slice %arg2[%dma_wait3A_210, %dma_wait3A_211] : memref<262720x128xi32, #tpu.memory_space<hbm>> -> memref<262720x128xi32, #tpu.memory_space<hbm>>
    tpu.wait_indirect_dma semaphore(%arg9 : memref<!tpu.dma_semaphore, #tpu.memory_space<semaphore_mem>>) src(%dma_wait3A_212 : memref<262720x128xi32, #tpu.memory_space<hbm>>) dst(%dma_wait3A_206 : memref<64x128xi32, #tpu.memory_space<vmem>>)
    %dma_wait3A_213 = arith.constant 1 : i32
    %dma_wait3A_214 = arith.constant 0 : i32
    %dma_wait3A_215 = arith.constant 128 : i32
    %dma_wait3A_216 = tpu.memref_slice %arg7[%dma_wait3A_214, %dma_wait3A_215] : memref<64x640xi32, #tpu.memory_space<vmem>> -> memref<64x128xi32, #tpu.memory_space<vmem>>
    %dma_wait3A_217 = arith.constant 64 : i32
    %dma_wait3A_218 = tpu.memref_slice %arg5[%dma_wait3A_213, %dma_wait3A_217] : memref<5x512xi32, #tpu.memory_space<vmem>> -> memref<1x64xi32, #tpu.memory_space<vmem>>
    %dma_wait3A_219 = tpu.memref_squeeze %dma_wait3A_218 : memref<1x64xi32, #tpu.memory_space<vmem>> -> memref<64xi32, #tpu.memory_space<vmem>>
    %dma_wait3A_220 = arith.constant 0 : i32
    %dma_wait3A_221 = arith.constant 0 : i32
    %dma_wait3A_222 = tpu.memref_slice %arg2[%dma_wait3A_220, %dma_wait3A_221] : memref<262720x128xi32, #tpu.memory_space<hbm>> -> memref<262720x128xi32, #tpu.memory_space<hbm>>
    tpu.wait_indirect_dma semaphore(%arg9 : memref<!tpu.dma_semaphore, #tpu.memory_space<semaphore_mem>>) src(%dma_wait3A_222 : memref<262720x128xi32, #tpu.memory_space<hbm>>) dst(%dma_wait3A_216 : memref<64x128xi32, #tpu.memory_space<vmem>>)
    %dma_wait3A_223 = arith.constant 2 : i32
    %dma_wait3A_224 = arith.constant 0 : i32
    %dma_wait3A_225 = arith.constant 256 : i32
    %dma_wait3A_226 = tpu.memref_slice %arg7[%dma_wait3A_224, %dma_wait3A_225] : memref<64x640xi32, #tpu.memory_space<vmem>> -> memref<64x128xi32, #tpu.memory_space<vmem>>
    %dma_wait3A_227 = arith.constant 64 : i32
    %dma_wait3A_228 = tpu.memref_slice %arg5[%dma_wait3A_223, %dma_wait3A_227] : memref<5x512xi32, #tpu.memory_space<vmem>> -> memref<1x64xi32, #tpu.memory_space<vmem>>
    %dma_wait3A_229 = tpu.memref_squeeze %dma_wait3A_228 : memref<1x64xi32, #tpu.memory_space<vmem>> -> memref<64xi32, #tpu.memory_space<vmem>>
    %dma_wait3A_230 = arith.constant 0 : i32
    %dma_wait3A_231 = arith.constant 0 : i32
    %dma_wait3A_232 = tpu.memref_slice %arg2[%dma_wait3A_230, %dma_wait3A_231] : memref<262720x128xi32, #tpu.memory_space<hbm>> -> memref<262720x128xi32, #tpu.memory_space<hbm>>
    tpu.wait_indirect_dma semaphore(%arg9 : memref<!tpu.dma_semaphore, #tpu.memory_space<semaphore_mem>>) src(%dma_wait3A_232 : memref<262720x128xi32, #tpu.memory_space<hbm>>) dst(%dma_wait3A_226 : memref<64x128xi32, #tpu.memory_space<vmem>>)
    %dma_wait3A_233 = arith.constant 3 : i32
    %dma_wait3A_234 = arith.constant 0 : i32
    %dma_wait3A_235 = arith.constant 384 : i32
    %dma_wait3A_236 = tpu.memref_slice %arg7[%dma_wait3A_234, %dma_wait3A_235] : memref<64x640xi32, #tpu.memory_space<vmem>> -> memref<64x128xi32, #tpu.memory_space<vmem>>
    %dma_wait3A_237 = arith.constant 64 : i32
    %dma_wait3A_238 = tpu.memref_slice %arg5[%dma_wait3A_233, %dma_wait3A_237] : memref<5x512xi32, #tpu.memory_space<vmem>> -> memref<1x64xi32, #tpu.memory_space<vmem>>
    %dma_wait3A_239 = tpu.memref_squeeze %dma_wait3A_238 : memref<1x64xi32, #tpu.memory_space<vmem>> -> memref<64xi32, #tpu.memory_space<vmem>>
    %dma_wait3A_240 = arith.constant 0 : i32
    %dma_wait3A_241 = arith.constant 0 : i32
    %dma_wait3A_242 = tpu.memref_slice %arg2[%dma_wait3A_240, %dma_wait3A_241] : memref<262720x128xi32, #tpu.memory_space<hbm>> -> memref<262720x128xi32, #tpu.memory_space<hbm>>
    tpu.wait_indirect_dma semaphore(%arg9 : memref<!tpu.dma_semaphore, #tpu.memory_space<semaphore_mem>>) src(%dma_wait3A_242 : memref<262720x128xi32, #tpu.memory_space<hbm>>) dst(%dma_wait3A_236 : memref<64x128xi32, #tpu.memory_space<vmem>>)
    %dma_wait3A_243 = arith.constant 4 : i32
    %dma_wait3A_244 = arith.constant 0 : i32
    %dma_wait3A_245 = arith.constant 512 : i32
    %dma_wait3A_246 = tpu.memref_slice %arg7[%dma_wait3A_244, %dma_wait3A_245] : memref<64x640xi32, #tpu.memory_space<vmem>> -> memref<64x128xi32, #tpu.memory_space<vmem>>
    %dma_wait3A_247 = arith.constant 64 : i32
    %dma_wait3A_248 = tpu.memref_slice %arg5[%dma_wait3A_243, %dma_wait3A_247] : memref<5x512xi32, #tpu.memory_space<vmem>> -> memref<1x64xi32, #tpu.memory_space<vmem>>
    %dma_wait3A_249 = tpu.memref_squeeze %dma_wait3A_248 : memref<1x64xi32, #tpu.memory_space<vmem>> -> memref<64xi32, #tpu.memory_space<vmem>>
    %dma_wait3A_250 = arith.constant 0 : i32
    %dma_wait3A_251 = arith.constant 0 : i32
    %dma_wait3A_252 = tpu.memref_slice %arg2[%dma_wait3A_250, %dma_wait3A_251] : memref<262720x128xi32, #tpu.memory_space<hbm>> -> memref<262720x128xi32, #tpu.memory_space<hbm>>
    tpu.wait_indirect_dma semaphore(%arg9 : memref<!tpu.dma_semaphore, #tpu.memory_space<semaphore_mem>>) src(%dma_wait3A_252 : memref<262720x128xi32, #tpu.memory_space<hbm>>) dst(%dma_wait3A_246 : memref<64x128xi32, #tpu.memory_space<vmem>>)
    %add3A_253 = arith.constant 64 : i32
    %add3A_254 = arith.addi %mul3A_2, %add3A_253 : i32
    "tpu.region"() ({
      %run_scoped3A = tpu.sem_alloc : memref<!tpu.dma_semaphore, #tpu.memory_space<semaphore_mem>>
      %dma_start3A_817 = arith.constant 0 : i32
      %dma_start3A_818 = tpu.memref_slice %arg4[%add3A_254, %dma_start3A_817] : memref<16384x640xi32, #tpu.memory_space<hbm>> -> memref<64x640xi32, #tpu.memory_space<hbm>>
      %dma_start3A_819 = arith.constant 0 : i32
      %dma_start3A_820 = tpu.memref_slice %arg4[%add3A_254, %dma_start3A_819] : memref<16384x640xi32, #tpu.memory_space<hbm>> -> memref<64x640xi32, #tpu.memory_space<hbm>>
      tpu.enqueue_dma source(%arg7 : memref<64x640xi32, #tpu.memory_space<vmem>>) target(%dma_start3A_820 : memref<64x640xi32, #tpu.memory_space<hbm>>) target_semaphore(%run_scoped3A : memref<!tpu.dma_semaphore, #tpu.memory_space<semaphore_mem>>)
      %dma_wait3A_821 = arith.constant 0 : i32
      %dma_wait3A_822 = tpu.memref_slice %arg4[%add3A_254, %dma_wait3A_821] : memref<16384x640xi32, #tpu.memory_space<hbm>> -> memref<64x640xi32, #tpu.memory_space<hbm>>
      %dma_wait3A_823 = arith.constant 0 : i32
      %dma_wait3A_824 = tpu.memref_slice %arg4[%add3A_254, %dma_wait3A_823] : memref<16384x640xi32, #tpu.memory_space<hbm>> -> memref<64x640xi32, #tpu.memory_space<hbm>>
      tpu.wait_dma2 semaphore(%run_scoped3A : memref<!tpu.dma_semaphore, #tpu.memory_space<semaphore_mem>>) src(%arg7 : memref<64x640xi32, #tpu.memory_space<vmem>>) dst(%dma_wait3A_824 : memref<64x640xi32, #tpu.memory_space<hbm>>)
      tpu.yield
    }) : () -> ()
    %dma_start3A_255 = arith.constant 0 : i32
    %dma_start3A_256 = arith.constant 0 : i32
    %dma_start3A_257 = arith.constant 0 : i32
    %dma_start3A_258 = tpu.memref_slice %arg7[%dma_start3A_256, %dma_start3A_257] : memref<64x640xi32, #tpu.memory_space<vmem>> -> memref<64x128xi32, #tpu.memory_space<vmem>>
    %dma_start3A_259 = arith.constant 192 : i32
    %dma_start3A_260 = tpu.memref_slice %arg5[%dma_start3A_255, %dma_start3A_259] : memref<5x512xi32, #tpu.memory_space<vmem>> -> memref<1x64xi32, #tpu.memory_space<vmem>>
    %dma_start3A_261 = tpu.memref_squeeze %dma_start3A_260 : memref<1x64xi32, #tpu.memory_space<vmem>> -> memref<64xi32, #tpu.memory_space<vmem>>
    %dma_start3A_262 = arith.constant 0 : i32
    %dma_start3A_263 = arith.constant 0 : i32
    %dma_start3A_264 = tpu.memref_slice %arg2[%dma_start3A_262, %dma_start3A_263] : memref<262720x128xi32, #tpu.memory_space<hbm>> -> memref<262720x128xi32, #tpu.memory_space<hbm>>
    tpu.enqueue_indirect_dma source(%dma_start3A_264 : memref<262720x128xi32, #tpu.memory_space<hbm>>) target(%dma_start3A_258 : memref<64x128xi32, #tpu.memory_space<vmem>>) offsets(%dma_start3A_261 : memref<64xi32, #tpu.memory_space<vmem>>) semaphore(%arg9 : memref<!tpu.dma_semaphore, #tpu.memory_space<semaphore_mem>>)
    %dma_start3A_265 = arith.constant 1 : i32
    %dma_start3A_266 = arith.constant 0 : i32
    %dma_start3A_267 = arith.constant 128 : i32
    %dma_start3A_268 = tpu.memref_slice %arg7[%dma_start3A_266, %dma_start3A_267] : memref<64x640xi32, #tpu.memory_space<vmem>> -> memref<64x128xi32, #tpu.memory_space<vmem>>
    %dma_start3A_269 = arith.constant 192 : i32
    %dma_start3A_270 = tpu.memref_slice %arg5[%dma_start3A_265, %dma_start3A_269] : memref<5x512xi32, #tpu.memory_space<vmem>> -> memref<1x64xi32, #tpu.memory_space<vmem>>
    %dma_start3A_271 = tpu.memref_squeeze %dma_start3A_270 : memref<1x64xi32, #tpu.memory_space<vmem>> -> memref<64xi32, #tpu.memory_space<vmem>>
    %dma_start3A_272 = arith.constant 0 : i32
    %dma_start3A_273 = arith.constant 0 : i32
    %dma_start3A_274 = tpu.memref_slice %arg2[%dma_start3A_272, %dma_start3A_273] : memref<262720x128xi32, #tpu.memory_space<hbm>> -> memref<262720x128xi32, #tpu.memory_space<hbm>>
    tpu.enqueue_indirect_dma source(%dma_start3A_274 : memref<262720x128xi32, #tpu.memory_space<hbm>>) target(%dma_start3A_268 : memref<64x128xi32, #tpu.memory_space<vmem>>) offsets(%dma_start3A_271 : memref<64xi32, #tpu.memory_space<vmem>>) semaphore(%arg9 : memref<!tpu.dma_semaphore, #tpu.memory_space<semaphore_mem>>)
    %dma_start3A_275 = arith.constant 2 : i32
    %dma_start3A_276 = arith.constant 0 : i32
    %dma_start3A_277 = arith.constant 256 : i32
    %dma_start3A_278 = tpu.memref_slice %arg7[%dma_start3A_276, %dma_start3A_277] : memref<64x640xi32, #tpu.memory_space<vmem>> -> memref<64x128xi32, #tpu.memory_space<vmem>>
    %dma_start3A_279 = arith.constant 192 : i32
    %dma_start3A_280 = tpu.memref_slice %arg5[%dma_start3A_275, %dma_start3A_279] : memref<5x512xi32, #tpu.memory_space<vmem>> -> memref<1x64xi32, #tpu.memory_space<vmem>>
    %dma_start3A_281 = tpu.memref_squeeze %dma_start3A_280 : memref<1x64xi32, #tpu.memory_space<vmem>> -> memref<64xi32, #tpu.memory_space<vmem>>
    %dma_start3A_282 = arith.constant 0 : i32
    %dma_start3A_283 = arith.constant 0 : i32
    %dma_start3A_284 = tpu.memref_slice %arg2[%dma_start3A_282, %dma_start3A_283] : memref<262720x128xi32, #tpu.memory_space<hbm>> -> memref<262720x128xi32, #tpu.memory_space<hbm>>
    tpu.enqueue_indirect_dma source(%dma_start3A_284 : memref<262720x128xi32, #tpu.memory_space<hbm>>) target(%dma_start3A_278 : memref<64x128xi32, #tpu.memory_space<vmem>>) offsets(%dma_start3A_281 : memref<64xi32, #tpu.memory_space<vmem>>) semaphore(%arg9 : memref<!tpu.dma_semaphore, #tpu.memory_space<semaphore_mem>>)
    %dma_start3A_285 = arith.constant 3 : i32
    %dma_start3A_286 = arith.constant 0 : i32
    %dma_start3A_287 = arith.constant 384 : i32
    %dma_start3A_288 = tpu.memref_slice %arg7[%dma_start3A_286, %dma_start3A_287] : memref<64x640xi32, #tpu.memory_space<vmem>> -> memref<64x128xi32, #tpu.memory_space<vmem>>
    %dma_start3A_289 = arith.constant 192 : i32
    %dma_start3A_290 = tpu.memref_slice %arg5[%dma_start3A_285, %dma_start3A_289] : memref<5x512xi32, #tpu.memory_space<vmem>> -> memref<1x64xi32, #tpu.memory_space<vmem>>
    %dma_start3A_291 = tpu.memref_squeeze %dma_start3A_290 : memref<1x64xi32, #tpu.memory_space<vmem>> -> memref<64xi32, #tpu.memory_space<vmem>>
    %dma_start3A_292 = arith.constant 0 : i32
    %dma_start3A_293 = arith.constant 0 : i32
    %dma_start3A_294 = tpu.memref_slice %arg2[%dma_start3A_292, %dma_start3A_293] : memref<262720x128xi32, #tpu.memory_space<hbm>> -> memref<262720x128xi32, #tpu.memory_space<hbm>>
    tpu.enqueue_indirect_dma source(%dma_start3A_294 : memref<262720x128xi32, #tpu.memory_space<hbm>>) target(%dma_start3A_288 : memref<64x128xi32, #tpu.memory_space<vmem>>) offsets(%dma_start3A_291 : memref<64xi32, #tpu.memory_space<vmem>>) semaphore(%arg9 : memref<!tpu.dma_semaphore, #tpu.memory_space<semaphore_mem>>)
    %dma_start3A_295 = arith.constant 4 : i32
    %dma_start3A_296 = arith.constant 0 : i32
    %dma_start3A_297 = arith.constant 512 : i32
    %dma_start3A_298 = tpu.memref_slice %arg7[%dma_start3A_296, %dma_start3A_297] : memref<64x640xi32, #tpu.memory_space<vmem>> -> memref<64x128xi32, #tpu.memory_space<vmem>>
    %dma_start3A_299 = arith.constant 192 : i32
    %dma_start3A_300 = tpu.memref_slice %arg5[%dma_start3A_295, %dma_start3A_299] : memref<5x512xi32, #tpu.memory_space<vmem>> -> memref<1x64xi32, #tpu.memory_space<vmem>>
    %dma_start3A_301 = tpu.memref_squeeze %dma_start3A_300 : memref<1x64xi32, #tpu.memory_space<vmem>> -> memref<64xi32, #tpu.memory_space<vmem>>
    %dma_start3A_302 = arith.constant 0 : i32
    %dma_start3A_303 = arith.constant 0 : i32
    %dma_start3A_304 = tpu.memref_slice %arg2[%dma_start3A_302, %dma_start3A_303] : memref<262720x128xi32, #tpu.memory_space<hbm>> -> memref<262720x128xi32, #tpu.memory_space<hbm>>
    tpu.enqueue_indirect_dma source(%dma_start3A_304 : memref<262720x128xi32, #tpu.memory_space<hbm>>) target(%dma_start3A_298 : memref<64x128xi32, #tpu.memory_space<vmem>>) offsets(%dma_start3A_301 : memref<64xi32, #tpu.memory_space<vmem>>) semaphore(%arg9 : memref<!tpu.dma_semaphore, #tpu.memory_space<semaphore_mem>>)
    %dma_wait3A_305 = arith.constant 0 : i32
    %dma_wait3A_306 = arith.constant 0 : i32
    %dma_wait3A_307 = arith.constant 0 : i32
    %dma_wait3A_308 = tpu.memref_slice %arg6[%dma_wait3A_306, %dma_wait3A_307] : memref<64x640xi32, #tpu.memory_space<vmem>> -> memref<64x128xi32, #tpu.memory_space<vmem>>
    %dma_wait3A_309 = arith.constant 128 : i32
    %dma_wait3A_310 = tpu.memref_slice %arg5[%dma_wait3A_305, %dma_wait3A_309] : memref<5x512xi32, #tpu.memory_space<vmem>> -> memref<1x64xi32, #tpu.memory_space<vmem>>
    %dma_wait3A_311 = tpu.memref_squeeze %dma_wait3A_310 : memref<1x64xi32, #tpu.memory_space<vmem>> -> memref<64xi32, #tpu.memory_space<vmem>>
    %dma_wait3A_312 = arith.constant 0 : i32
    %dma_wait3A_313 = arith.constant 0 : i32
    %dma_wait3A_314 = tpu.memref_slice %arg2[%dma_wait3A_312, %dma_wait3A_313] : memref<262720x128xi32, #tpu.memory_space<hbm>> -> memref<262720x128xi32, #tpu.memory_space<hbm>>
    tpu.wait_indirect_dma semaphore(%arg8 : memref<!tpu.dma_semaphore, #tpu.memory_space<semaphore_mem>>) src(%dma_wait3A_314 : memref<262720x128xi32, #tpu.memory_space<hbm>>) dst(%dma_wait3A_308 : memref<64x128xi32, #tpu.memory_space<vmem>>)
    %dma_wait3A_315 = arith.constant 1 : i32
    %dma_wait3A_316 = arith.constant 0 : i32
    %dma_wait3A_317 = arith.constant 128 : i32
    %dma_wait3A_318 = tpu.memref_slice %arg6[%dma_wait3A_316, %dma_wait3A_317] : memref<64x640xi32, #tpu.memory_space<vmem>> -> memref<64x128xi32, #tpu.memory_space<vmem>>
    %dma_wait3A_319 = arith.constant 128 : i32
    %dma_wait3A_320 = tpu.memref_slice %arg5[%dma_wait3A_315, %dma_wait3A_319] : memref<5x512xi32, #tpu.memory_space<vmem>> -> memref<1x64xi32, #tpu.memory_space<vmem>>
    %dma_wait3A_321 = tpu.memref_squeeze %dma_wait3A_320 : memref<1x64xi32, #tpu.memory_space<vmem>> -> memref<64xi32, #tpu.memory_space<vmem>>
    %dma_wait3A_322 = arith.constant 0 : i32
    %dma_wait3A_323 = arith.constant 0 : i32
    %dma_wait3A_324 = tpu.memref_slice %arg2[%dma_wait3A_322, %dma_wait3A_323] : memref<262720x128xi32, #tpu.memory_space<hbm>> -> memref<262720x128xi32, #tpu.memory_space<hbm>>
    tpu.wait_indirect_dma semaphore(%arg8 : memref<!tpu.dma_semaphore, #tpu.memory_space<semaphore_mem>>) src(%dma_wait3A_324 : memref<262720x128xi32, #tpu.memory_space<hbm>>) dst(%dma_wait3A_318 : memref<64x128xi32, #tpu.memory_space<vmem>>)
    %dma_wait3A_325 = arith.constant 2 : i32
    %dma_wait3A_326 = arith.constant 0 : i32
    %dma_wait3A_327 = arith.constant 256 : i32
    %dma_wait3A_328 = tpu.memref_slice %arg6[%dma_wait3A_326, %dma_wait3A_327] : memref<64x640xi32, #tpu.memory_space<vmem>> -> memref<64x128xi32, #tpu.memory_space<vmem>>
    %dma_wait3A_329 = arith.constant 128 : i32
    %dma_wait3A_330 = tpu.memref_slice %arg5[%dma_wait3A_325, %dma_wait3A_329] : memref<5x512xi32, #tpu.memory_space<vmem>> -> memref<1x64xi32, #tpu.memory_space<vmem>>
    %dma_wait3A_331 = tpu.memref_squeeze %dma_wait3A_330 : memref<1x64xi32, #tpu.memory_space<vmem>> -> memref<64xi32, #tpu.memory_space<vmem>>
    %dma_wait3A_332 = arith.constant 0 : i32
    %dma_wait3A_333 = arith.constant 0 : i32
    %dma_wait3A_334 = tpu.memref_slice %arg2[%dma_wait3A_332, %dma_wait3A_333] : memref<262720x128xi32, #tpu.memory_space<hbm>> -> memref<262720x128xi32, #tpu.memory_space<hbm>>
    tpu.wait_indirect_dma semaphore(%arg8 : memref<!tpu.dma_semaphore, #tpu.memory_space<semaphore_mem>>) src(%dma_wait3A_334 : memref<262720x128xi32, #tpu.memory_space<hbm>>) dst(%dma_wait3A_328 : memref<64x128xi32, #tpu.memory_space<vmem>>)
    %dma_wait3A_335 = arith.constant 3 : i32
    %dma_wait3A_336 = arith.constant 0 : i32
    %dma_wait3A_337 = arith.constant 384 : i32
    %dma_wait3A_338 = tpu.memref_slice %arg6[%dma_wait3A_336, %dma_wait3A_337] : memref<64x640xi32, #tpu.memory_space<vmem>> -> memref<64x128xi32, #tpu.memory_space<vmem>>
    %dma_wait3A_339 = arith.constant 128 : i32
    %dma_wait3A_340 = tpu.memref_slice %arg5[%dma_wait3A_335, %dma_wait3A_339] : memref<5x512xi32, #tpu.memory_space<vmem>> -> memref<1x64xi32, #tpu.memory_space<vmem>>
    %dma_wait3A_341 = tpu.memref_squeeze %dma_wait3A_340 : memref<1x64xi32, #tpu.memory_space<vmem>> -> memref<64xi32, #tpu.memory_space<vmem>>
    %dma_wait3A_342 = arith.constant 0 : i32
    %dma_wait3A_343 = arith.constant 0 : i32
    %dma_wait3A_344 = tpu.memref_slice %arg2[%dma_wait3A_342, %dma_wait3A_343] : memref<262720x128xi32, #tpu.memory_space<hbm>> -> memref<262720x128xi32, #tpu.memory_space<hbm>>
    tpu.wait_indirect_dma semaphore(%arg8 : memref<!tpu.dma_semaphore, #tpu.memory_space<semaphore_mem>>) src(%dma_wait3A_344 : memref<262720x128xi32, #tpu.memory_space<hbm>>) dst(%dma_wait3A_338 : memref<64x128xi32, #tpu.memory_space<vmem>>)
    %dma_wait3A_345 = arith.constant 4 : i32
    %dma_wait3A_346 = arith.constant 0 : i32
    %dma_wait3A_347 = arith.constant 512 : i32
    %dma_wait3A_348 = tpu.memref_slice %arg6[%dma_wait3A_346, %dma_wait3A_347] : memref<64x640xi32, #tpu.memory_space<vmem>> -> memref<64x128xi32, #tpu.memory_space<vmem>>
    %dma_wait3A_349 = arith.constant 128 : i32
    %dma_wait3A_350 = tpu.memref_slice %arg5[%dma_wait3A_345, %dma_wait3A_349] : memref<5x512xi32, #tpu.memory_space<vmem>> -> memref<1x64xi32, #tpu.memory_space<vmem>>
    %dma_wait3A_351 = tpu.memref_squeeze %dma_wait3A_350 : memref<1x64xi32, #tpu.memory_space<vmem>> -> memref<64xi32, #tpu.memory_space<vmem>>
    %dma_wait3A_352 = arith.constant 0 : i32
    %dma_wait3A_353 = arith.constant 0 : i32
    %dma_wait3A_354 = tpu.memref_slice %arg2[%dma_wait3A_352, %dma_wait3A_353] : memref<262720x128xi32, #tpu.memory_space<hbm>> -> memref<262720x128xi32, #tpu.memory_space<hbm>>
    tpu.wait_indirect_dma semaphore(%arg8 : memref<!tpu.dma_semaphore, #tpu.memory_space<semaphore_mem>>) src(%dma_wait3A_354 : memref<262720x128xi32, #tpu.memory_space<hbm>>) dst(%dma_wait3A_348 : memref<64x128xi32, #tpu.memory_space<vmem>>)
    %add3A_355 = arith.constant 128 : i32
    %add3A_356 = arith.addi %mul3A_2, %add3A_355 : i32
    "tpu.region"() ({
      %run_scoped3A = tpu.sem_alloc : memref<!tpu.dma_semaphore, #tpu.memory_space<semaphore_mem>>
      %dma_start3A_817 = arith.constant 0 : i32
      %dma_start3A_818 = tpu.memref_slice %arg4[%add3A_356, %dma_start3A_817] : memref<16384x640xi32, #tpu.memory_space<hbm>> -> memref<64x640xi32, #tpu.memory_space<hbm>>
      %dma_start3A_819 = arith.constant 0 : i32
      %dma_start3A_820 = tpu.memref_slice %arg4[%add3A_356, %dma_start3A_819] : memref<16384x640xi32, #tpu.memory_space<hbm>> -> memref<64x640xi32, #tpu.memory_space<hbm>>
      tpu.enqueue_dma source(%arg6 : memref<64x640xi32, #tpu.memory_space<vmem>>) target(%dma_start3A_820 : memref<64x640xi32, #tpu.memory_space<hbm>>) target_semaphore(%run_scoped3A : memref<!tpu.dma_semaphore, #tpu.memory_space<semaphore_mem>>)
      %dma_wait3A_821 = arith.constant 0 : i32
      %dma_wait3A_822 = tpu.memref_slice %arg4[%add3A_356, %dma_wait3A_821] : memref<16384x640xi32, #tpu.memory_space<hbm>> -> memref<64x640xi32, #tpu.memory_space<hbm>>
      %dma_wait3A_823 = arith.constant 0 : i32
      %dma_wait3A_824 = tpu.memref_slice %arg4[%add3A_356, %dma_wait3A_823] : memref<16384x640xi32, #tpu.memory_space<hbm>> -> memref<64x640xi32, #tpu.memory_space<hbm>>
      tpu.wait_dma2 semaphore(%run_scoped3A : memref<!tpu.dma_semaphore, #tpu.memory_space<semaphore_mem>>) src(%arg6 : memref<64x640xi32, #tpu.memory_space<vmem>>) dst(%dma_wait3A_824 : memref<64x640xi32, #tpu.memory_space<hbm>>)
      tpu.yield
    }) : () -> ()
    %dma_start3A_357 = arith.constant 0 : i32
    %dma_start3A_358 = arith.constant 0 : i32
    %dma_start3A_359 = arith.constant 0 : i32
    %dma_start3A_360 = tpu.memref_slice %arg6[%dma_start3A_358, %dma_start3A_359] : memref<64x640xi32, #tpu.memory_space<vmem>> -> memref<64x128xi32, #tpu.memory_space<vmem>>
    %dma_start3A_361 = arith.constant 256 : i32
    %dma_start3A_362 = tpu.memref_slice %arg5[%dma_start3A_357, %dma_start3A_361] : memref<5x512xi32, #tpu.memory_space<vmem>> -> memref<1x64xi32, #tpu.memory_space<vmem>>
    %dma_start3A_363 = tpu.memref_squeeze %dma_start3A_362 : memref<1x64xi32, #tpu.memory_space<vmem>> -> memref<64xi32, #tpu.memory_space<vmem>>
    %dma_start3A_364 = arith.constant 0 : i32
    %dma_start3A_365 = arith.constant 0 : i32
    %dma_start3A_366 = tpu.memref_slice %arg2[%dma_start3A_364, %dma_start3A_365] : memref<262720x128xi32, #tpu.memory_space<hbm>> -> memref<262720x128xi32, #tpu.memory_space<hbm>>
    tpu.enqueue_indirect_dma source(%dma_start3A_366 : memref<262720x128xi32, #tpu.memory_space<hbm>>) target(%dma_start3A_360 : memref<64x128xi32, #tpu.memory_space<vmem>>) offsets(%dma_start3A_363 : memref<64xi32, #tpu.memory_space<vmem>>) semaphore(%arg8 : memref<!tpu.dma_semaphore, #tpu.memory_space<semaphore_mem>>)
    %dma_start3A_367 = arith.constant 1 : i32
    %dma_start3A_368 = arith.constant 0 : i32
    %dma_start3A_369 = arith.constant 128 : i32
    %dma_start3A_370 = tpu.memref_slice %arg6[%dma_start3A_368, %dma_start3A_369] : memref<64x640xi32, #tpu.memory_space<vmem>> -> memref<64x128xi32, #tpu.memory_space<vmem>>
    %dma_start3A_371 = arith.constant 256 : i32
    %dma_start3A_372 = tpu.memref_slice %arg5[%dma_start3A_367, %dma_start3A_371] : memref<5x512xi32, #tpu.memory_space<vmem>> -> memref<1x64xi32, #tpu.memory_space<vmem>>
    %dma_start3A_373 = tpu.memref_squeeze %dma_start3A_372 : memref<1x64xi32, #tpu.memory_space<vmem>> -> memref<64xi32, #tpu.memory_space<vmem>>
    %dma_start3A_374 = arith.constant 0 : i32
    %dma_start3A_375 = arith.constant 0 : i32
    %dma_start3A_376 = tpu.memref_slice %arg2[%dma_start3A_374, %dma_start3A_375] : memref<262720x128xi32, #tpu.memory_space<hbm>> -> memref<262720x128xi32, #tpu.memory_space<hbm>>
    tpu.enqueue_indirect_dma source(%dma_start3A_376 : memref<262720x128xi32, #tpu.memory_space<hbm>>) target(%dma_start3A_370 : memref<64x128xi32, #tpu.memory_space<vmem>>) offsets(%dma_start3A_373 : memref<64xi32, #tpu.memory_space<vmem>>) semaphore(%arg8 : memref<!tpu.dma_semaphore, #tpu.memory_space<semaphore_mem>>)
    %dma_start3A_377 = arith.constant 2 : i32
    %dma_start3A_378 = arith.constant 0 : i32
    %dma_start3A_379 = arith.constant 256 : i32
    %dma_start3A_380 = tpu.memref_slice %arg6[%dma_start3A_378, %dma_start3A_379] : memref<64x640xi32, #tpu.memory_space<vmem>> -> memref<64x128xi32, #tpu.memory_space<vmem>>
    %dma_start3A_381 = arith.constant 256 : i32
    %dma_start3A_382 = tpu.memref_slice %arg5[%dma_start3A_377, %dma_start3A_381] : memref<5x512xi32, #tpu.memory_space<vmem>> -> memref<1x64xi32, #tpu.memory_space<vmem>>
    %dma_start3A_383 = tpu.memref_squeeze %dma_start3A_382 : memref<1x64xi32, #tpu.memory_space<vmem>> -> memref<64xi32, #tpu.memory_space<vmem>>
    %dma_start3A_384 = arith.constant 0 : i32
    %dma_start3A_385 = arith.constant 0 : i32
    %dma_start3A_386 = tpu.memref_slice %arg2[%dma_start3A_384, %dma_start3A_385] : memref<262720x128xi32, #tpu.memory_space<hbm>> -> memref<262720x128xi32, #tpu.memory_space<hbm>>
    tpu.enqueue_indirect_dma source(%dma_start3A_386 : memref<262720x128xi32, #tpu.memory_space<hbm>>) target(%dma_start3A_380 : memref<64x128xi32, #tpu.memory_space<vmem>>) offsets(%dma_start3A_383 : memref<64xi32, #tpu.memory_space<vmem>>) semaphore(%arg8 : memref<!tpu.dma_semaphore, #tpu.memory_space<semaphore_mem>>)
    %dma_start3A_387 = arith.constant 3 : i32
    %dma_start3A_388 = arith.constant 0 : i32
    %dma_start3A_389 = arith.constant 384 : i32
    %dma_start3A_390 = tpu.memref_slice %arg6[%dma_start3A_388, %dma_start3A_389] : memref<64x640xi32, #tpu.memory_space<vmem>> -> memref<64x128xi32, #tpu.memory_space<vmem>>
    %dma_start3A_391 = arith.constant 256 : i32
    %dma_start3A_392 = tpu.memref_slice %arg5[%dma_start3A_387, %dma_start3A_391] : memref<5x512xi32, #tpu.memory_space<vmem>> -> memref<1x64xi32, #tpu.memory_space<vmem>>
    %dma_start3A_393 = tpu.memref_squeeze %dma_start3A_392 : memref<1x64xi32, #tpu.memory_space<vmem>> -> memref<64xi32, #tpu.memory_space<vmem>>
    %dma_start3A_394 = arith.constant 0 : i32
    %dma_start3A_395 = arith.constant 0 : i32
    %dma_start3A_396 = tpu.memref_slice %arg2[%dma_start3A_394, %dma_start3A_395] : memref<262720x128xi32, #tpu.memory_space<hbm>> -> memref<262720x128xi32, #tpu.memory_space<hbm>>
    tpu.enqueue_indirect_dma source(%dma_start3A_396 : memref<262720x128xi32, #tpu.memory_space<hbm>>) target(%dma_start3A_390 : memref<64x128xi32, #tpu.memory_space<vmem>>) offsets(%dma_start3A_393 : memref<64xi32, #tpu.memory_space<vmem>>) semaphore(%arg8 : memref<!tpu.dma_semaphore, #tpu.memory_space<semaphore_mem>>)
    %dma_start3A_397 = arith.constant 4 : i32
    %dma_start3A_398 = arith.constant 0 : i32
    %dma_start3A_399 = arith.constant 512 : i32
    %dma_start3A_400 = tpu.memref_slice %arg6[%dma_start3A_398, %dma_start3A_399] : memref<64x640xi32, #tpu.memory_space<vmem>> -> memref<64x128xi32, #tpu.memory_space<vmem>>
    %dma_start3A_401 = arith.constant 256 : i32
    %dma_start3A_402 = tpu.memref_slice %arg5[%dma_start3A_397, %dma_start3A_401] : memref<5x512xi32, #tpu.memory_space<vmem>> -> memref<1x64xi32, #tpu.memory_space<vmem>>
    %dma_start3A_403 = tpu.memref_squeeze %dma_start3A_402 : memref<1x64xi32, #tpu.memory_space<vmem>> -> memref<64xi32, #tpu.memory_space<vmem>>
    %dma_start3A_404 = arith.constant 0 : i32
    %dma_start3A_405 = arith.constant 0 : i32
    %dma_start3A_406 = tpu.memref_slice %arg2[%dma_start3A_404, %dma_start3A_405] : memref<262720x128xi32, #tpu.memory_space<hbm>> -> memref<262720x128xi32, #tpu.memory_space<hbm>>
    tpu.enqueue_indirect_dma source(%dma_start3A_406 : memref<262720x128xi32, #tpu.memory_space<hbm>>) target(%dma_start3A_400 : memref<64x128xi32, #tpu.memory_space<vmem>>) offsets(%dma_start3A_403 : memref<64xi32, #tpu.memory_space<vmem>>) semaphore(%arg8 : memref<!tpu.dma_semaphore, #tpu.memory_space<semaphore_mem>>)
    %dma_wait3A_407 = arith.constant 0 : i32
    %dma_wait3A_408 = arith.constant 0 : i32
    %dma_wait3A_409 = arith.constant 0 : i32
    %dma_wait3A_410 = tpu.memref_slice %arg7[%dma_wait3A_408, %dma_wait3A_409] : memref<64x640xi32, #tpu.memory_space<vmem>> -> memref<64x128xi32, #tpu.memory_space<vmem>>
    %dma_wait3A_411 = arith.constant 192 : i32
    %dma_wait3A_412 = tpu.memref_slice %arg5[%dma_wait3A_407, %dma_wait3A_411] : memref<5x512xi32, #tpu.memory_space<vmem>> -> memref<1x64xi32, #tpu.memory_space<vmem>>
    %dma_wait3A_413 = tpu.memref_squeeze %dma_wait3A_412 : memref<1x64xi32, #tpu.memory_space<vmem>> -> memref<64xi32, #tpu.memory_space<vmem>>
    %dma_wait3A_414 = arith.constant 0 : i32
    %dma_wait3A_415 = arith.constant 0 : i32
    %dma_wait3A_416 = tpu.memref_slice %arg2[%dma_wait3A_414, %dma_wait3A_415] : memref<262720x128xi32, #tpu.memory_space<hbm>> -> memref<262720x128xi32, #tpu.memory_space<hbm>>
    tpu.wait_indirect_dma semaphore(%arg9 : memref<!tpu.dma_semaphore, #tpu.memory_space<semaphore_mem>>) src(%dma_wait3A_416 : memref<262720x128xi32, #tpu.memory_space<hbm>>) dst(%dma_wait3A_410 : memref<64x128xi32, #tpu.memory_space<vmem>>)
    %dma_wait3A_417 = arith.constant 1 : i32
    %dma_wait3A_418 = arith.constant 0 : i32
    %dma_wait3A_419 = arith.constant 128 : i32
    %dma_wait3A_420 = tpu.memref_slice %arg7[%dma_wait3A_418, %dma_wait3A_419] : memref<64x640xi32, #tpu.memory_space<vmem>> -> memref<64x128xi32, #tpu.memory_space<vmem>>
    %dma_wait3A_421 = arith.constant 192 : i32
    %dma_wait3A_422 = tpu.memref_slice %arg5[%dma_wait3A_417, %dma_wait3A_421] : memref<5x512xi32, #tpu.memory_space<vmem>> -> memref<1x64xi32, #tpu.memory_space<vmem>>
    %dma_wait3A_423 = tpu.memref_squeeze %dma_wait3A_422 : memref<1x64xi32, #tpu.memory_space<vmem>> -> memref<64xi32, #tpu.memory_space<vmem>>
    %dma_wait3A_424 = arith.constant 0 : i32
    %dma_wait3A_425 = arith.constant 0 : i32
    %dma_wait3A_426 = tpu.memref_slice %arg2[%dma_wait3A_424, %dma_wait3A_425] : memref<262720x128xi32, #tpu.memory_space<hbm>> -> memref<262720x128xi32, #tpu.memory_space<hbm>>
    tpu.wait_indirect_dma semaphore(%arg9 : memref<!tpu.dma_semaphore, #tpu.memory_space<semaphore_mem>>) src(%dma_wait3A_426 : memref<262720x128xi32, #tpu.memory_space<hbm>>) dst(%dma_wait3A_420 : memref<64x128xi32, #tpu.memory_space<vmem>>)
    %dma_wait3A_427 = arith.constant 2 : i32
    %dma_wait3A_428 = arith.constant 0 : i32
    %dma_wait3A_429 = arith.constant 256 : i32
    %dma_wait3A_430 = tpu.memref_slice %arg7[%dma_wait3A_428, %dma_wait3A_429] : memref<64x640xi32, #tpu.memory_space<vmem>> -> memref<64x128xi32, #tpu.memory_space<vmem>>
    %dma_wait3A_431 = arith.constant 192 : i32
    %dma_wait3A_432 = tpu.memref_slice %arg5[%dma_wait3A_427, %dma_wait3A_431] : memref<5x512xi32, #tpu.memory_space<vmem>> -> memref<1x64xi32, #tpu.memory_space<vmem>>
    %dma_wait3A_433 = tpu.memref_squeeze %dma_wait3A_432 : memref<1x64xi32, #tpu.memory_space<vmem>> -> memref<64xi32, #tpu.memory_space<vmem>>
    %dma_wait3A_434 = arith.constant 0 : i32
    %dma_wait3A_435 = arith.constant 0 : i32
    %dma_wait3A_436 = tpu.memref_slice %arg2[%dma_wait3A_434, %dma_wait3A_435] : memref<262720x128xi32, #tpu.memory_space<hbm>> -> memref<262720x128xi32, #tpu.memory_space<hbm>>
    tpu.wait_indirect_dma semaphore(%arg9 : memref<!tpu.dma_semaphore, #tpu.memory_space<semaphore_mem>>) src(%dma_wait3A_436 : memref<262720x128xi32, #tpu.memory_space<hbm>>) dst(%dma_wait3A_430 : memref<64x128xi32, #tpu.memory_space<vmem>>)
    %dma_wait3A_437 = arith.constant 3 : i32
    %dma_wait3A_438 = arith.constant 0 : i32
    %dma_wait3A_439 = arith.constant 384 : i32
    %dma_wait3A_440 = tpu.memref_slice %arg7[%dma_wait3A_438, %dma_wait3A_439] : memref<64x640xi32, #tpu.memory_space<vmem>> -> memref<64x128xi32, #tpu.memory_space<vmem>>
    %dma_wait3A_441 = arith.constant 192 : i32
    %dma_wait3A_442 = tpu.memref_slice %arg5[%dma_wait3A_437, %dma_wait3A_441] : memref<5x512xi32, #tpu.memory_space<vmem>> -> memref<1x64xi32, #tpu.memory_space<vmem>>
    %dma_wait3A_443 = tpu.memref_squeeze %dma_wait3A_442 : memref<1x64xi32, #tpu.memory_space<vmem>> -> memref<64xi32, #tpu.memory_space<vmem>>
    %dma_wait3A_444 = arith.constant 0 : i32
    %dma_wait3A_445 = arith.constant 0 : i32
    %dma_wait3A_446 = tpu.memref_slice %arg2[%dma_wait3A_444, %dma_wait3A_445] : memref<262720x128xi32, #tpu.memory_space<hbm>> -> memref<262720x128xi32, #tpu.memory_space<hbm>>
    tpu.wait_indirect_dma semaphore(%arg9 : memref<!tpu.dma_semaphore, #tpu.memory_space<semaphore_mem>>) src(%dma_wait3A_446 : memref<262720x128xi32, #tpu.memory_space<hbm>>) dst(%dma_wait3A_440 : memref<64x128xi32, #tpu.memory_space<vmem>>)
    %dma_wait3A_447 = arith.constant 4 : i32
    %dma_wait3A_448 = arith.constant 0 : i32
    %dma_wait3A_449 = arith.constant 512 : i32
    %dma_wait3A_450 = tpu.memref_slice %arg7[%dma_wait3A_448, %dma_wait3A_449] : memref<64x640xi32, #tpu.memory_space<vmem>> -> memref<64x128xi32, #tpu.memory_space<vmem>>
    %dma_wait3A_451 = arith.constant 192 : i32
    %dma_wait3A_452 = tpu.memref_slice %arg5[%dma_wait3A_447, %dma_wait3A_451] : memref<5x512xi32, #tpu.memory_space<vmem>> -> memref<1x64xi32, #tpu.memory_space<vmem>>
    %dma_wait3A_453 = tpu.memref_squeeze %dma_wait3A_452 : memref<1x64xi32, #tpu.memory_space<vmem>> -> memref<64xi32, #tpu.memory_space<vmem>>
    %dma_wait3A_454 = arith.constant 0 : i32
    %dma_wait3A_455 = arith.constant 0 : i32
    %dma_wait3A_456 = tpu.memref_slice %arg2[%dma_wait3A_454, %dma_wait3A_455] : memref<262720x128xi32, #tpu.memory_space<hbm>> -> memref<262720x128xi32, #tpu.memory_space<hbm>>
    tpu.wait_indirect_dma semaphore(%arg9 : memref<!tpu.dma_semaphore, #tpu.memory_space<semaphore_mem>>) src(%dma_wait3A_456 : memref<262720x128xi32, #tpu.memory_space<hbm>>) dst(%dma_wait3A_450 : memref<64x128xi32, #tpu.memory_space<vmem>>)
    %add3A_457 = arith.constant 192 : i32
    %add3A_458 = arith.addi %mul3A_2, %add3A_457 : i32
    "tpu.region"() ({
      %run_scoped3A = tpu.sem_alloc : memref<!tpu.dma_semaphore, #tpu.memory_space<semaphore_mem>>
      %dma_start3A_817 = arith.constant 0 : i32
      %dma_start3A_818 = tpu.memref_slice %arg4[%add3A_458, %dma_start3A_817] : memref<16384x640xi32, #tpu.memory_space<hbm>> -> memref<64x640xi32, #tpu.memory_space<hbm>>
      %dma_start3A_819 = arith.constant 0 : i32
      %dma_start3A_820 = tpu.memref_slice %arg4[%add3A_458, %dma_start3A_819] : memref<16384x640xi32, #tpu.memory_space<hbm>> -> memref<64x640xi32, #tpu.memory_space<hbm>>
      tpu.enqueue_dma source(%arg7 : memref<64x640xi32, #tpu.memory_space<vmem>>) target(%dma_start3A_820 : memref<64x640xi32, #tpu.memory_space<hbm>>) target_semaphore(%run_scoped3A : memref<!tpu.dma_semaphore, #tpu.memory_space<semaphore_mem>>)
      %dma_wait3A_821 = arith.constant 0 : i32
      %dma_wait3A_822 = tpu.memref_slice %arg4[%add3A_458, %dma_wait3A_821] : memref<16384x640xi32, #tpu.memory_space<hbm>> -> memref<64x640xi32, #tpu.memory_space<hbm>>
      %dma_wait3A_823 = arith.constant 0 : i32
      %dma_wait3A_824 = tpu.memref_slice %arg4[%add3A_458, %dma_wait3A_823] : memref<16384x640xi32, #tpu.memory_space<hbm>> -> memref<64x640xi32, #tpu.memory_space<hbm>>
      tpu.wait_dma2 semaphore(%run_scoped3A : memref<!tpu.dma_semaphore, #tpu.memory_space<semaphore_mem>>) src(%arg7 : memref<64x640xi32, #tpu.memory_space<vmem>>) dst(%dma_wait3A_824 : memref<64x640xi32, #tpu.memory_space<hbm>>)
      tpu.yield
    }) : () -> ()
    %dma_start3A_459 = arith.constant 0 : i32
    %dma_start3A_460 = arith.constant 0 : i32
    %dma_start3A_461 = arith.constant 0 : i32
    %dma_start3A_462 = tpu.memref_slice %arg7[%dma_start3A_460, %dma_start3A_461] : memref<64x640xi32, #tpu.memory_space<vmem>> -> memref<64x128xi32, #tpu.memory_space<vmem>>
    %dma_start3A_463 = arith.constant 320 : i32
    %dma_start3A_464 = tpu.memref_slice %arg5[%dma_start3A_459, %dma_start3A_463] : memref<5x512xi32, #tpu.memory_space<vmem>> -> memref<1x64xi32, #tpu.memory_space<vmem>>
    %dma_start3A_465 = tpu.memref_squeeze %dma_start3A_464 : memref<1x64xi32, #tpu.memory_space<vmem>> -> memref<64xi32, #tpu.memory_space<vmem>>
    %dma_start3A_466 = arith.constant 0 : i32
    %dma_start3A_467 = arith.constant 0 : i32
    %dma_start3A_468 = tpu.memref_slice %arg2[%dma_start3A_466, %dma_start3A_467] : memref<262720x128xi32, #tpu.memory_space<hbm>> -> memref<262720x128xi32, #tpu.memory_space<hbm>>
    tpu.enqueue_indirect_dma source(%dma_start3A_468 : memref<262720x128xi32, #tpu.memory_space<hbm>>) target(%dma_start3A_462 : memref<64x128xi32, #tpu.memory_space<vmem>>) offsets(%dma_start3A_465 : memref<64xi32, #tpu.memory_space<vmem>>) semaphore(%arg9 : memref<!tpu.dma_semaphore, #tpu.memory_space<semaphore_mem>>)
    %dma_start3A_469 = arith.constant 1 : i32
    %dma_start3A_470 = arith.constant 0 : i32
    %dma_start3A_471 = arith.constant 128 : i32
    %dma_start3A_472 = tpu.memref_slice %arg7[%dma_start3A_470, %dma_start3A_471] : memref<64x640xi32, #tpu.memory_space<vmem>> -> memref<64x128xi32, #tpu.memory_space<vmem>>
    %dma_start3A_473 = arith.constant 320 : i32
    %dma_start3A_474 = tpu.memref_slice %arg5[%dma_start3A_469, %dma_start3A_473] : memref<5x512xi32, #tpu.memory_space<vmem>> -> memref<1x64xi32, #tpu.memory_space<vmem>>
    %dma_start3A_475 = tpu.memref_squeeze %dma_start3A_474 : memref<1x64xi32, #tpu.memory_space<vmem>> -> memref<64xi32, #tpu.memory_space<vmem>>
    %dma_start3A_476 = arith.constant 0 : i32
    %dma_start3A_477 = arith.constant 0 : i32
    %dma_start3A_478 = tpu.memref_slice %arg2[%dma_start3A_476, %dma_start3A_477] : memref<262720x128xi32, #tpu.memory_space<hbm>> -> memref<262720x128xi32, #tpu.memory_space<hbm>>
    tpu.enqueue_indirect_dma source(%dma_start3A_478 : memref<262720x128xi32, #tpu.memory_space<hbm>>) target(%dma_start3A_472 : memref<64x128xi32, #tpu.memory_space<vmem>>) offsets(%dma_start3A_475 : memref<64xi32, #tpu.memory_space<vmem>>) semaphore(%arg9 : memref<!tpu.dma_semaphore, #tpu.memory_space<semaphore_mem>>)
    %dma_start3A_479 = arith.constant 2 : i32
    %dma_start3A_480 = arith.constant 0 : i32
    %dma_start3A_481 = arith.constant 256 : i32
    %dma_start3A_482 = tpu.memref_slice %arg7[%dma_start3A_480, %dma_start3A_481] : memref<64x640xi32, #tpu.memory_space<vmem>> -> memref<64x128xi32, #tpu.memory_space<vmem>>
    %dma_start3A_483 = arith.constant 320 : i32
    %dma_start3A_484 = tpu.memref_slice %arg5[%dma_start3A_479, %dma_start3A_483] : memref<5x512xi32, #tpu.memory_space<vmem>> -> memref<1x64xi32, #tpu.memory_space<vmem>>
    %dma_start3A_485 = tpu.memref_squeeze %dma_start3A_484 : memref<1x64xi32, #tpu.memory_space<vmem>> -> memref<64xi32, #tpu.memory_space<vmem>>
    %dma_start3A_486 = arith.constant 0 : i32
    %dma_start3A_487 = arith.constant 0 : i32
    %dma_start3A_488 = tpu.memref_slice %arg2[%dma_start3A_486, %dma_start3A_487] : memref<262720x128xi32, #tpu.memory_space<hbm>> -> memref<262720x128xi32, #tpu.memory_space<hbm>>
    tpu.enqueue_indirect_dma source(%dma_start3A_488 : memref<262720x128xi32, #tpu.memory_space<hbm>>) target(%dma_start3A_482 : memref<64x128xi32, #tpu.memory_space<vmem>>) offsets(%dma_start3A_485 : memref<64xi32, #tpu.memory_space<vmem>>) semaphore(%arg9 : memref<!tpu.dma_semaphore, #tpu.memory_space<semaphore_mem>>)
    %dma_start3A_489 = arith.constant 3 : i32
    %dma_start3A_490 = arith.constant 0 : i32
    %dma_start3A_491 = arith.constant 384 : i32
    %dma_start3A_492 = tpu.memref_slice %arg7[%dma_start3A_490, %dma_start3A_491] : memref<64x640xi32, #tpu.memory_space<vmem>> -> memref<64x128xi32, #tpu.memory_space<vmem>>
    %dma_start3A_493 = arith.constant 320 : i32
    %dma_start3A_494 = tpu.memref_slice %arg5[%dma_start3A_489, %dma_start3A_493] : memref<5x512xi32, #tpu.memory_space<vmem>> -> memref<1x64xi32, #tpu.memory_space<vmem>>
    %dma_start3A_495 = tpu.memref_squeeze %dma_start3A_494 : memref<1x64xi32, #tpu.memory_space<vmem>> -> memref<64xi32, #tpu.memory_space<vmem>>
    %dma_start3A_496 = arith.constant 0 : i32
    %dma_start3A_497 = arith.constant 0 : i32
    %dma_start3A_498 = tpu.memref_slice %arg2[%dma_start3A_496, %dma_start3A_497] : memref<262720x128xi32, #tpu.memory_space<hbm>> -> memref<262720x128xi32, #tpu.memory_space<hbm>>
    tpu.enqueue_indirect_dma source(%dma_start3A_498 : memref<262720x128xi32, #tpu.memory_space<hbm>>) target(%dma_start3A_492 : memref<64x128xi32, #tpu.memory_space<vmem>>) offsets(%dma_start3A_495 : memref<64xi32, #tpu.memory_space<vmem>>) semaphore(%arg9 : memref<!tpu.dma_semaphore, #tpu.memory_space<semaphore_mem>>)
    %dma_start3A_499 = arith.constant 4 : i32
    %dma_start3A_500 = arith.constant 0 : i32
    %dma_start3A_501 = arith.constant 512 : i32
    %dma_start3A_502 = tpu.memref_slice %arg7[%dma_start3A_500, %dma_start3A_501] : memref<64x640xi32, #tpu.memory_space<vmem>> -> memref<64x128xi32, #tpu.memory_space<vmem>>
    %dma_start3A_503 = arith.constant 320 : i32
    %dma_start3A_504 = tpu.memref_slice %arg5[%dma_start3A_499, %dma_start3A_503] : memref<5x512xi32, #tpu.memory_space<vmem>> -> memref<1x64xi32, #tpu.memory_space<vmem>>
    %dma_start3A_505 = tpu.memref_squeeze %dma_start3A_504 : memref<1x64xi32, #tpu.memory_space<vmem>> -> memref<64xi32, #tpu.memory_space<vmem>>
    %dma_start3A_506 = arith.constant 0 : i32
    %dma_start3A_507 = arith.constant 0 : i32
    %dma_start3A_508 = tpu.memref_slice %arg2[%dma_start3A_506, %dma_start3A_507] : memref<262720x128xi32, #tpu.memory_space<hbm>> -> memref<262720x128xi32, #tpu.memory_space<hbm>>
    tpu.enqueue_indirect_dma source(%dma_start3A_508 : memref<262720x128xi32, #tpu.memory_space<hbm>>) target(%dma_start3A_502 : memref<64x128xi32, #tpu.memory_space<vmem>>) offsets(%dma_start3A_505 : memref<64xi32, #tpu.memory_space<vmem>>) semaphore(%arg9 : memref<!tpu.dma_semaphore, #tpu.memory_space<semaphore_mem>>)
    %dma_wait3A_509 = arith.constant 0 : i32
    %dma_wait3A_510 = arith.constant 0 : i32
    %dma_wait3A_511 = arith.constant 0 : i32
    %dma_wait3A_512 = tpu.memref_slice %arg6[%dma_wait3A_510, %dma_wait3A_511] : memref<64x640xi32, #tpu.memory_space<vmem>> -> memref<64x128xi32, #tpu.memory_space<vmem>>
    %dma_wait3A_513 = arith.constant 256 : i32
    %dma_wait3A_514 = tpu.memref_slice %arg5[%dma_wait3A_509, %dma_wait3A_513] : memref<5x512xi32, #tpu.memory_space<vmem>> -> memref<1x64xi32, #tpu.memory_space<vmem>>
    %dma_wait3A_515 = tpu.memref_squeeze %dma_wait3A_514 : memref<1x64xi32, #tpu.memory_space<vmem>> -> memref<64xi32, #tpu.memory_space<vmem>>
    %dma_wait3A_516 = arith.constant 0 : i32
    %dma_wait3A_517 = arith.constant 0 : i32
    %dma_wait3A_518 = tpu.memref_slice %arg2[%dma_wait3A_516, %dma_wait3A_517] : memref<262720x128xi32, #tpu.memory_space<hbm>> -> memref<262720x128xi32, #tpu.memory_space<hbm>>
    tpu.wait_indirect_dma semaphore(%arg8 : memref<!tpu.dma_semaphore, #tpu.memory_space<semaphore_mem>>) src(%dma_wait3A_518 : memref<262720x128xi32, #tpu.memory_space<hbm>>) dst(%dma_wait3A_512 : memref<64x128xi32, #tpu.memory_space<vmem>>)
    %dma_wait3A_519 = arith.constant 1 : i32
    %dma_wait3A_520 = arith.constant 0 : i32
    %dma_wait3A_521 = arith.constant 128 : i32
    %dma_wait3A_522 = tpu.memref_slice %arg6[%dma_wait3A_520, %dma_wait3A_521] : memref<64x640xi32, #tpu.memory_space<vmem>> -> memref<64x128xi32, #tpu.memory_space<vmem>>
    %dma_wait3A_523 = arith.constant 256 : i32
    %dma_wait3A_524 = tpu.memref_slice %arg5[%dma_wait3A_519, %dma_wait3A_523] : memref<5x512xi32, #tpu.memory_space<vmem>> -> memref<1x64xi32, #tpu.memory_space<vmem>>
    %dma_wait3A_525 = tpu.memref_squeeze %dma_wait3A_524 : memref<1x64xi32, #tpu.memory_space<vmem>> -> memref<64xi32, #tpu.memory_space<vmem>>
    %dma_wait3A_526 = arith.constant 0 : i32
    %dma_wait3A_527 = arith.constant 0 : i32
    %dma_wait3A_528 = tpu.memref_slice %arg2[%dma_wait3A_526, %dma_wait3A_527] : memref<262720x128xi32, #tpu.memory_space<hbm>> -> memref<262720x128xi32, #tpu.memory_space<hbm>>
    tpu.wait_indirect_dma semaphore(%arg8 : memref<!tpu.dma_semaphore, #tpu.memory_space<semaphore_mem>>) src(%dma_wait3A_528 : memref<262720x128xi32, #tpu.memory_space<hbm>>) dst(%dma_wait3A_522 : memref<64x128xi32, #tpu.memory_space<vmem>>)
    %dma_wait3A_529 = arith.constant 2 : i32
    %dma_wait3A_530 = arith.constant 0 : i32
    %dma_wait3A_531 = arith.constant 256 : i32
    %dma_wait3A_532 = tpu.memref_slice %arg6[%dma_wait3A_530, %dma_wait3A_531] : memref<64x640xi32, #tpu.memory_space<vmem>> -> memref<64x128xi32, #tpu.memory_space<vmem>>
    %dma_wait3A_533 = arith.constant 256 : i32
    %dma_wait3A_534 = tpu.memref_slice %arg5[%dma_wait3A_529, %dma_wait3A_533] : memref<5x512xi32, #tpu.memory_space<vmem>> -> memref<1x64xi32, #tpu.memory_space<vmem>>
    %dma_wait3A_535 = tpu.memref_squeeze %dma_wait3A_534 : memref<1x64xi32, #tpu.memory_space<vmem>> -> memref<64xi32, #tpu.memory_space<vmem>>
    %dma_wait3A_536 = arith.constant 0 : i32
    %dma_wait3A_537 = arith.constant 0 : i32
    %dma_wait3A_538 = tpu.memref_slice %arg2[%dma_wait3A_536, %dma_wait3A_537] : memref<262720x128xi32, #tpu.memory_space<hbm>> -> memref<262720x128xi32, #tpu.memory_space<hbm>>
    tpu.wait_indirect_dma semaphore(%arg8 : memref<!tpu.dma_semaphore, #tpu.memory_space<semaphore_mem>>) src(%dma_wait3A_538 : memref<262720x128xi32, #tpu.memory_space<hbm>>) dst(%dma_wait3A_532 : memref<64x128xi32, #tpu.memory_space<vmem>>)
    %dma_wait3A_539 = arith.constant 3 : i32
    %dma_wait3A_540 = arith.constant 0 : i32
    %dma_wait3A_541 = arith.constant 384 : i32
    %dma_wait3A_542 = tpu.memref_slice %arg6[%dma_wait3A_540, %dma_wait3A_541] : memref<64x640xi32, #tpu.memory_space<vmem>> -> memref<64x128xi32, #tpu.memory_space<vmem>>
    %dma_wait3A_543 = arith.constant 256 : i32
    %dma_wait3A_544 = tpu.memref_slice %arg5[%dma_wait3A_539, %dma_wait3A_543] : memref<5x512xi32, #tpu.memory_space<vmem>> -> memref<1x64xi32, #tpu.memory_space<vmem>>
    %dma_wait3A_545 = tpu.memref_squeeze %dma_wait3A_544 : memref<1x64xi32, #tpu.memory_space<vmem>> -> memref<64xi32, #tpu.memory_space<vmem>>
    %dma_wait3A_546 = arith.constant 0 : i32
    %dma_wait3A_547 = arith.constant 0 : i32
    %dma_wait3A_548 = tpu.memref_slice %arg2[%dma_wait3A_546, %dma_wait3A_547] : memref<262720x128xi32, #tpu.memory_space<hbm>> -> memref<262720x128xi32, #tpu.memory_space<hbm>>
    tpu.wait_indirect_dma semaphore(%arg8 : memref<!tpu.dma_semaphore, #tpu.memory_space<semaphore_mem>>) src(%dma_wait3A_548 : memref<262720x128xi32, #tpu.memory_space<hbm>>) dst(%dma_wait3A_542 : memref<64x128xi32, #tpu.memory_space<vmem>>)
    %dma_wait3A_549 = arith.constant 4 : i32
    %dma_wait3A_550 = arith.constant 0 : i32
    %dma_wait3A_551 = arith.constant 512 : i32
    %dma_wait3A_552 = tpu.memref_slice %arg6[%dma_wait3A_550, %dma_wait3A_551] : memref<64x640xi32, #tpu.memory_space<vmem>> -> memref<64x128xi32, #tpu.memory_space<vmem>>
    %dma_wait3A_553 = arith.constant 256 : i32
    %dma_wait3A_554 = tpu.memref_slice %arg5[%dma_wait3A_549, %dma_wait3A_553] : memref<5x512xi32, #tpu.memory_space<vmem>> -> memref<1x64xi32, #tpu.memory_space<vmem>>
    %dma_wait3A_555 = tpu.memref_squeeze %dma_wait3A_554 : memref<1x64xi32, #tpu.memory_space<vmem>> -> memref<64xi32, #tpu.memory_space<vmem>>
    %dma_wait3A_556 = arith.constant 0 : i32
    %dma_wait3A_557 = arith.constant 0 : i32
    %dma_wait3A_558 = tpu.memref_slice %arg2[%dma_wait3A_556, %dma_wait3A_557] : memref<262720x128xi32, #tpu.memory_space<hbm>> -> memref<262720x128xi32, #tpu.memory_space<hbm>>
    tpu.wait_indirect_dma semaphore(%arg8 : memref<!tpu.dma_semaphore, #tpu.memory_space<semaphore_mem>>) src(%dma_wait3A_558 : memref<262720x128xi32, #tpu.memory_space<hbm>>) dst(%dma_wait3A_552 : memref<64x128xi32, #tpu.memory_space<vmem>>)
    %add3A_559 = arith.constant 256 : i32
    %add3A_560 = arith.addi %mul3A_2, %add3A_559 : i32
    "tpu.region"() ({
      %run_scoped3A = tpu.sem_alloc : memref<!tpu.dma_semaphore, #tpu.memory_space<semaphore_mem>>
      %dma_start3A_817 = arith.constant 0 : i32
      %dma_start3A_818 = tpu.memref_slice %arg4[%add3A_560, %dma_start3A_817] : memref<16384x640xi32, #tpu.memory_space<hbm>> -> memref<64x640xi32, #tpu.memory_space<hbm>>
      %dma_start3A_819 = arith.constant 0 : i32
      %dma_start3A_820 = tpu.memref_slice %arg4[%add3A_560, %dma_start3A_819] : memref<16384x640xi32, #tpu.memory_space<hbm>> -> memref<64x640xi32, #tpu.memory_space<hbm>>
      tpu.enqueue_dma source(%arg6 : memref<64x640xi32, #tpu.memory_space<vmem>>) target(%dma_start3A_820 : memref<64x640xi32, #tpu.memory_space<hbm>>) target_semaphore(%run_scoped3A : memref<!tpu.dma_semaphore, #tpu.memory_space<semaphore_mem>>)
      %dma_wait3A_821 = arith.constant 0 : i32
      %dma_wait3A_822 = tpu.memref_slice %arg4[%add3A_560, %dma_wait3A_821] : memref<16384x640xi32, #tpu.memory_space<hbm>> -> memref<64x640xi32, #tpu.memory_space<hbm>>
      %dma_wait3A_823 = arith.constant 0 : i32
      %dma_wait3A_824 = tpu.memref_slice %arg4[%add3A_560, %dma_wait3A_823] : memref<16384x640xi32, #tpu.memory_space<hbm>> -> memref<64x640xi32, #tpu.memory_space<hbm>>
      tpu.wait_dma2 semaphore(%run_scoped3A : memref<!tpu.dma_semaphore, #tpu.memory_space<semaphore_mem>>) src(%arg6 : memref<64x640xi32, #tpu.memory_space<vmem>>) dst(%dma_wait3A_824 : memref<64x640xi32, #tpu.memory_space<hbm>>)
      tpu.yield
    }) : () -> ()
    %dma_start3A_561 = arith.constant 0 : i32
    %dma_start3A_562 = arith.constant 0 : i32
    %dma_start3A_563 = arith.constant 0 : i32
    %dma_start3A_564 = tpu.memref_slice %arg6[%dma_start3A_562, %dma_start3A_563] : memref<64x640xi32, #tpu.memory_space<vmem>> -> memref<64x128xi32, #tpu.memory_space<vmem>>
    %dma_start3A_565 = arith.constant 384 : i32
    %dma_start3A_566 = tpu.memref_slice %arg5[%dma_start3A_561, %dma_start3A_565] : memref<5x512xi32, #tpu.memory_space<vmem>> -> memref<1x64xi32, #tpu.memory_space<vmem>>
    %dma_start3A_567 = tpu.memref_squeeze %dma_start3A_566 : memref<1x64xi32, #tpu.memory_space<vmem>> -> memref<64xi32, #tpu.memory_space<vmem>>
    %dma_start3A_568 = arith.constant 0 : i32
    %dma_start3A_569 = arith.constant 0 : i32
    %dma_start3A_570 = tpu.memref_slice %arg2[%dma_start3A_568, %dma_start3A_569] : memref<262720x128xi32, #tpu.memory_space<hbm>> -> memref<262720x128xi32, #tpu.memory_space<hbm>>
    tpu.enqueue_indirect_dma source(%dma_start3A_570 : memref<262720x128xi32, #tpu.memory_space<hbm>>) target(%dma_start3A_564 : memref<64x128xi32, #tpu.memory_space<vmem>>) offsets(%dma_start3A_567 : memref<64xi32, #tpu.memory_space<vmem>>) semaphore(%arg8 : memref<!tpu.dma_semaphore, #tpu.memory_space<semaphore_mem>>)
    %dma_start3A_571 = arith.constant 1 : i32
    %dma_start3A_572 = arith.constant 0 : i32
    %dma_start3A_573 = arith.constant 128 : i32
    %dma_start3A_574 = tpu.memref_slice %arg6[%dma_start3A_572, %dma_start3A_573] : memref<64x640xi32, #tpu.memory_space<vmem>> -> memref<64x128xi32, #tpu.memory_space<vmem>>
    %dma_start3A_575 = arith.constant 384 : i32
    %dma_start3A_576 = tpu.memref_slice %arg5[%dma_start3A_571, %dma_start3A_575] : memref<5x512xi32, #tpu.memory_space<vmem>> -> memref<1x64xi32, #tpu.memory_space<vmem>>
    %dma_start3A_577 = tpu.memref_squeeze %dma_start3A_576 : memref<1x64xi32, #tpu.memory_space<vmem>> -> memref<64xi32, #tpu.memory_space<vmem>>
    %dma_start3A_578 = arith.constant 0 : i32
    %dma_start3A_579 = arith.constant 0 : i32
    %dma_start3A_580 = tpu.memref_slice %arg2[%dma_start3A_578, %dma_start3A_579] : memref<262720x128xi32, #tpu.memory_space<hbm>> -> memref<262720x128xi32, #tpu.memory_space<hbm>>
    tpu.enqueue_indirect_dma source(%dma_start3A_580 : memref<262720x128xi32, #tpu.memory_space<hbm>>) target(%dma_start3A_574 : memref<64x128xi32, #tpu.memory_space<vmem>>) offsets(%dma_start3A_577 : memref<64xi32, #tpu.memory_space<vmem>>) semaphore(%arg8 : memref<!tpu.dma_semaphore, #tpu.memory_space<semaphore_mem>>)
    %dma_start3A_581 = arith.constant 2 : i32
    %dma_start3A_582 = arith.constant 0 : i32
    %dma_start3A_583 = arith.constant 256 : i32
    %dma_start3A_584 = tpu.memref_slice %arg6[%dma_start3A_582, %dma_start3A_583] : memref<64x640xi32, #tpu.memory_space<vmem>> -> memref<64x128xi32, #tpu.memory_space<vmem>>
    %dma_start3A_585 = arith.constant 384 : i32
    %dma_start3A_586 = tpu.memref_slice %arg5[%dma_start3A_581, %dma_start3A_585] : memref<5x512xi32, #tpu.memory_space<vmem>> -> memref<1x64xi32, #tpu.memory_space<vmem>>
    %dma_start3A_587 = tpu.memref_squeeze %dma_start3A_586 : memref<1x64xi32, #tpu.memory_space<vmem>> -> memref<64xi32, #tpu.memory_space<vmem>>
    %dma_start3A_588 = arith.constant 0 : i32
    %dma_start3A_589 = arith.constant 0 : i32
    %dma_start3A_590 = tpu.memref_slice %arg2[%dma_start3A_588, %dma_start3A_589] : memref<262720x128xi32, #tpu.memory_space<hbm>> -> memref<262720x128xi32, #tpu.memory_space<hbm>>
    tpu.enqueue_indirect_dma source(%dma_start3A_590 : memref<262720x128xi32, #tpu.memory_space<hbm>>) target(%dma_start3A_584 : memref<64x128xi32, #tpu.memory_space<vmem>>) offsets(%dma_start3A_587 : memref<64xi32, #tpu.memory_space<vmem>>) semaphore(%arg8 : memref<!tpu.dma_semaphore, #tpu.memory_space<semaphore_mem>>)
    %dma_start3A_591 = arith.constant 3 : i32
    %dma_start3A_592 = arith.constant 0 : i32
    %dma_start3A_593 = arith.constant 384 : i32
    %dma_start3A_594 = tpu.memref_slice %arg6[%dma_start3A_592, %dma_start3A_593] : memref<64x640xi32, #tpu.memory_space<vmem>> -> memref<64x128xi32, #tpu.memory_space<vmem>>
    %dma_start3A_595 = arith.constant 384 : i32
    %dma_start3A_596 = tpu.memref_slice %arg5[%dma_start3A_591, %dma_start3A_595] : memref<5x512xi32, #tpu.memory_space<vmem>> -> memref<1x64xi32, #tpu.memory_space<vmem>>
    %dma_start3A_597 = tpu.memref_squeeze %dma_start3A_596 : memref<1x64xi32, #tpu.memory_space<vmem>> -> memref<64xi32, #tpu.memory_space<vmem>>
    %dma_start3A_598 = arith.constant 0 : i32
    %dma_start3A_599 = arith.constant 0 : i32
    %dma_start3A_600 = tpu.memref_slice %arg2[%dma_start3A_598, %dma_start3A_599] : memref<262720x128xi32, #tpu.memory_space<hbm>> -> memref<262720x128xi32, #tpu.memory_space<hbm>>
    tpu.enqueue_indirect_dma source(%dma_start3A_600 : memref<262720x128xi32, #tpu.memory_space<hbm>>) target(%dma_start3A_594 : memref<64x128xi32, #tpu.memory_space<vmem>>) offsets(%dma_start3A_597 : memref<64xi32, #tpu.memory_space<vmem>>) semaphore(%arg8 : memref<!tpu.dma_semaphore, #tpu.memory_space<semaphore_mem>>)
    %dma_start3A_601 = arith.constant 4 : i32
    %dma_start3A_602 = arith.constant 0 : i32
    %dma_start3A_603 = arith.constant 512 : i32
    %dma_start3A_604 = tpu.memref_slice %arg6[%dma_start3A_602, %dma_start3A_603] : memref<64x640xi32, #tpu.memory_space<vmem>> -> memref<64x128xi32, #tpu.memory_space<vmem>>
    %dma_start3A_605 = arith.constant 384 : i32
    %dma_start3A_606 = tpu.memref_slice %arg5[%dma_start3A_601, %dma_start3A_605] : memref<5x512xi32, #tpu.memory_space<vmem>> -> memref<1x64xi32, #tpu.memory_space<vmem>>
    %dma_start3A_607 = tpu.memref_squeeze %dma_start3A_606 : memref<1x64xi32, #tpu.memory_space<vmem>> -> memref<64xi32, #tpu.memory_space<vmem>>
    %dma_start3A_608 = arith.constant 0 : i32
    %dma_start3A_609 = arith.constant 0 : i32
    %dma_start3A_610 = tpu.memref_slice %arg2[%dma_start3A_608, %dma_start3A_609] : memref<262720x128xi32, #tpu.memory_space<hbm>> -> memref<262720x128xi32, #tpu.memory_space<hbm>>
    tpu.enqueue_indirect_dma source(%dma_start3A_610 : memref<262720x128xi32, #tpu.memory_space<hbm>>) target(%dma_start3A_604 : memref<64x128xi32, #tpu.memory_space<vmem>>) offsets(%dma_start3A_607 : memref<64xi32, #tpu.memory_space<vmem>>) semaphore(%arg8 : memref<!tpu.dma_semaphore, #tpu.memory_space<semaphore_mem>>)
    %dma_wait3A_611 = arith.constant 0 : i32
    %dma_wait3A_612 = arith.constant 0 : i32
    %dma_wait3A_613 = arith.constant 0 : i32
    %dma_wait3A_614 = tpu.memref_slice %arg7[%dma_wait3A_612, %dma_wait3A_613] : memref<64x640xi32, #tpu.memory_space<vmem>> -> memref<64x128xi32, #tpu.memory_space<vmem>>
    %dma_wait3A_615 = arith.constant 320 : i32
    %dma_wait3A_616 = tpu.memref_slice %arg5[%dma_wait3A_611, %dma_wait3A_615] : memref<5x512xi32, #tpu.memory_space<vmem>> -> memref<1x64xi32, #tpu.memory_space<vmem>>
    %dma_wait3A_617 = tpu.memref_squeeze %dma_wait3A_616 : memref<1x64xi32, #tpu.memory_space<vmem>> -> memref<64xi32, #tpu.memory_space<vmem>>
    %dma_wait3A_618 = arith.constant 0 : i32
    %dma_wait3A_619 = arith.constant 0 : i32
    %dma_wait3A_620 = tpu.memref_slice %arg2[%dma_wait3A_618, %dma_wait3A_619] : memref<262720x128xi32, #tpu.memory_space<hbm>> -> memref<262720x128xi32, #tpu.memory_space<hbm>>
    tpu.wait_indirect_dma semaphore(%arg9 : memref<!tpu.dma_semaphore, #tpu.memory_space<semaphore_mem>>) src(%dma_wait3A_620 : memref<262720x128xi32, #tpu.memory_space<hbm>>) dst(%dma_wait3A_614 : memref<64x128xi32, #tpu.memory_space<vmem>>)
    %dma_wait3A_621 = arith.constant 1 : i32
    %dma_wait3A_622 = arith.constant 0 : i32
    %dma_wait3A_623 = arith.constant 128 : i32
    %dma_wait3A_624 = tpu.memref_slice %arg7[%dma_wait3A_622, %dma_wait3A_623] : memref<64x640xi32, #tpu.memory_space<vmem>> -> memref<64x128xi32, #tpu.memory_space<vmem>>
    %dma_wait3A_625 = arith.constant 320 : i32
    %dma_wait3A_626 = tpu.memref_slice %arg5[%dma_wait3A_621, %dma_wait3A_625] : memref<5x512xi32, #tpu.memory_space<vmem>> -> memref<1x64xi32, #tpu.memory_space<vmem>>
    %dma_wait3A_627 = tpu.memref_squeeze %dma_wait3A_626 : memref<1x64xi32, #tpu.memory_space<vmem>> -> memref<64xi32, #tpu.memory_space<vmem>>
    %dma_wait3A_628 = arith.constant 0 : i32
    %dma_wait3A_629 = arith.constant 0 : i32
    %dma_wait3A_630 = tpu.memref_slice %arg2[%dma_wait3A_628, %dma_wait3A_629] : memref<262720x128xi32, #tpu.memory_space<hbm>> -> memref<262720x128xi32, #tpu.memory_space<hbm>>
    tpu.wait_indirect_dma semaphore(%arg9 : memref<!tpu.dma_semaphore, #tpu.memory_space<semaphore_mem>>) src(%dma_wait3A_630 : memref<262720x128xi32, #tpu.memory_space<hbm>>) dst(%dma_wait3A_624 : memref<64x128xi32, #tpu.memory_space<vmem>>)
    %dma_wait3A_631 = arith.constant 2 : i32
    %dma_wait3A_632 = arith.constant 0 : i32
    %dma_wait3A_633 = arith.constant 256 : i32
    %dma_wait3A_634 = tpu.memref_slice %arg7[%dma_wait3A_632, %dma_wait3A_633] : memref<64x640xi32, #tpu.memory_space<vmem>> -> memref<64x128xi32, #tpu.memory_space<vmem>>
    %dma_wait3A_635 = arith.constant 320 : i32
    %dma_wait3A_636 = tpu.memref_slice %arg5[%dma_wait3A_631, %dma_wait3A_635] : memref<5x512xi32, #tpu.memory_space<vmem>> -> memref<1x64xi32, #tpu.memory_space<vmem>>
    %dma_wait3A_637 = tpu.memref_squeeze %dma_wait3A_636 : memref<1x64xi32, #tpu.memory_space<vmem>> -> memref<64xi32, #tpu.memory_space<vmem>>
    %dma_wait3A_638 = arith.constant 0 : i32
    %dma_wait3A_639 = arith.constant 0 : i32
    %dma_wait3A_640 = tpu.memref_slice %arg2[%dma_wait3A_638, %dma_wait3A_639] : memref<262720x128xi32, #tpu.memory_space<hbm>> -> memref<262720x128xi32, #tpu.memory_space<hbm>>
    tpu.wait_indirect_dma semaphore(%arg9 : memref<!tpu.dma_semaphore, #tpu.memory_space<semaphore_mem>>) src(%dma_wait3A_640 : memref<262720x128xi32, #tpu.memory_space<hbm>>) dst(%dma_wait3A_634 : memref<64x128xi32, #tpu.memory_space<vmem>>)
    %dma_wait3A_641 = arith.constant 3 : i32
    %dma_wait3A_642 = arith.constant 0 : i32
    %dma_wait3A_643 = arith.constant 384 : i32
    %dma_wait3A_644 = tpu.memref_slice %arg7[%dma_wait3A_642, %dma_wait3A_643] : memref<64x640xi32, #tpu.memory_space<vmem>> -> memref<64x128xi32, #tpu.memory_space<vmem>>
    %dma_wait3A_645 = arith.constant 320 : i32
    %dma_wait3A_646 = tpu.memref_slice %arg5[%dma_wait3A_641, %dma_wait3A_645] : memref<5x512xi32, #tpu.memory_space<vmem>> -> memref<1x64xi32, #tpu.memory_space<vmem>>
    %dma_wait3A_647 = tpu.memref_squeeze %dma_wait3A_646 : memref<1x64xi32, #tpu.memory_space<vmem>> -> memref<64xi32, #tpu.memory_space<vmem>>
    %dma_wait3A_648 = arith.constant 0 : i32
    %dma_wait3A_649 = arith.constant 0 : i32
    %dma_wait3A_650 = tpu.memref_slice %arg2[%dma_wait3A_648, %dma_wait3A_649] : memref<262720x128xi32, #tpu.memory_space<hbm>> -> memref<262720x128xi32, #tpu.memory_space<hbm>>
    tpu.wait_indirect_dma semaphore(%arg9 : memref<!tpu.dma_semaphore, #tpu.memory_space<semaphore_mem>>) src(%dma_wait3A_650 : memref<262720x128xi32, #tpu.memory_space<hbm>>) dst(%dma_wait3A_644 : memref<64x128xi32, #tpu.memory_space<vmem>>)
    %dma_wait3A_651 = arith.constant 4 : i32
    %dma_wait3A_652 = arith.constant 0 : i32
    %dma_wait3A_653 = arith.constant 512 : i32
    %dma_wait3A_654 = tpu.memref_slice %arg7[%dma_wait3A_652, %dma_wait3A_653] : memref<64x640xi32, #tpu.memory_space<vmem>> -> memref<64x128xi32, #tpu.memory_space<vmem>>
    %dma_wait3A_655 = arith.constant 320 : i32
    %dma_wait3A_656 = tpu.memref_slice %arg5[%dma_wait3A_651, %dma_wait3A_655] : memref<5x512xi32, #tpu.memory_space<vmem>> -> memref<1x64xi32, #tpu.memory_space<vmem>>
    %dma_wait3A_657 = tpu.memref_squeeze %dma_wait3A_656 : memref<1x64xi32, #tpu.memory_space<vmem>> -> memref<64xi32, #tpu.memory_space<vmem>>
    %dma_wait3A_658 = arith.constant 0 : i32
    %dma_wait3A_659 = arith.constant 0 : i32
    %dma_wait3A_660 = tpu.memref_slice %arg2[%dma_wait3A_658, %dma_wait3A_659] : memref<262720x128xi32, #tpu.memory_space<hbm>> -> memref<262720x128xi32, #tpu.memory_space<hbm>>
    tpu.wait_indirect_dma semaphore(%arg9 : memref<!tpu.dma_semaphore, #tpu.memory_space<semaphore_mem>>) src(%dma_wait3A_660 : memref<262720x128xi32, #tpu.memory_space<hbm>>) dst(%dma_wait3A_654 : memref<64x128xi32, #tpu.memory_space<vmem>>)
    %add3A_661 = arith.constant 320 : i32
    %add3A_662 = arith.addi %mul3A_2, %add3A_661 : i32
    "tpu.region"() ({
      %run_scoped3A = tpu.sem_alloc : memref<!tpu.dma_semaphore, #tpu.memory_space<semaphore_mem>>
      %dma_start3A_817 = arith.constant 0 : i32
      %dma_start3A_818 = tpu.memref_slice %arg4[%add3A_662, %dma_start3A_817] : memref<16384x640xi32, #tpu.memory_space<hbm>> -> memref<64x640xi32, #tpu.memory_space<hbm>>
      %dma_start3A_819 = arith.constant 0 : i32
      %dma_start3A_820 = tpu.memref_slice %arg4[%add3A_662, %dma_start3A_819] : memref<16384x640xi32, #tpu.memory_space<hbm>> -> memref<64x640xi32, #tpu.memory_space<hbm>>
      tpu.enqueue_dma source(%arg7 : memref<64x640xi32, #tpu.memory_space<vmem>>) target(%dma_start3A_820 : memref<64x640xi32, #tpu.memory_space<hbm>>) target_semaphore(%run_scoped3A : memref<!tpu.dma_semaphore, #tpu.memory_space<semaphore_mem>>)
      %dma_wait3A_821 = arith.constant 0 : i32
      %dma_wait3A_822 = tpu.memref_slice %arg4[%add3A_662, %dma_wait3A_821] : memref<16384x640xi32, #tpu.memory_space<hbm>> -> memref<64x640xi32, #tpu.memory_space<hbm>>
      %dma_wait3A_823 = arith.constant 0 : i32
      %dma_wait3A_824 = tpu.memref_slice %arg4[%add3A_662, %dma_wait3A_823] : memref<16384x640xi32, #tpu.memory_space<hbm>> -> memref<64x640xi32, #tpu.memory_space<hbm>>
      tpu.wait_dma2 semaphore(%run_scoped3A : memref<!tpu.dma_semaphore, #tpu.memory_space<semaphore_mem>>) src(%arg7 : memref<64x640xi32, #tpu.memory_space<vmem>>) dst(%dma_wait3A_824 : memref<64x640xi32, #tpu.memory_space<hbm>>)
      tpu.yield
    }) : () -> ()
    %dma_start3A_663 = arith.constant 0 : i32
    %dma_start3A_664 = arith.constant 0 : i32
    %dma_start3A_665 = arith.constant 0 : i32
    %dma_start3A_666 = tpu.memref_slice %arg7[%dma_start3A_664, %dma_start3A_665] : memref<64x640xi32, #tpu.memory_space<vmem>> -> memref<64x128xi32, #tpu.memory_space<vmem>>
    %dma_start3A_667 = arith.constant 448 : i32
    %dma_start3A_668 = tpu.memref_slice %arg5[%dma_start3A_663, %dma_start3A_667] : memref<5x512xi32, #tpu.memory_space<vmem>> -> memref<1x64xi32, #tpu.memory_space<vmem>>
    %dma_start3A_669 = tpu.memref_squeeze %dma_start3A_668 : memref<1x64xi32, #tpu.memory_space<vmem>> -> memref<64xi32, #tpu.memory_space<vmem>>
    %dma_start3A_670 = arith.constant 0 : i32
    %dma_start3A_671 = arith.constant 0 : i32
    %dma_start3A_672 = tpu.memref_slice %arg2[%dma_start3A_670, %dma_start3A_671] : memref<262720x128xi32, #tpu.memory_space<hbm>> -> memref<262720x128xi32, #tpu.memory_space<hbm>>
    tpu.enqueue_indirect_dma source(%dma_start3A_672 : memref<262720x128xi32, #tpu.memory_space<hbm>>) target(%dma_start3A_666 : memref<64x128xi32, #tpu.memory_space<vmem>>) offsets(%dma_start3A_669 : memref<64xi32, #tpu.memory_space<vmem>>) semaphore(%arg9 : memref<!tpu.dma_semaphore, #tpu.memory_space<semaphore_mem>>)
    %dma_start3A_673 = arith.constant 1 : i32
    %dma_start3A_674 = arith.constant 0 : i32
    %dma_start3A_675 = arith.constant 128 : i32
    %dma_start3A_676 = tpu.memref_slice %arg7[%dma_start3A_674, %dma_start3A_675] : memref<64x640xi32, #tpu.memory_space<vmem>> -> memref<64x128xi32, #tpu.memory_space<vmem>>
    %dma_start3A_677 = arith.constant 448 : i32
    %dma_start3A_678 = tpu.memref_slice %arg5[%dma_start3A_673, %dma_start3A_677] : memref<5x512xi32, #tpu.memory_space<vmem>> -> memref<1x64xi32, #tpu.memory_space<vmem>>
    %dma_start3A_679 = tpu.memref_squeeze %dma_start3A_678 : memref<1x64xi32, #tpu.memory_space<vmem>> -> memref<64xi32, #tpu.memory_space<vmem>>
    %dma_start3A_680 = arith.constant 0 : i32
    %dma_start3A_681 = arith.constant 0 : i32
    %dma_start3A_682 = tpu.memref_slice %arg2[%dma_start3A_680, %dma_start3A_681] : memref<262720x128xi32, #tpu.memory_space<hbm>> -> memref<262720x128xi32, #tpu.memory_space<hbm>>
    tpu.enqueue_indirect_dma source(%dma_start3A_682 : memref<262720x128xi32, #tpu.memory_space<hbm>>) target(%dma_start3A_676 : memref<64x128xi32, #tpu.memory_space<vmem>>) offsets(%dma_start3A_679 : memref<64xi32, #tpu.memory_space<vmem>>) semaphore(%arg9 : memref<!tpu.dma_semaphore, #tpu.memory_space<semaphore_mem>>)
    %dma_start3A_683 = arith.constant 2 : i32
    %dma_start3A_684 = arith.constant 0 : i32
    %dma_start3A_685 = arith.constant 256 : i32
    %dma_start3A_686 = tpu.memref_slice %arg7[%dma_start3A_684, %dma_start3A_685] : memref<64x640xi32, #tpu.memory_space<vmem>> -> memref<64x128xi32, #tpu.memory_space<vmem>>
    %dma_start3A_687 = arith.constant 448 : i32
    %dma_start3A_688 = tpu.memref_slice %arg5[%dma_start3A_683, %dma_start3A_687] : memref<5x512xi32, #tpu.memory_space<vmem>> -> memref<1x64xi32, #tpu.memory_space<vmem>>
    %dma_start3A_689 = tpu.memref_squeeze %dma_start3A_688 : memref<1x64xi32, #tpu.memory_space<vmem>> -> memref<64xi32, #tpu.memory_space<vmem>>
    %dma_start3A_690 = arith.constant 0 : i32
    %dma_start3A_691 = arith.constant 0 : i32
    %dma_start3A_692 = tpu.memref_slice %arg2[%dma_start3A_690, %dma_start3A_691] : memref<262720x128xi32, #tpu.memory_space<hbm>> -> memref<262720x128xi32, #tpu.memory_space<hbm>>
    tpu.enqueue_indirect_dma source(%dma_start3A_692 : memref<262720x128xi32, #tpu.memory_space<hbm>>) target(%dma_start3A_686 : memref<64x128xi32, #tpu.memory_space<vmem>>) offsets(%dma_start3A_689 : memref<64xi32, #tpu.memory_space<vmem>>) semaphore(%arg9 : memref<!tpu.dma_semaphore, #tpu.memory_space<semaphore_mem>>)
    %dma_start3A_693 = arith.constant 3 : i32
    %dma_start3A_694 = arith.constant 0 : i32
    %dma_start3A_695 = arith.constant 384 : i32
    %dma_start3A_696 = tpu.memref_slice %arg7[%dma_start3A_694, %dma_start3A_695] : memref<64x640xi32, #tpu.memory_space<vmem>> -> memref<64x128xi32, #tpu.memory_space<vmem>>
    %dma_start3A_697 = arith.constant 448 : i32
    %dma_start3A_698 = tpu.memref_slice %arg5[%dma_start3A_693, %dma_start3A_697] : memref<5x512xi32, #tpu.memory_space<vmem>> -> memref<1x64xi32, #tpu.memory_space<vmem>>
    %dma_start3A_699 = tpu.memref_squeeze %dma_start3A_698 : memref<1x64xi32, #tpu.memory_space<vmem>> -> memref<64xi32, #tpu.memory_space<vmem>>
    %dma_start3A_700 = arith.constant 0 : i32
    %dma_start3A_701 = arith.constant 0 : i32
    %dma_start3A_702 = tpu.memref_slice %arg2[%dma_start3A_700, %dma_start3A_701] : memref<262720x128xi32, #tpu.memory_space<hbm>> -> memref<262720x128xi32, #tpu.memory_space<hbm>>
    tpu.enqueue_indirect_dma source(%dma_start3A_702 : memref<262720x128xi32, #tpu.memory_space<hbm>>) target(%dma_start3A_696 : memref<64x128xi32, #tpu.memory_space<vmem>>) offsets(%dma_start3A_699 : memref<64xi32, #tpu.memory_space<vmem>>) semaphore(%arg9 : memref<!tpu.dma_semaphore, #tpu.memory_space<semaphore_mem>>)
    %dma_start3A_703 = arith.constant 4 : i32
    %dma_start3A_704 = arith.constant 0 : i32
    %dma_start3A_705 = arith.constant 512 : i32
    %dma_start3A_706 = tpu.memref_slice %arg7[%dma_start3A_704, %dma_start3A_705] : memref<64x640xi32, #tpu.memory_space<vmem>> -> memref<64x128xi32, #tpu.memory_space<vmem>>
    %dma_start3A_707 = arith.constant 448 : i32
    %dma_start3A_708 = tpu.memref_slice %arg5[%dma_start3A_703, %dma_start3A_707] : memref<5x512xi32, #tpu.memory_space<vmem>> -> memref<1x64xi32, #tpu.memory_space<vmem>>
    %dma_start3A_709 = tpu.memref_squeeze %dma_start3A_708 : memref<1x64xi32, #tpu.memory_space<vmem>> -> memref<64xi32, #tpu.memory_space<vmem>>
    %dma_start3A_710 = arith.constant 0 : i32
    %dma_start3A_711 = arith.constant 0 : i32
    %dma_start3A_712 = tpu.memref_slice %arg2[%dma_start3A_710, %dma_start3A_711] : memref<262720x128xi32, #tpu.memory_space<hbm>> -> memref<262720x128xi32, #tpu.memory_space<hbm>>
    tpu.enqueue_indirect_dma source(%dma_start3A_712 : memref<262720x128xi32, #tpu.memory_space<hbm>>) target(%dma_start3A_706 : memref<64x128xi32, #tpu.memory_space<vmem>>) offsets(%dma_start3A_709 : memref<64xi32, #tpu.memory_space<vmem>>) semaphore(%arg9 : memref<!tpu.dma_semaphore, #tpu.memory_space<semaphore_mem>>)
    %dma_wait3A_713 = arith.constant 0 : i32
    %dma_wait3A_714 = arith.constant 0 : i32
    %dma_wait3A_715 = arith.constant 0 : i32
    %dma_wait3A_716 = tpu.memref_slice %arg6[%dma_wait3A_714, %dma_wait3A_715] : memref<64x640xi32, #tpu.memory_space<vmem>> -> memref<64x128xi32, #tpu.memory_space<vmem>>
    %dma_wait3A_717 = arith.constant 384 : i32
    %dma_wait3A_718 = tpu.memref_slice %arg5[%dma_wait3A_713, %dma_wait3A_717] : memref<5x512xi32, #tpu.memory_space<vmem>> -> memref<1x64xi32, #tpu.memory_space<vmem>>
    %dma_wait3A_719 = tpu.memref_squeeze %dma_wait3A_718 : memref<1x64xi32, #tpu.memory_space<vmem>> -> memref<64xi32, #tpu.memory_space<vmem>>
    %dma_wait3A_720 = arith.constant 0 : i32
    %dma_wait3A_721 = arith.constant 0 : i32
    %dma_wait3A_722 = tpu.memref_slice %arg2[%dma_wait3A_720, %dma_wait3A_721] : memref<262720x128xi32, #tpu.memory_space<hbm>> -> memref<262720x128xi32, #tpu.memory_space<hbm>>
    tpu.wait_indirect_dma semaphore(%arg8 : memref<!tpu.dma_semaphore, #tpu.memory_space<semaphore_mem>>) src(%dma_wait3A_722 : memref<262720x128xi32, #tpu.memory_space<hbm>>) dst(%dma_wait3A_716 : memref<64x128xi32, #tpu.memory_space<vmem>>)
    %dma_wait3A_723 = arith.constant 1 : i32
    %dma_wait3A_724 = arith.constant 0 : i32
    %dma_wait3A_725 = arith.constant 128 : i32
    %dma_wait3A_726 = tpu.memref_slice %arg6[%dma_wait3A_724, %dma_wait3A_725] : memref<64x640xi32, #tpu.memory_space<vmem>> -> memref<64x128xi32, #tpu.memory_space<vmem>>
    %dma_wait3A_727 = arith.constant 384 : i32
    %dma_wait3A_728 = tpu.memref_slice %arg5[%dma_wait3A_723, %dma_wait3A_727] : memref<5x512xi32, #tpu.memory_space<vmem>> -> memref<1x64xi32, #tpu.memory_space<vmem>>
    %dma_wait3A_729 = tpu.memref_squeeze %dma_wait3A_728 : memref<1x64xi32, #tpu.memory_space<vmem>> -> memref<64xi32, #tpu.memory_space<vmem>>
    %dma_wait3A_730 = arith.constant 0 : i32
    %dma_wait3A_731 = arith.constant 0 : i32
    %dma_wait3A_732 = tpu.memref_slice %arg2[%dma_wait3A_730, %dma_wait3A_731] : memref<262720x128xi32, #tpu.memory_space<hbm>> -> memref<262720x128xi32, #tpu.memory_space<hbm>>
    tpu.wait_indirect_dma semaphore(%arg8 : memref<!tpu.dma_semaphore, #tpu.memory_space<semaphore_mem>>) src(%dma_wait3A_732 : memref<262720x128xi32, #tpu.memory_space<hbm>>) dst(%dma_wait3A_726 : memref<64x128xi32, #tpu.memory_space<vmem>>)
    %dma_wait3A_733 = arith.constant 2 : i32
    %dma_wait3A_734 = arith.constant 0 : i32
    %dma_wait3A_735 = arith.constant 256 : i32
    %dma_wait3A_736 = tpu.memref_slice %arg6[%dma_wait3A_734, %dma_wait3A_735] : memref<64x640xi32, #tpu.memory_space<vmem>> -> memref<64x128xi32, #tpu.memory_space<vmem>>
    %dma_wait3A_737 = arith.constant 384 : i32
    %dma_wait3A_738 = tpu.memref_slice %arg5[%dma_wait3A_733, %dma_wait3A_737] : memref<5x512xi32, #tpu.memory_space<vmem>> -> memref<1x64xi32, #tpu.memory_space<vmem>>
    %dma_wait3A_739 = tpu.memref_squeeze %dma_wait3A_738 : memref<1x64xi32, #tpu.memory_space<vmem>> -> memref<64xi32, #tpu.memory_space<vmem>>
    %dma_wait3A_740 = arith.constant 0 : i32
    %dma_wait3A_741 = arith.constant 0 : i32
    %dma_wait3A_742 = tpu.memref_slice %arg2[%dma_wait3A_740, %dma_wait3A_741] : memref<262720x128xi32, #tpu.memory_space<hbm>> -> memref<262720x128xi32, #tpu.memory_space<hbm>>
    tpu.wait_indirect_dma semaphore(%arg8 : memref<!tpu.dma_semaphore, #tpu.memory_space<semaphore_mem>>) src(%dma_wait3A_742 : memref<262720x128xi32, #tpu.memory_space<hbm>>) dst(%dma_wait3A_736 : memref<64x128xi32, #tpu.memory_space<vmem>>)
    %dma_wait3A_743 = arith.constant 3 : i32
    %dma_wait3A_744 = arith.constant 0 : i32
    %dma_wait3A_745 = arith.constant 384 : i32
    %dma_wait3A_746 = tpu.memref_slice %arg6[%dma_wait3A_744, %dma_wait3A_745] : memref<64x640xi32, #tpu.memory_space<vmem>> -> memref<64x128xi32, #tpu.memory_space<vmem>>
    %dma_wait3A_747 = arith.constant 384 : i32
    %dma_wait3A_748 = tpu.memref_slice %arg5[%dma_wait3A_743, %dma_wait3A_747] : memref<5x512xi32, #tpu.memory_space<vmem>> -> memref<1x64xi32, #tpu.memory_space<vmem>>
    %dma_wait3A_749 = tpu.memref_squeeze %dma_wait3A_748 : memref<1x64xi32, #tpu.memory_space<vmem>> -> memref<64xi32, #tpu.memory_space<vmem>>
    %dma_wait3A_750 = arith.constant 0 : i32
    %dma_wait3A_751 = arith.constant 0 : i32
    %dma_wait3A_752 = tpu.memref_slice %arg2[%dma_wait3A_750, %dma_wait3A_751] : memref<262720x128xi32, #tpu.memory_space<hbm>> -> memref<262720x128xi32, #tpu.memory_space<hbm>>
    tpu.wait_indirect_dma semaphore(%arg8 : memref<!tpu.dma_semaphore, #tpu.memory_space<semaphore_mem>>) src(%dma_wait3A_752 : memref<262720x128xi32, #tpu.memory_space<hbm>>) dst(%dma_wait3A_746 : memref<64x128xi32, #tpu.memory_space<vmem>>)
    %dma_wait3A_753 = arith.constant 4 : i32
    %dma_wait3A_754 = arith.constant 0 : i32
    %dma_wait3A_755 = arith.constant 512 : i32
    %dma_wait3A_756 = tpu.memref_slice %arg6[%dma_wait3A_754, %dma_wait3A_755] : memref<64x640xi32, #tpu.memory_space<vmem>> -> memref<64x128xi32, #tpu.memory_space<vmem>>
    %dma_wait3A_757 = arith.constant 384 : i32
    %dma_wait3A_758 = tpu.memref_slice %arg5[%dma_wait3A_753, %dma_wait3A_757] : memref<5x512xi32, #tpu.memory_space<vmem>> -> memref<1x64xi32, #tpu.memory_space<vmem>>
    %dma_wait3A_759 = tpu.memref_squeeze %dma_wait3A_758 : memref<1x64xi32, #tpu.memory_space<vmem>> -> memref<64xi32, #tpu.memory_space<vmem>>
    %dma_wait3A_760 = arith.constant 0 : i32
    %dma_wait3A_761 = arith.constant 0 : i32
    %dma_wait3A_762 = tpu.memref_slice %arg2[%dma_wait3A_760, %dma_wait3A_761] : memref<262720x128xi32, #tpu.memory_space<hbm>> -> memref<262720x128xi32, #tpu.memory_space<hbm>>
    tpu.wait_indirect_dma semaphore(%arg8 : memref<!tpu.dma_semaphore, #tpu.memory_space<semaphore_mem>>) src(%dma_wait3A_762 : memref<262720x128xi32, #tpu.memory_space<hbm>>) dst(%dma_wait3A_756 : memref<64x128xi32, #tpu.memory_space<vmem>>)
    %add3A_763 = arith.constant 384 : i32
    %add3A_764 = arith.addi %mul3A_2, %add3A_763 : i32
    "tpu.region"() ({
      %run_scoped3A = tpu.sem_alloc : memref<!tpu.dma_semaphore, #tpu.memory_space<semaphore_mem>>
      %dma_start3A_817 = arith.constant 0 : i32
      %dma_start3A_818 = tpu.memref_slice %arg4[%add3A_764, %dma_start3A_817] : memref<16384x640xi32, #tpu.memory_space<hbm>> -> memref<64x640xi32, #tpu.memory_space<hbm>>
      %dma_start3A_819 = arith.constant 0 : i32
      %dma_start3A_820 = tpu.memref_slice %arg4[%add3A_764, %dma_start3A_819] : memref<16384x640xi32, #tpu.memory_space<hbm>> -> memref<64x640xi32, #tpu.memory_space<hbm>>
      tpu.enqueue_dma source(%arg6 : memref<64x640xi32, #tpu.memory_space<vmem>>) target(%dma_start3A_820 : memref<64x640xi32, #tpu.memory_space<hbm>>) target_semaphore(%run_scoped3A : memref<!tpu.dma_semaphore, #tpu.memory_space<semaphore_mem>>)
      %dma_wait3A_821 = arith.constant 0 : i32
      %dma_wait3A_822 = tpu.memref_slice %arg4[%add3A_764, %dma_wait3A_821] : memref<16384x640xi32, #tpu.memory_space<hbm>> -> memref<64x640xi32, #tpu.memory_space<hbm>>
      %dma_wait3A_823 = arith.constant 0 : i32
      %dma_wait3A_824 = tpu.memref_slice %arg4[%add3A_764, %dma_wait3A_823] : memref<16384x640xi32, #tpu.memory_space<hbm>> -> memref<64x640xi32, #tpu.memory_space<hbm>>
      tpu.wait_dma2 semaphore(%run_scoped3A : memref<!tpu.dma_semaphore, #tpu.memory_space<semaphore_mem>>) src(%arg6 : memref<64x640xi32, #tpu.memory_space<vmem>>) dst(%dma_wait3A_824 : memref<64x640xi32, #tpu.memory_space<hbm>>)
      tpu.yield
    }) : () -> ()
    %dma_wait3A_765 = arith.constant 0 : i32
    %dma_wait3A_766 = arith.constant 0 : i32
    %dma_wait3A_767 = arith.constant 0 : i32
    %dma_wait3A_768 = tpu.memref_slice %arg7[%dma_wait3A_766, %dma_wait3A_767] : memref<64x640xi32, #tpu.memory_space<vmem>> -> memref<64x128xi32, #tpu.memory_space<vmem>>
    %dma_wait3A_769 = arith.constant 448 : i32
    %dma_wait3A_770 = tpu.memref_slice %arg5[%dma_wait3A_765, %dma_wait3A_769] : memref<5x512xi32, #tpu.memory_space<vmem>> -> memref<1x64xi32, #tpu.memory_space<vmem>>
    %dma_wait3A_771 = tpu.memref_squeeze %dma_wait3A_770 : memref<1x64xi32, #tpu.memory_space<vmem>> -> memref<64xi32, #tpu.memory_space<vmem>>
    %dma_wait3A_772 = arith.constant 0 : i32
    %dma_wait3A_773 = arith.constant 0 : i32
    %dma_wait3A_774 = tpu.memref_slice %arg2[%dma_wait3A_772, %dma_wait3A_773] : memref<262720x128xi32, #tpu.memory_space<hbm>> -> memref<262720x128xi32, #tpu.memory_space<hbm>>
    tpu.wait_indirect_dma semaphore(%arg9 : memref<!tpu.dma_semaphore, #tpu.memory_space<semaphore_mem>>) src(%dma_wait3A_774 : memref<262720x128xi32, #tpu.memory_space<hbm>>) dst(%dma_wait3A_768 : memref<64x128xi32, #tpu.memory_space<vmem>>)
    %dma_wait3A_775 = arith.constant 1 : i32
    %dma_wait3A_776 = arith.constant 0 : i32
    %dma_wait3A_777 = arith.constant 128 : i32
    %dma_wait3A_778 = tpu.memref_slice %arg7[%dma_wait3A_776, %dma_wait3A_777] : memref<64x640xi32, #tpu.memory_space<vmem>> -> memref<64x128xi32, #tpu.memory_space<vmem>>
    %dma_wait3A_779 = arith.constant 448 : i32
    %dma_wait3A_780 = tpu.memref_slice %arg5[%dma_wait3A_775, %dma_wait3A_779] : memref<5x512xi32, #tpu.memory_space<vmem>> -> memref<1x64xi32, #tpu.memory_space<vmem>>
    %dma_wait3A_781 = tpu.memref_squeeze %dma_wait3A_780 : memref<1x64xi32, #tpu.memory_space<vmem>> -> memref<64xi32, #tpu.memory_space<vmem>>
    %dma_wait3A_782 = arith.constant 0 : i32
    %dma_wait3A_783 = arith.constant 0 : i32
    %dma_wait3A_784 = tpu.memref_slice %arg2[%dma_wait3A_782, %dma_wait3A_783] : memref<262720x128xi32, #tpu.memory_space<hbm>> -> memref<262720x128xi32, #tpu.memory_space<hbm>>
    tpu.wait_indirect_dma semaphore(%arg9 : memref<!tpu.dma_semaphore, #tpu.memory_space<semaphore_mem>>) src(%dma_wait3A_784 : memref<262720x128xi32, #tpu.memory_space<hbm>>) dst(%dma_wait3A_778 : memref<64x128xi32, #tpu.memory_space<vmem>>)
    %dma_wait3A_785 = arith.constant 2 : i32
    %dma_wait3A_786 = arith.constant 0 : i32
    %dma_wait3A_787 = arith.constant 256 : i32
    %dma_wait3A_788 = tpu.memref_slice %arg7[%dma_wait3A_786, %dma_wait3A_787] : memref<64x640xi32, #tpu.memory_space<vmem>> -> memref<64x128xi32, #tpu.memory_space<vmem>>
    %dma_wait3A_789 = arith.constant 448 : i32
    %dma_wait3A_790 = tpu.memref_slice %arg5[%dma_wait3A_785, %dma_wait3A_789] : memref<5x512xi32, #tpu.memory_space<vmem>> -> memref<1x64xi32, #tpu.memory_space<vmem>>
    %dma_wait3A_791 = tpu.memref_squeeze %dma_wait3A_790 : memref<1x64xi32, #tpu.memory_space<vmem>> -> memref<64xi32, #tpu.memory_space<vmem>>
    %dma_wait3A_792 = arith.constant 0 : i32
    %dma_wait3A_793 = arith.constant 0 : i32
    %dma_wait3A_794 = tpu.memref_slice %arg2[%dma_wait3A_792, %dma_wait3A_793] : memref<262720x128xi32, #tpu.memory_space<hbm>> -> memref<262720x128xi32, #tpu.memory_space<hbm>>
    tpu.wait_indirect_dma semaphore(%arg9 : memref<!tpu.dma_semaphore, #tpu.memory_space<semaphore_mem>>) src(%dma_wait3A_794 : memref<262720x128xi32, #tpu.memory_space<hbm>>) dst(%dma_wait3A_788 : memref<64x128xi32, #tpu.memory_space<vmem>>)
    %dma_wait3A_795 = arith.constant 3 : i32
    %dma_wait3A_796 = arith.constant 0 : i32
    %dma_wait3A_797 = arith.constant 384 : i32
    %dma_wait3A_798 = tpu.memref_slice %arg7[%dma_wait3A_796, %dma_wait3A_797] : memref<64x640xi32, #tpu.memory_space<vmem>> -> memref<64x128xi32, #tpu.memory_space<vmem>>
    %dma_wait3A_799 = arith.constant 448 : i32
    %dma_wait3A_800 = tpu.memref_slice %arg5[%dma_wait3A_795, %dma_wait3A_799] : memref<5x512xi32, #tpu.memory_space<vmem>> -> memref<1x64xi32, #tpu.memory_space<vmem>>
    %dma_wait3A_801 = tpu.memref_squeeze %dma_wait3A_800 : memref<1x64xi32, #tpu.memory_space<vmem>> -> memref<64xi32, #tpu.memory_space<vmem>>
    %dma_wait3A_802 = arith.constant 0 : i32
    %dma_wait3A_803 = arith.constant 0 : i32
    %dma_wait3A_804 = tpu.memref_slice %arg2[%dma_wait3A_802, %dma_wait3A_803] : memref<262720x128xi32, #tpu.memory_space<hbm>> -> memref<262720x128xi32, #tpu.memory_space<hbm>>
    tpu.wait_indirect_dma semaphore(%arg9 : memref<!tpu.dma_semaphore, #tpu.memory_space<semaphore_mem>>) src(%dma_wait3A_804 : memref<262720x128xi32, #tpu.memory_space<hbm>>) dst(%dma_wait3A_798 : memref<64x128xi32, #tpu.memory_space<vmem>>)
    %dma_wait3A_805 = arith.constant 4 : i32
    %dma_wait3A_806 = arith.constant 0 : i32
    %dma_wait3A_807 = arith.constant 512 : i32
    %dma_wait3A_808 = tpu.memref_slice %arg7[%dma_wait3A_806, %dma_wait3A_807] : memref<64x640xi32, #tpu.memory_space<vmem>> -> memref<64x128xi32, #tpu.memory_space<vmem>>
    %dma_wait3A_809 = arith.constant 448 : i32
    %dma_wait3A_810 = tpu.memref_slice %arg5[%dma_wait3A_805, %dma_wait3A_809] : memref<5x512xi32, #tpu.memory_space<vmem>> -> memref<1x64xi32, #tpu.memory_space<vmem>>
    %dma_wait3A_811 = tpu.memref_squeeze %dma_wait3A_810 : memref<1x64xi32, #tpu.memory_space<vmem>> -> memref<64xi32, #tpu.memory_space<vmem>>
    %dma_wait3A_812 = arith.constant 0 : i32
    %dma_wait3A_813 = arith.constant 0 : i32
    %dma_wait3A_814 = tpu.memref_slice %arg2[%dma_wait3A_812, %dma_wait3A_813] : memref<262720x128xi32, #tpu.memory_space<hbm>> -> memref<262720x128xi32, #tpu.memory_space<hbm>>
    tpu.wait_indirect_dma semaphore(%arg9 : memref<!tpu.dma_semaphore, #tpu.memory_space<semaphore_mem>>) src(%dma_wait3A_814 : memref<262720x128xi32, #tpu.memory_space<hbm>>) dst(%dma_wait3A_808 : memref<64x128xi32, #tpu.memory_space<vmem>>)
    %add3A_815 = arith.constant 448 : i32
    %add3A_816 = arith.addi %mul3A_2, %add3A_815 : i32
    "tpu.region"() ({
      %run_scoped3A = tpu.sem_alloc : memref<!tpu.dma_semaphore, #tpu.memory_space<semaphore_mem>>
      %dma_start3A_817 = arith.constant 0 : i32
      %dma_start3A_818 = tpu.memref_slice %arg4[%add3A_816, %dma_start3A_817] : memref<16384x640xi32, #tpu.memory_space<hbm>> -> memref<64x640xi32, #tpu.memory_space<hbm>>
      %dma_start3A_819 = arith.constant 0 : i32
      %dma_start3A_820 = tpu.memref_slice %arg4[%add3A_816, %dma_start3A_819] : memref<16384x640xi32, #tpu.memory_space<hbm>> -> memref<64x640xi32, #tpu.memory_space<hbm>>
      tpu.enqueue_dma source(%arg7 : memref<64x640xi32, #tpu.memory_space<vmem>>) target(%dma_start3A_820 : memref<64x640xi32, #tpu.memory_space<hbm>>) target_semaphore(%run_scoped3A : memref<!tpu.dma_semaphore, #tpu.memory_space<semaphore_mem>>)
      %dma_wait3A_821 = arith.constant 0 : i32
      %dma_wait3A_822 = tpu.memref_slice %arg4[%add3A_816, %dma_wait3A_821] : memref<16384x640xi32, #tpu.memory_space<hbm>> -> memref<64x640xi32, #tpu.memory_space<hbm>>
      %dma_wait3A_823 = arith.constant 0 : i32
      %dma_wait3A_824 = tpu.memref_slice %arg4[%add3A_816, %dma_wait3A_823] : memref<16384x640xi32, #tpu.memory_space<hbm>> -> memref<64x640xi32, #tpu.memory_space<hbm>>
      tpu.wait_dma2 semaphore(%run_scoped3A : memref<!tpu.dma_semaphore, #tpu.memory_space<semaphore_mem>>) src(%arg7 : memref<64x640xi32, #tpu.memory_space<vmem>>) dst(%dma_wait3A_824 : memref<64x640xi32, #tpu.memory_space<hbm>>)
      tpu.yield
    }) : () -> ()
    return
  }
}

module attributes {stable_mosaic.version = 14 : i64} {
  func.func @_tr_body(%arg0: i32, %arg1: memref<64x8192xf32, #tpu.memory_space<vmem>>, %arg2: memref<64x8192xf32, #tpu.memory_space<vmem>>, %arg3: memref<64x8192xf32, #tpu.memory_space<vmem>>, %arg4: memref<64x8192xf32, #tpu.memory_space<vmem>>, %arg5: memref<8192x128xi32, #tpu.memory_space<vmem>>) attributes {dimension_semantics = [#tpu.dimension_semantics<arbitrary>], iteration_bounds = array<i64: 33>, scalar_prefetch = 0 : i64, scratch_operands = 0 : i64, tpu.core_type = #tpu.core_type<tc>, window_params = [{transform_indices = @transform_0, window_bounds = array<i64: 64, 8192>}, {transform_indices = @transform_1, window_bounds = array<i64: 64, 8192>}, {transform_indices = @transform_2, window_bounds = array<i64: 64, 8192>}, {transform_indices = @transform_3, window_bounds = array<i64: 64, 8192>}, {transform_indices = @transform_4, window_bounds = array<i64: 8192, 128>}]} {
    %iota3A = tpu.iota {dimensions = array<i32: 0>} : vector<64x64xi32>
    %iota3A_0 = tpu.iota {dimensions = array<i32: 1>} : vector<64x64xi32>
    %eq3A = arith.cmpi eq, %iota3A, %iota3A_0 : vector<64x64xi32>
    %convert_element_type3A = arith.extui %eq3A : vector<64x64xi1> to vector<64x64xi32>
    %convert_element_type3A_1 = arith.sitofp %convert_element_type3A : vector<64x64xi32> to vector<64x64xf32>
    %get3A = arith.constant 0 : index
    %get3A_2 = arith.constant 0 : index
    %get3A_3 = vector.load %arg1[%get3A, %get3A_2] : memref<64x8192xf32, #tpu.memory_space<vmem>>, vector<64x8192xf32>
    %dot_general3A = arith.constant dense<0.000000e+00> : vector<8192x64xf32>
    %dot_general3A_4 = tpu.matmul %get3A_3, %convert_element_type3A_1, %dot_general3A {dimension_numbers = #tpu.dot_dimension_numbers<[0], [0], [1], [1], [0, 1, 1, 1], [], []>, transpose_lhs_hint = false} : vector<64x8192xf32>, vector<64x64xf32>, vector<8192x64xf32> -> vector<8192x64xf32>
    %get3A_5 = arith.constant 0 : index
    %get3A_6 = arith.constant 0 : index
    %get3A_7 = vector.load %arg2[%get3A_5, %get3A_6] : memref<64x8192xf32, #tpu.memory_space<vmem>>, vector<64x8192xf32>
    %dot_general3A_8 = arith.constant dense<0.000000e+00> : vector<8192x64xf32>
    %dot_general3A_9 = tpu.matmul %get3A_7, %convert_element_type3A_1, %dot_general3A_8 {dimension_numbers = #tpu.dot_dimension_numbers<[0], [0], [1], [1], [0, 1, 1, 1], [], []>, transpose_lhs_hint = false} : vector<64x8192xf32>, vector<64x64xf32>, vector<8192x64xf32> -> vector<8192x64xf32>
    %get3A_10 = arith.constant 0 : index
    %get3A_11 = arith.constant 0 : index
    %get3A_12 = vector.load %arg3[%get3A_10, %get3A_11] : memref<64x8192xf32, #tpu.memory_space<vmem>>, vector<64x8192xf32>
    %dot_general3A_13 = arith.constant dense<0.000000e+00> : vector<8192x64xf32>
    %dot_general3A_14 = tpu.matmul %get3A_12, %convert_element_type3A_1, %dot_general3A_13 {dimension_numbers = #tpu.dot_dimension_numbers<[0], [0], [1], [1], [0, 1, 1, 1], [], []>, transpose_lhs_hint = false} : vector<64x8192xf32>, vector<64x64xf32>, vector<8192x64xf32> -> vector<8192x64xf32>
    %get3A_15 = arith.constant 0 : index
    %get3A_16 = arith.constant 0 : index
    %get3A_17 = vector.load %arg4[%get3A_15, %get3A_16] : memref<64x8192xf32, #tpu.memory_space<vmem>>, vector<64x8192xf32>
    %dot_general3A_18 = arith.constant dense<0.000000e+00> : vector<8192x64xf32>
    %dot_general3A_19 = tpu.matmul %get3A_17, %convert_element_type3A_1, %dot_general3A_18 {dimension_numbers = #tpu.dot_dimension_numbers<[0], [0], [1], [1], [0, 1, 1, 1], [], []>, transpose_lhs_hint = false} : vector<64x8192xf32>, vector<64x64xf32>, vector<8192x64xf32> -> vector<8192x64xf32>
    %bitcast_convert_type3A = tpu.bitcast %dot_general3A_4 : vector<8192x64xf32> -> vector<8192x64xi32>
    %add3A = arith.constant 32768 : i32
    %add3A_20 = vector.broadcast %add3A : i32 to vector<8192x64xi32>
    %add3A_21 = arith.addi %bitcast_convert_type3A, %add3A_20 : vector<8192x64xi32>
    %and3A = arith.constant -65536 : i32
    %and3A_22 = vector.broadcast %and3A : i32 to vector<8192x64xi32>
    %and3A_23 = arith.andi %add3A_21, %and3A_22 : vector<8192x64xi32>
    %bitcast_convert_type3A_24 = tpu.bitcast %dot_general3A_9 : vector<8192x64xf32> -> vector<8192x64xi32>
    %add3A_25 = arith.constant 32768 : i32
    %add3A_26 = vector.broadcast %add3A_25 : i32 to vector<8192x64xi32>
    %add3A_27 = arith.addi %bitcast_convert_type3A_24, %add3A_26 : vector<8192x64xi32>
    %shift_right_logical3A = arith.constant 16 : i32
    %shift_right_logical3A_28 = vector.broadcast %shift_right_logical3A : i32 to vector<8192x64xi32>
    %shift_right_logical3A_29 = arith.shrui %add3A_27, %shift_right_logical3A_28 : vector<8192x64xi32>
    %or3A = arith.ori %and3A_23, %shift_right_logical3A_29 : vector<8192x64xi32>
    %bitcast_convert_type3A_30 = tpu.bitcast %dot_general3A_14 : vector<8192x64xf32> -> vector<8192x64xi32>
    %add3A_31 = arith.constant 32768 : i32
    %add3A_32 = vector.broadcast %add3A_31 : i32 to vector<8192x64xi32>
    %add3A_33 = arith.addi %bitcast_convert_type3A_30, %add3A_32 : vector<8192x64xi32>
    %and3A_34 = arith.constant -65536 : i32
    %and3A_35 = vector.broadcast %and3A_34 : i32 to vector<8192x64xi32>
    %and3A_36 = arith.andi %add3A_33, %and3A_35 : vector<8192x64xi32>
    %bitcast_convert_type3A_37 = tpu.bitcast %dot_general3A_19 : vector<8192x64xf32> -> vector<8192x64xi32>
    %add3A_38 = arith.constant 32768 : i32
    %add3A_39 = vector.broadcast %add3A_38 : i32 to vector<8192x64xi32>
    %add3A_40 = arith.addi %bitcast_convert_type3A_37, %add3A_39 : vector<8192x64xi32>
    %shift_right_logical3A_41 = arith.constant 16 : i32
    %shift_right_logical3A_42 = vector.broadcast %shift_right_logical3A_41 : i32 to vector<8192x64xi32>
    %shift_right_logical3A_43 = arith.shrui %add3A_40, %shift_right_logical3A_42 : vector<8192x64xi32>
    %or3A_44 = arith.ori %and3A_36, %shift_right_logical3A_43 : vector<8192x64xi32>
    %concatenate3A = tpu.concatenate %or3A, %or3A_44 in 1 : vector<8192x64xi32>, vector<8192x64xi32> -> vector<8192x128xi32>
    %bitcast_convert_type3A_45 = tpu.bitcast %concatenate3A : vector<8192x128xi32> -> vector<8192x128xi32>
    %swap3A = arith.constant 0 : index
    %swap3A_46 = arith.constant 0 : index
    %swap3A_47 = vector.load %arg5[%swap3A, %swap3A_46] : memref<8192x128xi32, #tpu.memory_space<vmem>>, vector<8192x128xi32>
    tpu.vector_store %arg5[%swap3A, %swap3A_46], %bitcast_convert_type3A_45 {strides = array<i32>} : memref<8192x128xi32, #tpu.memory_space<vmem>>, vector<8192x128xi32>,
    return
  }
  func.func @transform_0(%arg0: i32) -> (i32, i32) {
    %c0_i32 = arith.constant 0 : i32
    %c0_i32_0 = arith.constant 0 : i32
    return %c0_i32, %arg0 : i32, i32
  }
  func.func @transform_1(%arg0: i32) -> (i32, i32) {
    %add3A = arith.constant 30 : i32
    %add3A_0 = arith.addi %arg0, %add3A : i32
    %c0_i32 = arith.constant 0 : i32
    %c0_i32_1 = arith.constant 0 : i32
    return %c0_i32, %add3A_0 : i32, i32
  }
  func.func @transform_2(%arg0: i32) -> (i32, i32) {
    %add3A = arith.constant 60 : i32
    %add3A_0 = arith.addi %arg0, %add3A : i32
    %c0_i32 = arith.constant 0 : i32
    %c0_i32_1 = arith.constant 0 : i32
    return %c0_i32, %add3A_0 : i32, i32
  }
  func.func @transform_3(%arg0: i32) -> (i32, i32) {
    %add3A = arith.constant 90 : i32
    %add3A_0 = arith.addi %arg0, %add3A : i32
    %c0_i32 = arith.constant 0 : i32
    %c0_i32_1 = arith.constant 0 : i32
    return %c0_i32, %add3A_0 : i32, i32
  }
  func.func @transform_4(%arg0: i32) -> (i32, i32) {
    %c0_i32 = arith.constant 0 : i32
    %c0_i32_0 = arith.constant 0 : i32
    return %arg0, %c0_i32 : i32, i32
  }
}

module attributes {stable_mosaic.version = 14 : i64} {
  func.func @_mlp_body(%arg0: i32, %arg1: memref<2048x640xi32, #tpu.memory_space<vmem>>, %arg2: memref<2048x5xi32, #tpu.memory_space<vmem>>, %arg3: memref<640x256xf32, #tpu.memory_space<vmem>>, %arg4: memref<1x256xf32, #tpu.memory_space<vmem>>, %arg5: memref<256x50xf32, #tpu.memory_space<vmem>>, %arg6: memref<1x50xf32, #tpu.memory_space<vmem>>, %arg7: memref<2048x50xf32, #tpu.memory_space<vmem>>) attributes {dimension_semantics = [#tpu.dimension_semantics<arbitrary>], iteration_bounds = array<i64: 8>, scalar_prefetch = 0 : i64, scratch_operands = 0 : i64, tpu.core_type = #tpu.core_type<tc>, window_params = [{transform_indices = @transform_0, window_bounds = array<i64: 2048, 640>}, {transform_indices = @transform_1, window_bounds = array<i64: 2048, 5>}, {pipeline_mode = #tpu.pipeline_mode<synchronous>, transform_indices = @transform_2, window_bounds = array<i64: 640, 256>}, {pipeline_mode = #tpu.pipeline_mode<synchronous>, transform_indices = @transform_3, window_bounds = array<i64: 1, 256>}, {pipeline_mode = #tpu.pipeline_mode<synchronous>, transform_indices = @transform_4, window_bounds = array<i64: 256, 50>}, {pipeline_mode = #tpu.pipeline_mode<synchronous>, transform_indices = @transform_5, window_bounds = array<i64: 1, 50>}, {transform_indices = @transform_6, window_bounds = array<i64: 2048, 50>}]} {
    %get3A = arith.constant 0 : index
    %get3A_0 = arith.constant 0 : index
    %get3A_1 = vector.load %arg2[%get3A, %get3A_0] : memref<2048x5xi32, #tpu.memory_space<vmem>>, vector<2048x5xi32>
    %ge3A = arith.constant 245760 : i32
    %ge3A_2 = vector.broadcast %ge3A : i32 to vector<2048x5xi32>
    %ge3A_3 = arith.cmpi sge, %get3A_1, %ge3A_2 : vector<2048x5xi32>
    %convert_element_type3A = arith.extui %ge3A_3 : vector<2048x5xi1> to vector<2048x5xi32>
    %convert_element_type3A_4 = arith.sitofp %convert_element_type3A : vector<2048x5xi32> to vector<2048x5xf32>
    %ge3A_5 = arith.constant 491520 : i32
    %ge3A_6 = vector.broadcast %ge3A_5 : i32 to vector<2048x5xi32>
    %ge3A_7 = arith.cmpi sge, %get3A_1, %ge3A_6 : vector<2048x5xi32>
    %convert_element_type3A_8 = arith.extui %ge3A_7 : vector<2048x5xi1> to vector<2048x5xi32>
    %convert_element_type3A_9 = arith.sitofp %convert_element_type3A_8 : vector<2048x5xi32> to vector<2048x5xf32>
    %ge3A_10 = arith.constant 737280 : i32
    %ge3A_11 = vector.broadcast %ge3A_10 : i32 to vector<2048x5xi32>
    %ge3A_12 = arith.cmpi sge, %get3A_1, %ge3A_11 : vector<2048x5xi32>
    %convert_element_type3A_13 = arith.extui %ge3A_12 : vector<2048x5xi1> to vector<2048x5xi32>
    %convert_element_type3A_14 = arith.sitofp %convert_element_type3A_13 : vector<2048x5xi32> to vector<2048x5xf32>
    %ne3A = arith.constant 0 : i32
    %ne3A_15 = vector.broadcast %ne3A : i32 to vector<2048x5xi32>
    %ne3A_16 = arith.cmpi ne, %get3A_1, %ne3A_15 : vector<2048x5xi32>
    %convert_element_type3A_17 = arith.extui %ne3A_16 : vector<2048x5xi1> to vector<2048x5xi32>
    %convert_element_type3A_18 = arith.sitofp %convert_element_type3A_17 : vector<2048x5xi32> to vector<2048x5xf32>
    %sub3A = arith.constant 1.000000e+00 : f32
    %sub3A_19 = vector.broadcast %sub3A : f32 to vector<2048x5xf32>
    %sub3A_20 = arith.subf %sub3A_19, %convert_element_type3A_4 : vector<2048x5xf32>
    %mul3A = arith.mulf %convert_element_type3A_18, %sub3A_20 : vector<2048x5xf32>
    %sub3A_21 = arith.constant 1.000000e+00 : f32
    %sub3A_22 = vector.broadcast %sub3A_21 : f32 to vector<2048x5xf32>
    %sub3A_23 = arith.subf %sub3A_22, %convert_element_type3A_9 : vector<2048x5xf32>
    %mul3A_24 = arith.mulf %convert_element_type3A_4, %sub3A_23 : vector<2048x5xf32>
    %sub3A_25 = arith.constant 1.000000e+00 : f32
    %sub3A_26 = vector.broadcast %sub3A_25 : f32 to vector<2048x5xf32>
    %sub3A_27 = arith.subf %sub3A_26, %convert_element_type3A_14 : vector<2048x5xf32>
    %mul3A_28 = arith.mulf %convert_element_type3A_9, %sub3A_27 : vector<2048x5xf32>
    %concatenate3A = tpu.concatenate %mul3A, %mul3A_24, %mul3A_28, %convert_element_type3A_14 in 1 : vector<2048x5xf32>, vector<2048x5xf32>, vector<2048x5xf32>, vector<2048x5xf32> -> vector<2048x20xf32>
    %iota3A = tpu.iota {dimensions = array<i32: 0>} : vector<20x640xi32>
    %iota3A_29 = tpu.iota {dimensions = array<i32: 1>} : vector<20x640xi32>
    %jit3A = arith.constant 128 : i32
    %div3A = vector.broadcast %jit3A : i32 to vector<20x640xi32>
    %div3A_30 = arith.divsi %iota3A_29, %div3A : vector<20x640xi32>
    %sign3A = arith.constant 0 : i32
    %sign3A_31 = vector.broadcast %sign3A : i32 to vector<20x640xi32>
    %sign3A_32 = arith.cmpi sgt, %iota3A_29, %sign3A_31 : vector<20x640xi32>
    %sign3A_33 = arith.extui %sign3A_32 : vector<20x640xi1> to vector<20x640xi32>
    %sign3A_34 = arith.constant 0 : i32
    %sign3A_35 = vector.broadcast %sign3A_34 : i32 to vector<20x640xi32>
    %sign3A_36 = arith.cmpi slt, %iota3A_29, %sign3A_35 : vector<20x640xi32>
    %sign3A_37 = arith.extui %sign3A_36 : vector<20x640xi1> to vector<20x640xi32>
    %sign3A_38 = arith.subi %sign3A_33, %sign3A_37 : vector<20x640xi32>
    %sign3A_39 = arith.constant 0 : i32
    %sign3A_40 = arith.cmpi sgt, %jit3A, %sign3A_39 : i32
    %sign3A_41 = arith.extui %sign3A_40 : i1 to i32
    %sign3A_42 = arith.constant 0 : i32
    %sign3A_43 = arith.cmpi slt, %jit3A, %sign3A_42 : i32
    %sign3A_44 = arith.extui %sign3A_43 : i1 to i32
    %sign3A_45 = arith.subi %sign3A_41, %sign3A_44 : i32
    %ne3A_46 = vector.broadcast %sign3A_45 : i32 to vector<20x640xi32>
    %ne3A_47 = arith.cmpi ne, %sign3A_38, %ne3A_46 : vector<20x640xi32>
    %rem3A = vector.broadcast %jit3A : i32 to vector<20x640xi32>
    %rem3A_48 = arith.remsi %iota3A_29, %rem3A : vector<20x640xi32>
    %ne3A_49 = arith.constant 0 : i32
    %ne3A_50 = vector.broadcast %ne3A_49 : i32 to vector<20x640xi32>
    %ne3A_51 = arith.cmpi ne, %rem3A_48, %ne3A_50 : vector<20x640xi32>
    %and3A = arith.andi %ne3A_47, %ne3A_51 : vector<20x640xi1>
    %sub3A_52 = arith.constant 1 : i32
    %sub3A_53 = vector.broadcast %sub3A_52 : i32 to vector<20x640xi32>
    %sub3A_54 = arith.subi %div3A_30, %sub3A_53 : vector<20x640xi32>
    %select_n3A = arith.select %and3A, %sub3A_54, %div3A_30 : vector<20x640xi1>, vector<20x640xi32>
    %jit3A_55 = arith.constant 128 : i32
    %eq3A = arith.constant 0 : i32
    %eq3A_56 = arith.cmpi eq, %jit3A_55, %eq3A : i32
    %jit3A_57 = arith.constant 1 : i32
    %select_n3A_58 = arith.select %eq3A_56, %jit3A_57, %jit3A_55 : i32
    %rem3A_59 = vector.broadcast %select_n3A_58 : i32 to vector<20x640xi32>
    %rem3A_60 = arith.remsi %iota3A_29, %rem3A_59 : vector<20x640xi32>
    %ne3A_61 = arith.constant 0 : i32
    %ne3A_62 = vector.broadcast %ne3A_61 : i32 to vector<20x640xi32>
    %ne3A_63 = arith.cmpi ne, %rem3A_60, %ne3A_62 : vector<20x640xi32>
    %lt3A = arith.constant 0 : i32
    %lt3A_64 = vector.broadcast %lt3A : i32 to vector<20x640xi32>
    %lt3A_65 = arith.cmpi slt, %rem3A_60, %lt3A_64 : vector<20x640xi32>
    %lt3A_66 = arith.constant 0 : i32
    %lt3A_67 = arith.cmpi slt, %select_n3A_58, %lt3A_66 : i32
    %ne3A_68 = vector.broadcast %lt3A_67 : i1 to vector<20x640xi1>
    %ne3A_69 = vector.broadcast %ne3A_68 : vector<20x640xi1> to vector<20x640xi1>
    %ne3A_70 = arith.xori %lt3A_65, %ne3A_69 : vector<20x640xi1>
    %and3A_71 = arith.andi %ne3A_70, %ne3A_63 : vector<20x640xi1>
    %add3A = vector.broadcast %select_n3A_58 : i32 to vector<20x640xi32>
    %add3A_72 = arith.addi %rem3A_60, %add3A : vector<20x640xi32>
    %select_n3A_73 = arith.select %and3A_71, %add3A_72, %rem3A_60 : vector<20x640xi1>, vector<20x640xi32>
    %jit3A_74 = arith.constant 64 : i32
    %div3A_75 = vector.broadcast %jit3A_74 : i32 to vector<20x640xi32>
    %div3A_76 = arith.divsi %select_n3A_73, %div3A_75 : vector<20x640xi32>
    %sign3A_77 = arith.constant 0 : i32
    %sign3A_78 = vector.broadcast %sign3A_77 : i32 to vector<20x640xi32>
    %sign3A_79 = arith.cmpi sgt, %select_n3A_73, %sign3A_78 : vector<20x640xi32>
    %sign3A_80 = arith.extui %sign3A_79 : vector<20x640xi1> to vector<20x640xi32>
    %sign3A_81 = arith.constant 0 : i32
    %sign3A_82 = vector.broadcast %sign3A_81 : i32 to vector<20x640xi32>
    %sign3A_83 = arith.cmpi slt, %select_n3A_73, %sign3A_82 : vector<20x640xi32>
    %sign3A_84 = arith.extui %sign3A_83 : vector<20x640xi1> to vector<20x640xi32>
    %sign3A_85 = arith.subi %sign3A_80, %sign3A_84 : vector<20x640xi32>
    %sign3A_86 = arith.constant 0 : i32
    %sign3A_87 = arith.cmpi sgt, %jit3A_74, %sign3A_86 : i32
    %sign3A_88 = arith.extui %sign3A_87 : i1 to i32
    %sign3A_89 = arith.constant 0 : i32
    %sign3A_90 = arith.cmpi slt, %jit3A_74, %sign3A_89 : i32
    %sign3A_91 = arith.extui %sign3A_90 : i1 to i32
    %sign3A_92 = arith.subi %sign3A_88, %sign3A_91 : i32
    %ne3A_93 = vector.broadcast %sign3A_92 : i32 to vector<20x640xi32>
    %ne3A_94 = arith.cmpi ne, %sign3A_85, %ne3A_93 : vector<20x640xi32>
    %rem3A_95 = vector.broadcast %jit3A_74 : i32 to vector<20x640xi32>
    %rem3A_96 = arith.remsi %select_n3A_73, %rem3A_95 : vector<20x640xi32>
    %ne3A_97 = arith.constant 0 : i32
    %ne3A_98 = vector.broadcast %ne3A_97 : i32 to vector<20x640xi32>
    %ne3A_99 = arith.cmpi ne, %rem3A_96, %ne3A_98 : vector<20x640xi32>
    %and3A_100 = arith.andi %ne3A_94, %ne3A_99 : vector<20x640xi1>
    %sub3A_101 = arith.constant 1 : i32
    %sub3A_102 = vector.broadcast %sub3A_101 : i32 to vector<20x640xi32>
    %sub3A_103 = arith.subi %div3A_76, %sub3A_102 : vector<20x640xi32>
    %select_n3A_104 = arith.select %and3A_100, %sub3A_103, %div3A_76 : vector<20x640xi1>, vector<20x640xi32>
    %eq3A_105 = arith.cmpi eq, %iota3A, %select_n3A : vector<20x640xi32>
    %eq3A_106 = arith.constant 0 : i32
    %eq3A_107 = vector.broadcast %eq3A_106 : i32 to vector<20x640xi32>
    %eq3A_108 = arith.cmpi eq, %select_n3A_104, %eq3A_107 : vector<20x640xi32>
    %and3A_109 = arith.andi %eq3A_105, %eq3A_108 : vector<20x640xi1>
    %add3A_110 = arith.constant 10 : i32
    %add3A_111 = vector.broadcast %add3A_110 : i32 to vector<20x640xi32>
    %add3A_112 = arith.addi %add3A_111, %select_n3A : vector<20x640xi32>
    %eq3A_113 = arith.cmpi eq, %iota3A, %add3A_112 : vector<20x640xi32>
    %eq3A_114 = arith.constant 1 : i32
    %eq3A_115 = vector.broadcast %eq3A_114 : i32 to vector<20x640xi32>
    %eq3A_116 = arith.cmpi eq, %select_n3A_104, %eq3A_115 : vector<20x640xi32>
    %and3A_117 = arith.andi %eq3A_113, %eq3A_116 : vector<20x640xi1>
    %or3A = arith.ori %and3A_109, %and3A_117 : vector<20x640xi1>
    %convert_element_type3A_118 = arith.extui %or3A : vector<20x640xi1> to vector<20x640xi32>
    %convert_element_type3A_119 = arith.sitofp %convert_element_type3A_118 : vector<20x640xi32> to vector<20x640xf32>
    %add3A_120 = arith.constant 5 : i32
    %add3A_121 = vector.broadcast %add3A_120 : i32 to vector<20x640xi32>
    %add3A_122 = arith.addi %add3A_121, %select_n3A : vector<20x640xi32>
    %eq3A_123 = arith.cmpi eq, %iota3A, %add3A_122 : vector<20x640xi32>
    %eq3A_124 = arith.constant 0 : i32
    %eq3A_125 = vector.broadcast %eq3A_124 : i32 to vector<20x640xi32>
    %eq3A_126 = arith.cmpi eq, %select_n3A_104, %eq3A_125 : vector<20x640xi32>
    %and3A_127 = arith.andi %eq3A_123, %eq3A_126 : vector<20x640xi1>
    %add3A_128 = arith.constant 15 : i32
    %add3A_129 = vector.broadcast %add3A_128 : i32 to vector<20x640xi32>
    %add3A_130 = arith.addi %add3A_129, %select_n3A : vector<20x640xi32>
    %eq3A_131 = arith.cmpi eq, %iota3A, %add3A_130 : vector<20x640xi32>
    %eq3A_132 = arith.constant 1 : i32
    %eq3A_133 = vector.broadcast %eq3A_132 : i32 to vector<20x640xi32>
    %eq3A_134 = arith.cmpi eq, %select_n3A_104, %eq3A_133 : vector<20x640xi32>
    %and3A_135 = arith.andi %eq3A_131, %eq3A_134 : vector<20x640xi1>
    %or3A_136 = arith.ori %and3A_127, %and3A_135 : vector<20x640xi1>
    %convert_element_type3A_137 = arith.extui %or3A_136 : vector<20x640xi1> to vector<20x640xi32>
    %convert_element_type3A_138 = arith.sitofp %convert_element_type3A_137 : vector<20x640xi32> to vector<20x640xf32>
    %dot_general3A = arith.constant dense<0.000000e+00> : vector<2048x640xf32>
    %dot_general3A_139 = tpu.matmul %concatenate3A, %convert_element_type3A_119, %dot_general3A {dimension_numbers = #tpu.dot_dimension_numbers<[1], [0], [0], [1], [0, 0, 1, 1], [], []>, transpose_lhs_hint = false} : vector<2048x20xf32>, vector<20x640xf32>, vector<2048x640xf32> -> vector<2048x640xf32>
    %dot_general3A_140 = arith.constant dense<0.000000e+00> : vector<2048x640xf32>
    %dot_general3A_141 = tpu.matmul %concatenate3A, %convert_element_type3A_138, %dot_general3A_140 {dimension_numbers = #tpu.dot_dimension_numbers<[1], [0], [0], [1], [0, 0, 1, 1], [], []>, transpose_lhs_hint = false} : vector<2048x20xf32>, vector<20x640xf32>, vector<2048x640xf32> -> vector<2048x640xf32>
    %get3A_142 = arith.constant 0 : index
    %get3A_143 = arith.constant 0 : index
    %get3A_144 = vector.load %arg1[%get3A_142, %get3A_143] : memref<2048x640xi32, #tpu.memory_space<vmem>>, vector<2048x640xi32>
    %and3A_145 = arith.constant -65536 : i32
    %and3A_146 = vector.broadcast %and3A_145 : i32 to vector<2048x640xi32>
    %and3A_147 = arith.andi %get3A_144, %and3A_146 : vector<2048x640xi32>
    %bitcast_convert_type3A = tpu.bitcast %and3A_147 : vector<2048x640xi32> -> vector<2048x640xf32>
    %shift_left3A = arith.constant 16 : i32
    %shift_left3A_148 = vector.broadcast %shift_left3A : i32 to vector<2048x640xi32>
    %shift_left3A_149 = arith.shli %get3A_144, %shift_left3A_148 : vector<2048x640xi32>
    %bitcast_convert_type3A_150 = tpu.bitcast %shift_left3A_149 : vector<2048x640xi32> -> vector<2048x640xf32>
    %mul3A_151 = arith.mulf %bitcast_convert_type3A, %dot_general3A_139 : vector<2048x640xf32>
    %mul3A_152 = arith.mulf %bitcast_convert_type3A_150, %dot_general3A_141 : vector<2048x640xf32>
    %add3A_153 = arith.addf %mul3A_151, %mul3A_152 : vector<2048x640xf32>
    %get3A_154 = arith.constant 0 : index
    %get3A_155 = arith.constant 0 : index
    %get3A_156 = vector.load %arg3[%get3A_154, %get3A_155] : memref<640x256xf32, #tpu.memory_space<vmem>>, vector<640x256xf32>
    %dot_general3A_157 = arith.constant dense<0.000000e+00> : vector<2048x256xf32>
    %dot_general3A_158 = tpu.matmul %add3A_153, %get3A_156, %dot_general3A_157 {dimension_numbers = #tpu.dot_dimension_numbers<[1], [0], [0], [1], [0, 0, 1, 1], [], []>, transpose_lhs_hint = false} : vector<2048x640xf32>, vector<640x256xf32>, vector<2048x256xf32> -> vector<2048x256xf32>
    %get3A_159 = arith.constant 0 : index
    %get3A_160 = arith.constant 0 : index
    %get3A_161 = vector.load %arg4[%get3A_159, %get3A_160] : memref<1x256xf32, #tpu.memory_space<vmem>>, vector<1x256xf32>
    %add3A_162 = vector.broadcast %get3A_161 : vector<1x256xf32> to vector<2048x256xf32>
    %add3A_163 = arith.addf %dot_general3A_158, %add3A_162 : vector<2048x256xf32>
    %tanh3A = math.tanh %add3A_163 : vector<2048x256xf32>
    %get3A_164 = arith.constant 0 : index
    %get3A_165 = arith.constant 0 : index
    %get3A_166 = vector.load %arg5[%get3A_164, %get3A_165] : memref<256x50xf32, #tpu.memory_space<vmem>>, vector<256x50xf32>
    %dot_general3A_167 = arith.constant dense<0.000000e+00> : vector<2048x50xf32>
    %dot_general3A_168 = tpu.matmul %tanh3A, %get3A_166, %dot_general3A_167 {dimension_numbers = #tpu.dot_dimension_numbers<[1], [0], [0], [1], [0, 0, 1, 1], [], []>, transpose_lhs_hint = false} : vector<2048x256xf32>, vector<256x50xf32>, vector<2048x50xf32> -> vector<2048x50xf32>
    %get3A_169 = arith.constant 0 : index
    %get3A_170 = arith.constant 0 : index
    %get3A_171 = vector.load %arg6[%get3A_169, %get3A_170] : memref<1x50xf32, #tpu.memory_space<vmem>>, vector<1x50xf32>
    %add3A_172 = vector.broadcast %get3A_171 : vector<1x50xf32> to vector<2048x50xf32>
    %add3A_173 = arith.addf %dot_general3A_168, %add3A_172 : vector<2048x50xf32>
    %swap3A = arith.constant 0 : index
    %swap3A_174 = arith.constant 0 : index
    %swap3A_175 = vector.load %arg7[%swap3A, %swap3A_174] : memref<2048x50xf32, #tpu.memory_space<vmem>>, vector<2048x50xf32>
    tpu.vector_store %arg7[%swap3A, %swap3A_174], %add3A_173 {strides = array<i32>} : memref<2048x50xf32, #tpu.memory_space<vmem>>, vector<2048x50xf32>,
    return
  }
  func.func @transform_0(%arg0: i32) -> (i32, i32) {
    %c0_i32 = arith.constant 0 : i32
    %c0_i32_0 = arith.constant 0 : i32
    return %arg0, %c0_i32 : i32, i32
  }
  func.func @transform_1(%arg0: i32) -> (i32, i32) {
    %c0_i32 = arith.constant 0 : i32
    %c0_i32_0 = arith.constant 0 : i32
    return %arg0, %c0_i32 : i32, i32
  }
  func.func @transform_2(%arg0: i32) -> (i32, i32) {
    %c0_i32 = arith.constant 0 : i32
    %c0_i32_0 = arith.constant 0 : i32
    %c0_i32_1 = arith.constant 0 : i32
    return %c0_i32, %c0_i32_0 : i32, i32
  }
  func.func @transform_3(%arg0: i32) -> (i32, i32) {
    %c0_i32 = arith.constant 0 : i32
    %c0_i32_0 = arith.constant 0 : i32
    %c0_i32_1 = arith.constant 0 : i32
    return %c0_i32, %c0_i32_0 : i32, i32
  }
  func.func @transform_4(%arg0: i32) -> (i32, i32) {
    %c0_i32 = arith.constant 0 : i32
    %c0_i32_0 = arith.constant 0 : i32
    %c0_i32_1 = arith.constant 0 : i32
    return %c0_i32, %c0_i32_0 : i32, i32
  }
  func.func @transform_5(%arg0: i32) -> (i32, i32) {
    %c0_i32 = arith.constant 0 : i32
    %c0_i32_0 = arith.constant 0 : i32
    %c0_i32_1 = arith.constant 0 : i32
    return %c0_i32, %c0_i32_0 : i32, i32
  }
  func.func @transform_6(%arg0: i32) -> (i32, i32) {
    %c0_i32 = arith.constant 0 : i32
    %c0_i32_0 = arith.constant 0 : i32
    return %arg0, %c0_i32 : i32, i32
  }
}

</mosaic_0001>

<sc_bundles>
// kernel: kernel.5.cloned.1.call-start
scs
__scs_entry_jumppad:
0x0: {  	(pc) =	sbr.rel $0x88, $3  }
0x1: {  	(tag) =	ssettag $0x0;
	lr =	simm.s32 $0x1  }
0x2: {  	[smem:$0x3F9B] =	sst lr;
	_ =	strace $0xD0000000  }
0x3: {  	_ = 	snop  }
0x4: {  	_ = 	snop  }
0x5: {  	_ = 	snop  }
0x6: {  	_ = 	snop  }
0x7: {  	_ = 	snop  }
__scs_overlays_trampoline_lowered:
0x8: {  	[smem:$0x3FAA] =	sst s0  }
0x9: {  	[smem:$0x3FAB] =	sst s1  }
0xa: {  	[smem:$0x3FAC] =	sst s2  }
0xb: {  	[smem:$0x3FAD] =	sst s3  }
0xc: {  	[smem:$0x3FAE] =	sst s4  }
0xd: {  	[smem:$0x3FAF] =	sst s5  }
0xe: {  	[smem:$0x3FB0] =	sst s6  }
0xf: {  	[smem:$0x3FB1] =	sst s7  }
0x10: {  	[smem:$0x3FB2] =	sst s8  }
0x11: {  	[smem:$0x3FB3] =	sst s9;
	s0 =	simm.s32 @!p0 $0x0  }
0x12: {  	s1 =	sld [smem:$0x3F99];
	s0 =	simm.s32 @p0 $0x1  }
0x13: {  	[smem:$0x3FB4] =	sst s0;
	s0 =	simm.s32 @!p1 $0x0  }
0x14: {  	s2 =	sld [smem:$0x3F98];
	s0 =	simm.s32 @p1 $0x1  }
0x15: {  	[smem:$0x3FB5] =	sst s0;
	s0 =	simm.s32 @!p2 $0x0  }
0x16: {  	s3 =	sld [smem:$0x3FDB];
	s0 =	simm.s32 @p2 $0x1  }
0x17: {  	s4 =	simm.s32 $0x1BF5;
	[smem:$0x3FB7] =	sst s0  }
0x18: {  	s0 =	sld [smem:$0x3F9A];
	_ =	swait.ge [sflag:s4], $0x0  }
0x19: {  	s7 =	sld [smem:$0x3F9B]  }
0x1a: {  	s8 =	sadd.s32 $0xFFFFE003, lr  }
0x1b: {  	s9 =	sadd.s32 $0xFFFFFEF7, lr;
	s5 =	simm.s32 $0xFFFFFFFF;
	p2 =	slt.u32 s8, $0xFFFFF086  }
0x1c: {  	p1 =	slt.u32 s9, $0xF7A;
	s5 =	simm.s32 @!p2 $0x0  }
0x1d: {  	s5 =	simm.s32 @p1 $0x1;
	p0 =	seq.s32 s7, s2  }
0x1e: {  	s7 =	smul.u32 @!p0 $0xF7A, s2;
	p2 =	seq.s32 @!p0 s5, $0x0  }
0x1f: {  	s9 =	smul.u32 $0xF7A, s1;
	s8 =	simm.s32 @!p0 $0x1BF5;
	p2 =	por !p2, p0  }
0x20: {  	[sflag:s8] =	ssyncset.s32 @!p0 $0xFFFFF086;
	s6 =	sadd.s32 @!p0 s3, s7;
	s7 =	simm.s32 @!p0 $0x108  }
0x21: {  	s3 =	sadd.s32 s3, s9;
	s6 =	sadd.s32 @!p0 $0x88, s6;
	s7 =	simm.s32 @p2 $0x1082  }
0x22: {  	[simem:s7], [sflag:s8] =	dma.local @!p0 [hbm:s6], $0xF7A  }
0x23: {  	s9 =	sor.u32 $0xD0000000, s2;
	s6 =	simm.s32 $0x108;
	_ =	swait.ge @!p0 [sflag:s8], $0x0  }
0x24: {  	s3 =	sadd.s32 $0x88, s3;
	s6 =	simm.s32 @!p1 $0x1082;
	[sflag:s4] =	ssyncset.s32 $0xFFFFF086  }
0x25: {  	[simem:s6], [sflag:s4] =	dma.local [hbm:s3], $0xF7A  }
0x26: {  	[smem:$0x3F9B] =	sst s1;
	(tag) =	ssettag s2;
	_ =	strace s9  }
0x27: {  	s1 =	sld [smem:$0x3FAB]  }
0x28: {  	s2 =	sld [smem:$0x3FAC]  }
0x29: {  	s4 =	sld [smem:$0x3FAE]  }
0x2a: {  	p0 =	seq.s32 s5, $0x0;
	s5 =	sld [smem:$0x3FAF]  }
0x2b: {  	s6 =	sld [smem:$0x3FB0]  }
0x2c: {  	s7 =	sld [smem:$0x3FB1]  }
0x2d: {  	s3 =	simm.s32 $0x108;
	s8 =	sld [smem:$0x3FB2]  }
0x2e: {  	s3 =	simm.s32 @!p0 $0x1082;
	s9 =	sld [smem:$0x3FB3]  }
0x2f: {  	lr =	sadd.s32 s0, s3;
	s0 =	sld [smem:$0x3FAA]  }
0x30: {  	s3 =	sld [smem:$0x3FAD]  }
0x31: {  	[smem:$0x3FB6] =	sst s10  }
0x32: {  	s10 =	sld [smem:$0x3FB4];
	_ =	sdelay $0x3  }
0x33: {  	p0 =	seq.s32 s10, $0x1;
	s10 =	sld [smem:$0x3FB6];
	_ =	sdelay $0x3  }
0x34: {  	[smem:$0x3FB6] =	sst s10  }
0x35: {  	s10 =	sld [smem:$0x3FB5];
	_ =	sdelay $0x3  }
0x36: {  	p1 =	seq.s32 s10, $0x1;
	s10 =	sld [smem:$0x3FB6];
	_ =	sdelay $0x3  }
0x37: {  	[smem:$0x3FB6] =	sst s10  }
0x38: {  	s10 =	sld [smem:$0x3FB7]  }
0x39: {  	_ = 	snop;
	(pc) =	sbr.ind lr, $3  }
0x3a: {  	_ = 	snop  }
0x3b: {  	_ = 	snop  }
0x3c: {  	p2 =	seq.s32 s10, $0x1;
	s10 =	sld [smem:$0x3FB6]  }
0x3d: {  	_ =	shalt  }
0x3e: {  	_ =	shalt  }
0x3f: {  	_ =	shalt  }
0x40: {  	_ =	shalt  }
0x41: {  	_ =	shalt  }
0x42: {  	_ =	shalt  }
0x43: {  	_ =	shalt  }
0x44: {  	_ =	shalt  }
0x45: {  	_ =	shalt  }
0x46: {  	_ =	shalt  }
0x47: {  	_ =	shalt  }
0x48: {  	_ =	shalt  }
0x49: {  	_ =	shalt  }
0x4a: {  	_ =	shalt  }
0x4b: {  	_ =	shalt  }
0x4c: {  	_ =	shalt  }
0x4d: {  	_ =	shalt  }
0x4e: {  	_ =	shalt  }
0x4f: {  	_ =	shalt  }
0x50: {  	_ =	shalt  }
0x51: {  	_ =	shalt  }
0x52: {  	_ =	shalt  }
0x53: {  	_ =	shalt  }
0x54: {  	_ =	shalt  }
0x55: {  	_ =	shalt  }
0x56: {  	_ =	shalt  }
0x57: {  	_ =	shalt  }
0x58: {  	_ =	shalt  }
0x59: {  	_ =	shalt  }
0x5a: {  	_ =	shalt  }
0x5b: {  	_ =	shalt  }
0x5c: {  	_ =	shalt  }
0x5d: {  	_ =	shalt  }
0x5e: {  	_ =	shalt  }
0x5f: {  	_ =	shalt  }
0x60: {  	_ =	shalt  }
0x61: {  	_ =	shalt  }
0x62: {  	_ =	shalt  }
0x63: {  	_ =	shalt  }
0x64: {  	_ =	shalt  }
0x65: {  	_ =	shalt  }
0x66: {  	_ =	shalt  }
0x67: {  	_ =	shalt  }
0x68: {  	_ =	shalt  }
0x69: {  	_ =	shalt  }
0x6a: {  	_ =	shalt  }
0x6b: {  	_ =	shalt  }
0x6c: {  	_ =	shalt  }
0x6d: {  	_ =	shalt  }
0x6e: {  	_ =	shalt  }
0x6f: {  	_ =	shalt  }
0x70: {  	_ =	shalt  }
0x71: {  	_ =	shalt  }
0x72: {  	_ =	shalt  }
0x73: {  	_ =	shalt  }
0x74: {  	_ =	shalt  }
0x75: {  	_ =	shalt  }
0x76: {  	_ =	shalt  }
0x77: {  	_ =	shalt  }
0x78: {  	_ =	shalt  }
0x79: {  	_ =	shalt  }
0x7a: {  	_ =	shalt  }
0x7b: {  	_ =	shalt  }
0x7c: {  	_ =	shalt  }
0x7d: {  	_ =	shalt  }
0x7e: {  	_ =	shalt  }
0x7f: {  	_ =	shalt  }
0x80: {  	_ =	shalt  }
0x81: {  	_ =	shalt  }
0x82: {  	_ =	shalt  }
0x83: {  	_ =	shalt  }
0x84: {  	_ =	shalt  }
0x85: {  	_ =	shalt  }
0x86: {  	_ =	shalt  }
0x87: {  	_ =	shalt  }
.Lfunc_end0:
.L_simem_size_0:
called_computation_lowered:
.L_overlay_start_0:
0x88: {  	s2 =	sld [smem:$0x3FD9]  }
0x89: {  	s3 =	sld [smem:$0x3FFE];
	_ =	sdelay $0x1  }
0x8a: {  	s1 =	srdreg.scid  }
0x8b: {  	s0 =	sand.u32 $0x1, s1  }
0x8c: {  	s17 =	sshll.u32 s0, $0xA;
	s2 =	sadd.s32 s3, s2  }
0x8d: {  	s2 =	sadd.s32 s2, s17  }
0x8e: {  	[smem:$0x3FC2] =	sst s2  }
0x8f: {  	_ = 	snop  }
0x90: {  	s2 =	sld [smem:$0x3FD0];
	(tm) =	ssettm $0x1  }
0x91: {  	s18 =	sld [smem:$0x3FFB];
	_ =	sdelay $0x3  }
0x92: {  	_ =	strace s18  }
0x93: {  	s3 =	sld [smem:$0x3FFC];
	_ =	sdelay $0x3  }
0x94: {  	_ =	strace s3  }
0x95: {  	s3 =	sld [smem:$0x3FFD];
	_ =	sdelay $0x3  }
0x96: {  	_ =	strace s3  }
0x97: {  	_ =	strace $0x8FFFFFFF  }
0x98: {  	s19 =	sld [smem:$0x3FDB];
	_ =	sdelay $0x1  }
0x99: {  	s4 =	simm.s32 $_scs_section_size  }
0x9a: {  	s5 =	simm.s32 $_size__tile_overlayer_lowered;
	s6 =	simm.s32 $_tile_overlayer_lowered  }
0x9b: {  	s22 =	simm.s32 $0x1BFF;
	s21 =	sshll.u32 s6, $0x1;
	s3 =	sadd.s32 s4, s19  }
0x9c: {  	s7 =	simm.s32 $0x0;
	s20 =	sshll.u32 s5, $0x1;
	s5 =	sadd.s32 s21, s3  }
0x9d: {  	[timem:s7], [sflag:s22] =	dma.local [hbm:s5], s20  }
0x9e: {  	_ =	swait.ge [sflag:s22], s20  }
0x9f: {  	s4 =	ssub.s32 $0x0, s20;
	[sflag:s22] =	ssyncset.done $0x0  }
0xa0: {  	[sflag:s22] =	ssyncadd.s32 s4;
	_ =	sdelay $0x1  }
0xa1: {  	s23 =	simm.s32 $0x1B8B  }
0xa2: {  	_ =	swait.ge [sflag:s23], $0x1  }
0xa3: {  	[sflag:s23] =	ssyncset.done $0x0  }
0xa4: {  	s25 =	simm.s32 $0x1B8E;
	s24 =	sld [smem:$0x3FFE];
	[sflag:s23] =	ssyncadd.s32 $0xFFFFFFFF  }
0xa5: {  	s26 =	simm.s32 $execute0_lowered;
	[smem:$0x3FD2] =	sst s25  }
0xa6: {  	s5 =	sshll.u32 s26, $0x1;
	_ =	strace $0x80000046;
	[dreg:$0x1] =	wrdreg $0xFFFFFFFF  }
0xa7: {  	s28 =	simm.s32 $_size_execute0_lowered;
	s3 =	sadd.s32 s3, s5;
	[dreg:$0x0] =	wrdreg $0x0  }
0xa8: {  	s5 =	sshll.u32 s28, $0x1;
	[dreg:$0x2] =	wrdreg s3  }
0xa9: {  	[dreg:$0x3] =	wrdreg s5  }
0xaa: {  	[dreg:$0x4] =	wrdreg $0xC0  }
0xab: {  	_ =	task [dreg:s7], $0x5FFFF  }
0xac: {  	[dreg:$0x1] =	wrdreg $0xFFFFFFFF  }
0xad: {  	[dreg:$0x0] =	wrdreg $0x60  }
0xae: {  	[dreg:$0x2] =	wrdreg s24  }
0xaf: {  	[dreg:$0x3] =	wrdreg s2  }
0xb0: {  	[dreg:$0x4] =	wrdreg $0x9  }
0xb1: {  	_ =	task.clear_ibuf [dreg:s7], $0x5FFFF;
	_ =	strace $0x90000046  }
0xb2: {  	s29 =	simm.s32 $0x9;
	_ =	strace $0x80000048  }
0xb3: {  	_ =	swait.ge [sflag:s29], $0x1  }
0xb4: {  	[sflag:s29] =	ssyncadd.s32 $0xFFFFFFFF  }
0xb5: {  	_ =	strace $0x90000048  }
0xb6: {  	_ =	sfence  }
0xb7: {  	s30 =	sld [smem:$0x0];
	_ =	sdelay $0x2  }
0xb8: {  	s31 =	sshll.u32 s1, $0xD;
	s1 =	sshrl.u32 s1, $0x2  }
0xb9: {  	s3 =	sand.u32 $0x4000, s31;
	s1 =	sadd.s32 s1, s30  }
0xba: {  	s0 =	sor.u32 s3, s0;
	s1 =	sshll.u32 s1, $0x11  }
0xbb: {  	s0 =	sor.u32 s1, s0  }
0xbc: {  	s0 =	sadd.s32 $0x8F2B, s0  }
0xbd: {  	[sflag:s0] =	ssyncadd.remote.s32 $0x1  }
0xbe: {  	_ =	sfence.sel $0xFFFF  }
0xbf: {  	[dreg:$0x0] =	wrdreg $0xFFFFFFFF;
	(pc) =	sbr.abs _section_cstart, $3  }
0xc0: {  	[dreg:$0x1] =	wrdreg $0xFFFFFFFF  }
0xc1: {  	_ =	task.clear_ibuf [dreg:s7], $0x2FFFF;
	_ =	strace $0x9FFFFFFF  }
0xc2: {  	(tm) =	ssettm $0x7FFFFFFF  }
0xc3: {  	_ =	shalt  }
tec
execute0_lowered:
.L_overlay_start_1:
0x0: {  	(tag) =	ssettag $0x1  }
0x1: {  	s0 =	srdreg.scid  }
0x2: {  	s1 =	stileid.u32;
	s0 =	sand.u32 $0x1, s0  }
0x3: {  	s1 =	sshll.u32 s1, $0xA;
	s2 =	sshll.u32 s0, $0x9  }
0x4: {  	s1 =	sor.u32 s2, s1  }
0x5: {  	s3 =	rddreg [dreg:$0x0];
	s5 =	sshrl.u32 s1, $0x3  }
0x6: {  	s4 =	rddreg [dreg:$0x1];
	s2 =	simm.s32 $0x0;
	s6 =	smul.u32 $0x280, s5  }
0x7: {  	[smem:$0x7FF] =	sst s2;
	s5 =	smul.u32 $0x1400, s5  }
0x8: {  	s7 =	sadd.s32 $0x403400, s3;
	s1 =	sadd.s32 s4, s1;
	_ =	strace $0x80000047  }
0x9: {  	[dreg:$0x3] =	wrdreg s1;
	s6 =	sadd.s32 s7, s6;
	s22 =	sshrl.u32 s5, $0x3  }
0xa: {  	[dreg:$0xb] =	wrdreg s6;
	s23 =	sadd.s32 $0x1400, s6;
	s4 =	sadd.s32 s7, s22  }
0xb: {  	s10 =	simm.s32 $0x1;
	[dreg:$0x4] =	wrdreg s23;
	s24 =	sadd.s32 $0x2800, s4  }
0xc: {  	s11 =	simm.s32 $0x2;
	s25 =	sadd.s32 $0x3C00, s4;
	[dreg:$0x5] =	wrdreg s24  }
0xd: {  	s0 =	ssub.s32 $0x2, s0;
	s26 =	sadd.s32 $0x5000, s4;
	[dreg:$0x6] =	wrdreg s25  }
0xe: {  	s30 =	sshrl.u32 s0, $0x1;
	s28 =	sadd.s32 $0x6400, s4;
	[dreg:$0x7] =	wrdreg s26  }
0xf: {  	v2 =	vlaneseq.u32;
	s0 =	ssub.s32 s0, s30;
	s29 =	sadd.s32 $0x7800, s4;
	[dreg:$0x8] =	wrdreg s28  }
0x10: {  	vm0 =	vmmov $0xff;
	v1 =	vshrl.u32 v2, $0x3;
	s5 =	smax.u32 s0, $0x1;
	s31 =	sadd.s32 $0x8C00, s4;
	[dreg:$0x9] =	wrdreg s29  }
0x11: {  	v0 =	vand.u32 $0x7, v2;
	v2 =	vor.u32 $0x8, v2;
	v1 =	vmul.u32 $0x8, v1;
	s6 =	simm.s32 $0x3;
	s4 =	sadd.s32 $0x1000, s3;
	[dreg:$0xa] =	wrdreg s31  }
.LBB2_1:
0x12: {  	s12 =	rddreg [dreg:$0x3]  }
0x13: {  	[tilespmem:s2], [sflag:$0x3] =	stream.linear.gather [hbm4b:s12+s2], $0x1000, $0x38;
	[tilespmem:$0x15000] =	vst v63  }
0x14: {  	_ =	swait.ge [sflag:s6], $0x1000  }
0x15: {  	[sflag:s6] =	ssyncset.done $0x0  }
0x16: {  	[sflag:s6] =	ssyncadd.s32 $0xFFFFF000  }
0x17: {  	v3 =	vld [tilespmem:$0x0];
	_ =	sdelay $0x4  }
0x18: {  	v4 =	vperm.xlane v3, v0;
	_ =	sdelay $0x1  }
0x19: {  	v3 =	vperm.xlane v3, v2;
	v4 =	vadd.s32 v1, v4;
	_ =	sdelay $0x1  }
0x1a: {  	v3 =	vadd.s32 v1, v3;
	_ =	sdelay $0x1  }
0x1b: {  	s0 =	simm.s32 $0x1000  }
0x1c: {  	[tilespmem:s0], [sflag:$0x1] =	stream.indirect_vreg.gather [hbm4b:s4+s2], $0x80, v4, vm0, $0xb8;
	[tilespmem:$0x15000] =	vst v63  }
0x1d: {  	s1 =	simm.s32 $0x2400  }
0x1e: {  	[tilespmem:s1], [sflag:$0x1] =	stream.indirect_vreg.gather [hbm4b:s4+s2], $0x80, v3, vm0, $0xb8;
	[tilespmem:$0x15000] =	vst v63  }
0x1f: {  	v3 =	vld [tilespmem:$0x10];
	_ =	sdelay $0x4  }
0x20: {  	v17 =	vperm.xlane v3, v0;
	_ =	sdelay $0x1  }
0x21: {  	v3 =	vperm.xlane v3, v2;
	v4 =	vadd.s32 v1, v17;
	_ =	sdelay $0x1  }
0x22: {  	v3 =	vadd.s32 v1, v3;
	_ =	sdelay $0x1  }
0x23: {  	s14 =	simm.s32 $0x3800  }
0x24: {  	[tilespmem:s14], [sflag:$0x1] =	stream.indirect_vreg.gather [hbm4b:s4+s2], $0x80, v4, vm0, $0xb8;
	[tilespmem:$0x15000] =	vst v63  }
0x25: {  	s15 =	simm.s32 $0x4C00  }
0x26: {  	[tilespmem:s15], [sflag:$0x1] =	stream.indirect_vreg.gather [hbm4b:s4+s2], $0x80, v3, vm0, $0xb8;
	[tilespmem:$0x15000] =	vst v63  }
0x27: {  	v3 =	vld [tilespmem:$0x20];
	_ =	sdelay $0x4  }
0x28: {  	v18 =	vperm.xlane v3, v0;
	_ =	sdelay $0x1  }
0x29: {  	v3 =	vperm.xlane v3, v2;
	v4 =	vadd.s32 v1, v18;
	_ =	sdelay $0x1  }
0x2a: {  	v3 =	vadd.s32 v1, v3;
	_ =	sdelay $0x1  }
0x2b: {  	s16 =	simm.s32 $0x6000  }
0x2c: {  	[tilespmem:s16], [sflag:$0x1] =	stream.indirect_vreg.gather [hbm4b:s4+s2], $0x80, v4, vm0, $0xb8;
	[tilespmem:$0x15000] =	vst v63  }
0x2d: {  	s17 =	simm.s32 $0x7400  }
0x2e: {  	[tilespmem:s17], [sflag:$0x1] =	stream.indirect_vreg.gather [hbm4b:s4+s2], $0x80, v3, vm0, $0xb8;
	[tilespmem:$0x15000] =	vst v63  }
0x2f: {  	v3 =	vld [tilespmem:$0x30];
	_ =	sdelay $0x4  }
0x30: {  	v19 =	vperm.xlane v3, v0;
	_ =	sdelay $0x1  }
0x31: {  	v3 =	vperm.xlane v3, v2;
	v4 =	vadd.s32 v1, v19;
	_ =	sdelay $0x1  }
0x32: {  	v3 =	vadd.s32 v1, v3;
	_ =	sdelay $0x1  }
0x33: {  	s18 =	simm.s32 $0x8800  }
0x34: {  	[tilespmem:s18], [sflag:$0x1] =	stream.indirect_vreg.gather [hbm4b:s4+s2], $0x80, v4, vm0, $0xb8;
	[tilespmem:$0x15000] =	vst v63  }
0x35: {  	s19 =	simm.s32 $0x9C00  }
0x36: {  	[tilespmem:s19], [sflag:$0x1] =	stream.indirect_vreg.gather [hbm4b:s4+s2], $0x80, v3, vm0, $0xb8;
	[tilespmem:$0x15000] =	vst v63  }
0x37: {  	v3 =	vld [tilespmem:$0x80];
	_ =	sdelay $0x4  }
0x38: {  	v20 =	vperm.xlane v3, v0;
	_ =	sdelay $0x1  }
0x39: {  	v3 =	vperm.xlane v3, v2;
	v4 =	vadd.s32 v1, v20;
	_ =	sdelay $0x1  }
0x3a: {  	v3 =	vadd.s32 v1, v3;
	_ =	sdelay $0x1  }
0x3b: {  	s20 =	simm.s32 $0x1400  }
0x3c: {  	[tilespmem:s20], [sflag:$0x1] =	stream.indirect_vreg.gather [hbm4b:s4+s2], $0x80, v4, vm0, $0xb8;
	[tilespmem:$0x15000] =	vst v63  }
0x3d: {  	s21 =	simm.s32 $0x2800  }
0x3e: {  	[tilespmem:s21], [sflag:$0x1] =	stream.indirect_vreg.gather [hbm4b:s4+s2], $0x80, v3, vm0, $0xb8;
	[tilespmem:$0x15000] =	vst v63  }
0x3f: {  	v3 =	vld [tilespmem:$0x90];
	_ =	sdelay $0x4  }
0x40: {  	v21 =	vperm.xlane v3, v0;
	_ =	sdelay $0x1  }
0x41: {  	v3 =	vperm.xlane v3, v2;
	v4 =	vadd.s32 v1, v21;
	_ =	sdelay $0x1  }
0x42: {  	v3 =	vadd.s32 v1, v3;
	_ =	sdelay $0x1  }
0x43: {  	s22 =	simm.s32 $0x3C00  }
0x44: {  	[tilespmem:s22], [sflag:$0x1] =	stream.indirect_vreg.gather [hbm4b:s4+s2], $0x80, v4, vm0, $0xb8;
	[tilespmem:$0x15000] =	vst v63  }
0x45: {  	s23 =	simm.s32 $0x5000  }
0x46: {  	[tilespmem:s23], [sflag:$0x1] =	stream.indirect_vreg.gather [hbm4b:s4+s2], $0x80, v3, vm0, $0xb8;
	[tilespmem:$0x15000] =	vst v63  }
0x47: {  	v3 =	vld [tilespmem:$0xA0];
	_ =	sdelay $0x4  }
0x48: {  	v22 =	vperm.xlane v3, v0;
	_ =	sdelay $0x1  }
0x49: {  	v3 =	vperm.xlane v3, v2;
	v4 =	vadd.s32 v1, v22;
	_ =	sdelay $0x1  }
0x4a: {  	v3 =	vadd.s32 v1, v3;
	_ =	sdelay $0x1  }
0x4b: {  	s24 =	simm.s32 $0x6400  }
0x4c: {  	[tilespmem:s24], [sflag:$0x1] =	stream.indirect_vreg.gather [hbm4b:s4+s2], $0x80, v4, vm0, $0xb8;
	[tilespmem:$0x15000] =	vst v63  }
0x4d: {  	s25 =	simm.s32 $0x7800  }
0x4e: {  	[tilespmem:s25], [sflag:$0x1] =	stream.indirect_vreg.gather [hbm4b:s4+s2], $0x80, v3, vm0, $0xb8;
	[tilespmem:$0x15000] =	vst v63  }
0x4f: {  	v3 =	vld [tilespmem:$0xB0];
	_ =	sdelay $0x4  }
0x50: {  	v23 =	vperm.xlane v3, v0;
	_ =	sdelay $0x1  }
0x51: {  	v3 =	vperm.xlane v3, v2;
	v4 =	vadd.s32 v1, v23;
	_ =	sdelay $0x1  }
0x52: {  	v3 =	vadd.s32 v1, v3;
	_ =	sdelay $0x1  }
0x53: {  	s26 =	simm.s32 $0x8C00  }
0x54: {  	[tilespmem:s26], [sflag:$0x1] =	stream.indirect_vreg.gather [hbm4b:s4+s2], $0x80, v4, vm0, $0xb8;
	[tilespmem:$0x15000] =	vst v63  }
0x55: {  	s28 =	simm.s32 $0xA000  }
0x56: {  	[tilespmem:s28], [sflag:$0x1] =	stream.indirect_vreg.gather [hbm4b:s4+s2], $0x80, v3, vm0, $0xb8;
	[tilespmem:$0x15000] =	vst v63  }
0x57: {  	v3 =	vld [tilespmem:$0x100];
	_ =	sdelay $0x4  }
0x58: {  	v24 =	vperm.xlane v3, v0;
	_ =	sdelay $0x1  }
0x59: {  	v3 =	vperm.xlane v3, v2;
	v4 =	vadd.s32 v1, v24;
	_ =	sdelay $0x1  }
0x5a: {  	v3 =	vadd.s32 v1, v3;
	_ =	sdelay $0x1  }
0x5b: {  	s29 =	simm.s32 $0x1800  }
0x5c: {  	[tilespmem:s29], [sflag:$0x1] =	stream.indirect_vreg.gather [hbm4b:s4+s2], $0x80, v4, vm0, $0xb8;
	[tilespmem:$0x15000] =	vst v63  }
0x5d: {  	s30 =	simm.s32 $0x2C00  }
0x5e: {  	[tilespmem:s30], [sflag:$0x1] =	stream.indirect_vreg.gather [hbm4b:s4+s2], $0x80, v3, vm0, $0xb8;
	[tilespmem:$0x15000] =	vst v63  }
0x5f: {  	v3 =	vld [tilespmem:$0x110];
	_ =	sdelay $0x4  }
0x60: {  	v25 =	vperm.xlane v3, v0;
	_ =	sdelay $0x1  }
0x61: {  	v3 =	vperm.xlane v3, v2;
	v4 =	vadd.s32 v1, v25;
	_ =	sdelay $0x1  }
0x62: {  	v3 =	vadd.s32 v1, v3;
	_ =	sdelay $0x1  }
0x63: {  	s31 =	simm.s32 $0x4000  }
0x64: {  	[tilespmem:s31], [sflag:$0x1] =	stream.indirect_vreg.gather [hbm4b:s4+s2], $0x80, v4, vm0, $0xb8;
	[tilespmem:$0x15000] =	vst v63  }
0x65: {  	s0 =	simm.s32 $0x5400  }
0x66: {  	[tilespmem:s0], [sflag:$0x1] =	stream.indirect_vreg.gather [hbm4b:s4+s2], $0x80, v3, vm0, $0xb8;
	[tilespmem:$0x15000] =	vst v63  }
0x67: {  	v3 =	vld [tilespmem:$0x120];
	_ =	sdelay $0x4  }
0x68: {  	v26 =	vperm.xlane v3, v0;
	_ =	sdelay $0x1  }
0x69: {  	v3 =	vperm.xlane v3, v2;
	v4 =	vadd.s32 v1, v26;
	_ =	sdelay $0x1  }
0x6a: {  	v3 =	vadd.s32 v1, v3;
	_ =	sdelay $0x1  }
0x6b: {  	s12 =	simm.s32 $0x6800  }
0x6c: {  	[tilespmem:s12], [sflag:$0x1] =	stream.indirect_vreg.gather [hbm4b:s4+s2], $0x80, v4, vm0, $0xb8;
	[tilespmem:$0x15000] =	vst v63  }
0x6d: {  	s19 =	simm.s32 $0x7C00  }
0x6e: {  	[tilespmem:s19], [sflag:$0x1] =	stream.indirect_vreg.gather [hbm4b:s4+s2], $0x80, v3, vm0, $0xb8;
	[tilespmem:$0x15000] =	vst v63  }
0x6f: {  	v3 =	vld [tilespmem:$0x130];
	_ =	sdelay $0x4  }
0x70: {  	v27 =	vperm.xlane v3, v0;
	_ =	sdelay $0x1  }
0x71: {  	v3 =	vperm.xlane v3, v2;
	v4 =	vadd.s32 v1, v27;
	_ =	sdelay $0x1  }
0x72: {  	v3 =	vadd.s32 v1, v3;
	_ =	sdelay $0x1  }
0x73: {  	s20 =	simm.s32 $0x9000  }
0x74: {  	[tilespmem:s20], [sflag:$0x1] =	stream.indirect_vreg.gather [hbm4b:s4+s2], $0x80, v4, vm0, $0xb8;
	[tilespmem:$0x15000] =	vst v63  }
0x75: {  	s21 =	simm.s32 $0xA400  }
0x76: {  	[tilespmem:s21], [sflag:$0x1] =	stream.indirect_vreg.gather [hbm4b:s4+s2], $0x80, v3, vm0, $0xb8;
	[tilespmem:$0x15000] =	vst v63  }
0x77: {  	v3 =	vld [tilespmem:$0x180];
	_ =	sdelay $0x4  }
0x78: {  	v28 =	vperm.xlane v3, v0;
	_ =	sdelay $0x1  }
0x79: {  	v3 =	vperm.xlane v3, v2;
	v4 =	vadd.s32 v1, v28;
	_ =	sdelay $0x1  }
0x7a: {  	v3 =	vadd.s32 v1, v3;
	_ =	sdelay $0x1  }
0x7b: {  	s22 =	simm.s32 $0x1C00  }
0x7c: {  	[tilespmem:s22], [sflag:$0x1] =	stream.indirect_vreg.gather [hbm4b:s4+s2], $0x80, v4, vm0, $0xb8;
	[tilespmem:$0x15000] =	vst v63  }
0x7d: {  	s23 =	simm.s32 $0x3000  }
0x7e: {  	[tilespmem:s23], [sflag:$0x1] =	stream.indirect_vreg.gather [hbm4b:s4+s2], $0x80, v3, vm0, $0xb8;
	[tilespmem:$0x15000] =	vst v63  }
0x7f: {  	v3 =	vld [tilespmem:$0x190];
	_ =	sdelay $0x4  }
0x80: {  	v29 =	vperm.xlane v3, v0;
	_ =	sdelay $0x1  }
0x81: {  	v3 =	vperm.xlane v3, v2;
	v4 =	vadd.s32 v1, v29;
	_ =	sdelay $0x1  }
0x82: {  	v3 =	vadd.s32 v1, v3;
	_ =	sdelay $0x1  }
0x83: {  	s24 =	simm.s32 $0x4400  }
0x84: {  	[tilespmem:s24], [sflag:$0x1] =	stream.indirect_vreg.gather [hbm4b:s4+s2], $0x80, v4, vm0, $0xb8;
	[tilespmem:$0x15000] =	vst v63  }
0x85: {  	s25 =	simm.s32 $0x5800  }
0x86: {  	[tilespmem:s25], [sflag:$0x1] =	stream.indirect_vreg.gather [hbm4b:s4+s2], $0x80, v3, vm0, $0xb8;
	[tilespmem:$0x15000] =	vst v63  }
0x87: {  	v3 =	vld [tilespmem:$0x1A0];
	_ =	sdelay $0x4  }
0x88: {  	v30 =	vperm.xlane v3, v0;
	_ =	sdelay $0x1  }
0x89: {  	v3 =	vperm.xlane v3, v2;
	v4 =	vadd.s32 v1, v30;
	_ =	sdelay $0x1  }
0x8a: {  	v3 =	vadd.s32 v1, v3;
	_ =	sdelay $0x1  }
0x8b: {  	s26 =	simm.s32 $0x6C00  }
0x8c: {  	[tilespmem:s26], [sflag:$0x1] =	stream.indirect_vreg.gather [hbm4b:s4+s2], $0x80, v4, vm0, $0xb8;
	[tilespmem:$0x15000] =	vst v63  }
0x8d: {  	s28 =	simm.s32 $0x8000  }
0x8e: {  	[tilespmem:s28], [sflag:$0x1] =	stream.indirect_vreg.gather [hbm4b:s4+s2], $0x80, v3, vm0, $0xb8;
	[tilespmem:$0x15000] =	vst v63  }
0x8f: {  	v3 =	vld [tilespmem:$0x1B0];
	_ =	sdelay $0x4  }
0x90: {  	v31 =	vperm.xlane v3, v0;
	_ =	sdelay $0x1  }
0x91: {  	v3 =	vperm.xlane v3, v2;
	v4 =	vadd.s32 v1, v31;
	_ =	sdelay $0x1  }
0x92: {  	v3 =	vadd.s32 v1, v3;
	_ =	sdelay $0x1  }
0x93: {  	s29 =	simm.s32 $0x9400  }
0x94: {  	[tilespmem:s29], [sflag:$0x1] =	stream.indirect_vreg.gather [hbm4b:s4+s2], $0x80, v4, vm0, $0xb8;
	[tilespmem:$0x15000] =	vst v63  }
0x95: {  	s30 =	simm.s32 $0xA800  }
0x96: {  	[tilespmem:s30], [sflag:$0x1] =	stream.indirect_vreg.gather [hbm4b:s4+s2], $0x80, v3, vm0, $0xb8;
	[tilespmem:$0x15000] =	vst v63  }
0x97: {  	v3 =	vld [tilespmem:$0x200];
	_ =	sdelay $0x4  }
0x98: {  	v32 =	vperm.xlane v3, v0;
	_ =	sdelay $0x1  }
0x99: {  	v3 =	vperm.xlane v3, v2;
	v4 =	vadd.s32 v1, v32;
	_ =	sdelay $0x1  }
0x9a: {  	v3 =	vadd.s32 v1, v3;
	_ =	sdelay $0x1  }
0x9b: {  	s31 =	simm.s32 $0x2000  }
0x9c: {  	[tilespmem:s31], [sflag:$0x1] =	stream.indirect_vreg.gather [hbm4b:s4+s2], $0x80, v4, vm0, $0xb8;
	[tilespmem:$0x15000] =	vst v63  }
0x9d: {  	s0 =	simm.s32 $0x3400  }
0x9e: {  	[tilespmem:s0], [sflag:$0x1] =	stream.indirect_vreg.gather [hbm4b:s4+s2], $0x80, v3, vm0, $0xb8;
	[tilespmem:$0x15000] =	vst v63  }
0x9f: {  	v3 =	vld [tilespmem:$0x210];
	_ =	sdelay $0x4  }
0xa0: {  	v33 =	vperm.xlane v3, v0;
	_ =	sdelay $0x1  }
0xa1: {  	v3 =	vperm.xlane v3, v2;
	v4 =	vadd.s32 v1, v33;
	_ =	sdelay $0x1  }
0xa2: {  	v3 =	vadd.s32 v1, v3;
	_ =	sdelay $0x1  }
0xa3: {  	s12 =	simm.s32 $0x4800  }
0xa4: {  	[tilespmem:s12], [sflag:$0x1] =	stream.indirect_vreg.gather [hbm4b:s4+s2], $0x80, v4, vm0, $0xb8;
	[tilespmem:$0x15000] =	vst v63  }
0xa5: {  	s21 =	simm.s32 $0x5C00  }
0xa6: {  	[tilespmem:s21], [sflag:$0x1] =	stream.indirect_vreg.gather [hbm4b:s4+s2], $0x80, v3, vm0, $0xb8;
	[tilespmem:$0x15000] =	vst v63  }
0xa7: {  	v3 =	vld [tilespmem:$0x220];
	_ =	sdelay $0x4  }
0xa8: {  	v34 =	vperm.xlane v3, v0;
	_ =	sdelay $0x1  }
0xa9: {  	v3 =	vperm.xlane v3, v2;
	v4 =	vadd.s32 v1, v34;
	_ =	sdelay $0x1  }
0xaa: {  	v3 =	vadd.s32 v1, v3;
	_ =	sdelay $0x1  }
0xab: {  	s25 =	simm.s32 $0x7000  }
0xac: {  	[tilespmem:s25], [sflag:$0x1] =	stream.indirect_vreg.gather [hbm4b:s4+s2], $0x80, v4, vm0, $0xb8;
	[tilespmem:$0x15000] =	vst v63  }
0xad: {  	s26 =	simm.s32 $0x8400  }
0xae: {  	[tilespmem:s26], [sflag:$0x1] =	stream.indirect_vreg.gather [hbm4b:s4+s2], $0x80, v3, vm0, $0xb8;
	[tilespmem:$0x15000] =	vst v63  }
0xaf: {  	v3 =	vld [tilespmem:$0x230];
	_ =	sdelay $0x4  }
0xb0: {  	v35 =	vperm.xlane v3, v0;
	_ =	sdelay $0x1  }
0xb1: {  	v3 =	vperm.xlane v3, v2;
	v4 =	vadd.s32 v1, v35;
	_ =	sdelay $0x1  }
0xb2: {  	v3 =	vadd.s32 v1, v3;
	_ =	sdelay $0x1  }
0xb3: {  	s29 =	simm.s32 $0x9800  }
0xb4: {  	[tilespmem:s29], [sflag:$0x1] =	stream.indirect_vreg.gather [hbm4b:s4+s2], $0x80, v4, vm0, $0xb8;
	[tilespmem:$0x15000] =	vst v63  }
0xb5: {  	s30 =	simm.s32 $0xAC00  }
0xb6: {  	[tilespmem:s30], [sflag:$0x1] =	stream.indirect_vreg.gather [hbm4b:s4+s2], $0x80, v3, vm0, $0xb8;
	[tilespmem:$0x15000] =	vst v63  }
0xb7: {  	v3 =	vld [tilespmem:$0x40];
	_ =	sdelay $0x4  }
0xb8: {  	v36 =	vperm.xlane v3, v0;
	_ =	sdelay $0x1  }
0xb9: {  	v3 =	vperm.xlane v3, v2;
	v4 =	vadd.s32 v1, v36;
	_ =	sdelay $0x1  }
0xba: {  	v3 =	vadd.s32 v1, v3;
	_ =	sdelay $0x1  }
0xbb: {  	s31 =	simm.s32 $0xB000  }
0xbc: {  	[tilespmem:s31], [sflag:$0x2] =	stream.indirect_vreg.gather [hbm4b:s4+s2], $0x80, v4, vm0, $0xb8;
	[tilespmem:$0x15000] =	vst v63  }
0xbd: {  	s0 =	simm.s32 $0xC400  }
0xbe: {  	[tilespmem:s0], [sflag:$0x2] =	stream.indirect_vreg.gather [hbm4b:s4+s2], $0x80, v3, vm0, $0xb8;
	[tilespmem:$0x15000] =	vst v63  }
0xbf: {  	v3 =	vld [tilespmem:$0x50];
	_ =	sdelay $0x4  }
0xc0: {  	v37 =	vperm.xlane v3, v0;
	_ =	sdelay $0x1  }
0xc1: {  	v3 =	vperm.xlane v3, v2;
	v4 =	vadd.s32 v1, v37;
	_ =	sdelay $0x1  }
0xc2: {  	v3 =	vadd.s32 v1, v3;
	_ =	sdelay $0x1  }
0xc3: {  	s1 =	simm.s32 $0xD800  }
0xc4: {  	[tilespmem:s1], [sflag:$0x2] =	stream.indirect_vreg.gather [hbm4b:s4+s2], $0x80, v4, vm0, $0xb8;
	[tilespmem:$0x15000] =	vst v63  }
0xc5: {  	s21 =	simm.s32 $0xEC00  }
0xc6: {  	[tilespmem:s21], [sflag:$0x2] =	stream.indirect_vreg.gather [hbm4b:s4+s2], $0x80, v3, vm0, $0xb8;
	[tilespmem:$0x15000] =	vst v63  }
0xc7: {  	v3 =	vld [tilespmem:$0x60];
	_ =	sdelay $0x4  }
0xc8: {  	v38 =	vperm.xlane v3, v0;
	_ =	sdelay $0x1  }
0xc9: {  	v3 =	vperm.xlane v3, v2;
	v4 =	vadd.s32 v1, v38;
	_ =	sdelay $0x1  }
0xca: {  	v3 =	vadd.s32 v1, v3;
	_ =	sdelay $0x1  }
0xcb: {  	s25 =	simm.s32 $0x10000  }
0xcc: {  	[tilespmem:s25], [sflag:$0x2] =	stream.indirect_vreg.gather [hbm4b:s4+s2], $0x80, v4, vm0, $0xb8;
	[tilespmem:$0x15000] =	vst v63  }
0xcd: {  	s26 =	simm.s32 $0x11400  }
0xce: {  	[tilespmem:s26], [sflag:$0x2] =	stream.indirect_vreg.gather [hbm4b:s4+s2], $0x80, v3, vm0, $0xb8;
	[tilespmem:$0x15000] =	vst v63  }
0xcf: {  	v3 =	vld [tilespmem:$0x70];
	_ =	sdelay $0x4  }
0xd0: {  	v39 =	vperm.xlane v3, v0;
	_ =	sdelay $0x1  }
0xd1: {  	v3 =	vperm.xlane v3, v2;
	v4 =	vadd.s32 v1, v39;
	_ =	sdelay $0x1  }
0xd2: {  	v3 =	vadd.s32 v1, v3;
	_ =	sdelay $0x1  }
0xd3: {  	s29 =	simm.s32 $0x12800  }
0xd4: {  	[tilespmem:s29], [sflag:$0x2] =	stream.indirect_vreg.gather [hbm4b:s4+s2], $0x80, v4, vm0, $0xb8;
	[tilespmem:$0x15000] =	vst v63  }
0xd5: {  	s30 =	simm.s32 $0x13C00  }
0xd6: {  	[tilespmem:s30], [sflag:$0x2] =	stream.indirect_vreg.gather [hbm4b:s4+s2], $0x80, v3, vm0, $0xb8;
	[tilespmem:$0x15000] =	vst v63  }
0xd7: {  	v3 =	vld [tilespmem:$0xC0];
	_ =	sdelay $0x4  }
0xd8: {  	v40 =	vperm.xlane v3, v0;
	_ =	sdelay $0x1  }
0xd9: {  	v3 =	vperm.xlane v3, v2;
	v4 =	vadd.s32 v1, v40;
	_ =	sdelay $0x1  }
0xda: {  	v3 =	vadd.s32 v1, v3;
	_ =	sdelay $0x1  }
0xdb: {  	s31 =	simm.s32 $0xB400  }
0xdc: {  	[tilespmem:s31], [sflag:$0x2] =	stream.indirect_vreg.gather [hbm4b:s4+s2], $0x80, v4, vm0, $0xb8;
	[tilespmem:$0x15000] =	vst v63  }
0xdd: {  	s0 =	simm.s32 $0xC800  }
0xde: {  	[tilespmem:s0], [sflag:$0x2] =	stream.indirect_vreg.gather [hbm4b:s4+s2], $0x80, v3, vm0, $0xb8;
	[tilespmem:$0x15000] =	vst v63  }
0xdf: {  	v3 =	vld [tilespmem:$0xD0];
	_ =	sdelay $0x4  }
0xe0: {  	v41 =	vperm.xlane v3, v0;
	_ =	sdelay $0x1  }
0xe1: {  	v3 =	vperm.xlane v3, v2;
	v4 =	vadd.s32 v1, v41;
	_ =	sdelay $0x1  }
0xe2: {  	v3 =	vadd.s32 v1, v3;
	_ =	sdelay $0x1  }
0xe3: {  	s1 =	simm.s32 $0xDC00  }
0xe4: {  	[tilespmem:s1], [sflag:$0x2] =	stream.indirect_vreg.gather [hbm4b:s4+s2], $0x80, v4, vm0, $0xb8;
	[tilespmem:$0x15000] =	vst v63  }
0xe5: {  	s21 =	simm.s32 $0xF000  }
0xe6: {  	[tilespmem:s21], [sflag:$0x2] =	stream.indirect_vreg.gather [hbm4b:s4+s2], $0x80, v3, vm0, $0xb8;
	[tilespmem:$0x15000] =	vst v63  }
0xe7: {  	v3 =	vld [tilespmem:$0xE0];
	_ =	sdelay $0x4  }
0xe8: {  	v42 =	vperm.xlane v3, v0;
	_ =	sdelay $0x1  }
0xe9: {  	v3 =	vperm.xlane v3, v2;
	v4 =	vadd.s32 v1, v42;
	_ =	sdelay $0x1  }
0xea: {  	v3 =	vadd.s32 v1, v3;
	_ =	sdelay $0x1  }
0xeb: {  	s25 =	simm.s32 $0x10400  }
0xec: {  	[tilespmem:s25], [sflag:$0x2] =	stream.indirect_vreg.gather [hbm4b:s4+s2], $0x80, v4, vm0, $0xb8;
	[tilespmem:$0x15000] =	vst v63  }
0xed: {  	s26 =	simm.s32 $0x11800  }
0xee: {  	[tilespmem:s26], [sflag:$0x2] =	stream.indirect_vreg.gather [hbm4b:s4+s2], $0x80, v3, vm0, $0xb8;
	[tilespmem:$0x15000] =	vst v63  }
0xef: {  	v3 =	vld [tilespmem:$0xF0];
	_ =	sdelay $0x4  }
0xf0: {  	v43 =	vperm.xlane v3, v0;
	_ =	sdelay $0x1  }
0xf1: {  	v3 =	vperm.xlane v3, v2;
	v4 =	vadd.s32 v1, v43;
	_ =	sdelay $0x1  }
0xf2: {  	v3 =	vadd.s32 v1, v3;
	_ =	sdelay $0x1  }
0xf3: {  	s29 =	simm.s32 $0x12C00  }
0xf4: {  	[tilespmem:s29], [sflag:$0x2] =	stream.indirect_vreg.gather [hbm4b:s4+s2], $0x80, v4, vm0, $0xb8;
	[tilespmem:$0x15000] =	vst v63  }
0xf5: {  	s30 =	simm.s32 $0x14000  }
0xf6: {  	[tilespmem:s30], [sflag:$0x2] =	stream.indirect_vreg.gather [hbm4b:s4+s2], $0x80, v3, vm0, $0xb8;
	[tilespmem:$0x15000] =	vst v63  }
0xf7: {  	v3 =	vld [tilespmem:$0x140];
	_ =	sdelay $0x4  }
0xf8: {  	v44 =	vperm.xlane v3, v0;
	_ =	sdelay $0x1  }
0xf9: {  	v3 =	vperm.xlane v3, v2;
	v4 =	vadd.s32 v1, v44;
	_ =	sdelay $0x1  }
0xfa: {  	v3 =	vadd.s32 v1, v3;
	_ =	sdelay $0x1  }
0xfb: {  	s31 =	simm.s32 $0xB800  }
0xfc: {  	[tilespmem:s31], [sflag:$0x2] =	stream.indirect_vreg.gather [hbm4b:s4+s2], $0x80, v4, vm0, $0xb8;
	[tilespmem:$0x15000] =	vst v63  }
0xfd: {  	s0 =	simm.s32 $0xCC00  }
0xfe: {  	[tilespmem:s0], [sflag:$0x2] =	stream.indirect_vreg.gather [hbm4b:s4+s2], $0x80, v3, vm0, $0xb8;
	[tilespmem:$0x15000] =	vst v63  }
0xff: {  	v3 =	vld [tilespmem:$0x150];
	_ =	sdelay $0x4  }
0x100: {  	v45 =	vperm.xlane v3, v0;
	_ =	sdelay $0x1  }
0x101: {  	v3 =	vperm.xlane v3, v2;
	v4 =	vadd.s32 v1, v45;
	_ =	sdelay $0x1  }
0x102: {  	v3 =	vadd.s32 v1, v3;
	_ =	sdelay $0x1  }
0x103: {  	s1 =	simm.s32 $0xE000  }
0x104: {  	[tilespmem:s1], [sflag:$0x2] =	stream.indirect_vreg.gather [hbm4b:s4+s2], $0x80, v4, vm0, $0xb8;
	[tilespmem:$0x15000] =	vst v63  }
0x105: {  	s21 =	simm.s32 $0xF400  }
0x106: {  	[tilespmem:s21], [sflag:$0x2] =	stream.indirect_vreg.gather [hbm4b:s4+s2], $0x80, v3, vm0, $0xb8;
	[tilespmem:$0x15000] =	vst v63  }
0x107: {  	v3 =	vld [tilespmem:$0x160];
	_ =	sdelay $0x4  }
0x108: {  	v46 =	vperm.xlane v3, v0;
	_ =	sdelay $0x1  }
0x109: {  	v3 =	vperm.xlane v3, v2;
	v4 =	vadd.s32 v1, v46;
	_ =	sdelay $0x1  }
0x10a: {  	v3 =	vadd.s32 v1, v3;
	_ =	sdelay $0x1  }
0x10b: {  	s25 =	simm.s32 $0x10800  }
0x10c: {  	[tilespmem:s25], [sflag:$0x2] =	stream.indirect_vreg.gather [hbm4b:s4+s2], $0x80, v4, vm0, $0xb8;
	[tilespmem:$0x15000] =	vst v63  }
0x10d: {  	s26 =	simm.s32 $0x11C00  }
0x10e: {  	[tilespmem:s26], [sflag:$0x2] =	stream.indirect_vreg.gather [hbm4b:s4+s2], $0x80, v3, vm0, $0xb8;
	[tilespmem:$0x15000] =	vst v63  }
0x10f: {  	v3 =	vld [tilespmem:$0x170];
	_ =	sdelay $0x4  }
0x110: {  	v47 =	vperm.xlane v3, v0;
	_ =	sdelay $0x1  }
0x111: {  	v3 =	vperm.xlane v3, v2;
	v4 =	vadd.s32 v1, v47;
	_ =	sdelay $0x1  }
0x112: {  	v3 =	vadd.s32 v1, v3;
	_ =	sdelay $0x1  }
0x113: {  	s29 =	simm.s32 $0x13000  }
0x114: {  	[tilespmem:s29], [sflag:$0x2] =	stream.indirect_vreg.gather [hbm4b:s4+s2], $0x80, v4, vm0, $0xb8;
	[tilespmem:$0x15000] =	vst v63  }
0x115: {  	s30 =	simm.s32 $0x14400  }
0x116: {  	[tilespmem:s30], [sflag:$0x2] =	stream.indirect_vreg.gather [hbm4b:s4+s2], $0x80, v3, vm0, $0xb8;
	[tilespmem:$0x15000] =	vst v63  }
0x117: {  	v3 =	vld [tilespmem:$0x1C0];
	_ =	sdelay $0x4  }
0x118: {  	v48 =	vperm.xlane v3, v0;
	_ =	sdelay $0x1  }
0x119: {  	v3 =	vperm.xlane v3, v2;
	v4 =	vadd.s32 v1, v48;
	_ =	sdelay $0x1  }
0x11a: {  	v3 =	vadd.s32 v1, v3;
	_ =	sdelay $0x1  }
0x11b: {  	s31 =	simm.s32 $0xBC00  }
0x11c: {  	[tilespmem:s31], [sflag:$0x2] =	stream.indirect_vreg.gather [hbm4b:s4+s2], $0x80, v4, vm0, $0xb8;
	[tilespmem:$0x15000] =	vst v63  }
0x11d: {  	s0 =	simm.s32 $0xD000  }
0x11e: {  	[tilespmem:s0], [sflag:$0x2] =	stream.indirect_vreg.gather [hbm4b:s4+s2], $0x80, v3, vm0, $0xb8;
	[tilespmem:$0x15000] =	vst v63  }
0x11f: {  	v3 =	vld [tilespmem:$0x1D0];
	_ =	sdelay $0x4  }
0x120: {  	v49 =	vperm.xlane v3, v0;
	_ =	sdelay $0x1  }
0x121: {  	v3 =	vperm.xlane v3, v2;
	v4 =	vadd.s32 v1, v49;
	_ =	sdelay $0x1  }
0x122: {  	v3 =	vadd.s32 v1, v3;
	_ =	sdelay $0x1  }
0x123: {  	s1 =	simm.s32 $0xE400  }
0x124: {  	[tilespmem:s1], [sflag:$0x2] =	stream.indirect_vreg.gather [hbm4b:s4+s2], $0x80, v4, vm0, $0xb8;
	[tilespmem:$0x15000] =	vst v63  }
0x125: {  	s21 =	simm.s32 $0xF800  }
0x126: {  	[tilespmem:s21], [sflag:$0x2] =	stream.indirect_vreg.gather [hbm4b:s4+s2], $0x80, v3, vm0, $0xb8;
	[tilespmem:$0x15000] =	vst v63  }
0x127: {  	v3 =	vld [tilespmem:$0x1E0];
	_ =	sdelay $0x4  }
0x128: {  	v50 =	vperm.xlane v3, v0;
	_ =	sdelay $0x1  }
0x129: {  	v3 =	vperm.xlane v3, v2;
	v4 =	vadd.s32 v1, v50;
	_ =	sdelay $0x1  }
0x12a: {  	v3 =	vadd.s32 v1, v3;
	_ =	sdelay $0x1  }
0x12b: {  	s25 =	simm.s32 $0x10C00  }
0x12c: {  	[tilespmem:s25], [sflag:$0x2] =	stream.indirect_vreg.gather [hbm4b:s4+s2], $0x80, v4, vm0, $0xb8;
	[tilespmem:$0x15000] =	vst v63  }
0x12d: {  	s26 =	simm.s32 $0x12000  }
0x12e: {  	[tilespmem:s26], [sflag:$0x2] =	stream.indirect_vreg.gather [hbm4b:s4+s2], $0x80, v3, vm0, $0xb8;
	[tilespmem:$0x15000] =	vst v63  }
0x12f: {  	v3 =	vld [tilespmem:$0x1F0];
	_ =	sdelay $0x4  }
0x130: {  	v51 =	vperm.xlane v3, v0;
	_ =	sdelay $0x1  }
0x131: {  	v3 =	vperm.xlane v3, v2;
	v4 =	vadd.s32 v1, v51;
	_ =	sdelay $0x1  }
0x132: {  	v3 =	vadd.s32 v1, v3;
	_ =	sdelay $0x1  }
0x133: {  	s29 =	simm.s32 $0x13400  }
0x134: {  	[tilespmem:s29], [sflag:$0x2] =	stream.indirect_vreg.gather [hbm4b:s4+s2], $0x80, v4, vm0, $0xb8;
	[tilespmem:$0x15000] =	vst v63  }
0x135: {  	s30 =	simm.s32 $0x14800  }
0x136: {  	[tilespmem:s30], [sflag:$0x2] =	stream.indirect_vreg.gather [hbm4b:s4+s2], $0x80, v3, vm0, $0xb8;
	[tilespmem:$0x15000] =	vst v63  }
0x137: {  	v3 =	vld [tilespmem:$0x240];
	_ =	sdelay $0x4  }
0x138: {  	v52 =	vperm.xlane v3, v0;
	_ =	sdelay $0x1  }
0x139: {  	v3 =	vperm.xlane v3, v2;
	v4 =	vadd.s32 v1, v52;
	_ =	sdelay $0x1  }
0x13a: {  	v3 =	vadd.s32 v1, v3;
	_ =	sdelay $0x1  }
0x13b: {  	s31 =	simm.s32 $0xC000  }
0x13c: {  	[tilespmem:s31], [sflag:$0x2] =	stream.indirect_vreg.gather [hbm4b:s4+s2], $0x80, v4, vm0, $0xb8;
	[tilespmem:$0x15000] =	vst v63  }
0x13d: {  	s0 =	simm.s32 $0xD400  }
0x13e: {  	[tilespmem:s0], [sflag:$0x2] =	stream.indirect_vreg.gather [hbm4b:s4+s2], $0x80, v3, vm0, $0xb8;
	[tilespmem:$0x15000] =	vst v63  }
0x13f: {  	v3 =	vld [tilespmem:$0x250];
	_ =	sdelay $0x4  }
0x140: {  	v53 =	vperm.xlane v3, v0;
	_ =	sdelay $0x1  }
0x141: {  	v3 =	vperm.xlane v3, v2;
	v4 =	vadd.s32 v1, v53;
	_ =	sdelay $0x1  }
0x142: {  	v3 =	vadd.s32 v1, v3;
	_ =	sdelay $0x1  }
0x143: {  	s1 =	simm.s32 $0xE800  }
0x144: {  	[tilespmem:s1], [sflag:$0x2] =	stream.indirect_vreg.gather [hbm4b:s4+s2], $0x80, v4, vm0, $0xb8;
	[tilespmem:$0x15000] =	vst v63  }
0x145: {  	s21 =	simm.s32 $0xFC00  }
0x146: {  	[tilespmem:s21], [sflag:$0x2] =	stream.indirect_vreg.gather [hbm4b:s4+s2], $0x80, v3, vm0, $0xb8;
	[tilespmem:$0x15000] =	vst v63  }
0x147: {  	v3 =	vld [tilespmem:$0x260];
	_ =	sdelay $0x4  }
0x148: {  	v54 =	vperm.xlane v3, v0;
	_ =	sdelay $0x1  }
0x149: {  	v3 =	vperm.xlane v3, v2;
	v4 =	vadd.s32 v1, v54;
	_ =	sdelay $0x1  }
0x14a: {  	v3 =	vadd.s32 v1, v3;
	_ =	sdelay $0x1  }
0x14b: {  	s25 =	simm.s32 $0x11000  }
0x14c: {  	[tilespmem:s25], [sflag:$0x2] =	stream.indirect_vreg.gather [hbm4b:s4+s2], $0x80, v4, vm0, $0xb8;
	[tilespmem:$0x15000] =	vst v63  }
0x14d: {  	s26 =	simm.s32 $0x12400  }
0x14e: {  	[tilespmem:s26], [sflag:$0x2] =	stream.indirect_vreg.gather [hbm4b:s4+s2], $0x80, v3, vm0, $0xb8;
	[tilespmem:$0x15000] =	vst v63  }
0x14f: {  	v3 =	vld [tilespmem:$0x270];
	_ =	sdelay $0x4  }
0x150: {  	v55 =	vperm.xlane v3, v0;
	_ =	sdelay $0x1  }
0x151: {  	v3 =	vperm.xlane v3, v2;
	v4 =	vadd.s32 v1, v55;
	_ =	sdelay $0x1  }
0x152: {  	v3 =	vadd.s32 v1, v3;
	_ =	sdelay $0x1  }
0x153: {  	s29 =	simm.s32 $0x13800  }
0x154: {  	[tilespmem:s29], [sflag:$0x2] =	stream.indirect_vreg.gather [hbm4b:s4+s2], $0x80, v4, vm0, $0xb8;
	[tilespmem:$0x15000] =	vst v63  }
0x155: {  	s30 =	simm.s32 $0x14C00  }
0x156: {  	[tilespmem:s30], [sflag:$0x2] =	stream.indirect_vreg.gather [hbm4b:s4+s2], $0x80, v3, vm0, $0xb8;
	[tilespmem:$0x15000] =	vst v63  }
0x157: {  	_ =	swait.ge [sflag:s10], $0x2000  }
0x158: {  	[sflag:s10] =	ssyncset.done $0x0  }
0x159: {  	[sflag:s10] =	ssyncadd.s32 $0xFFFFE000  }
0x15a: {  	_ =	swait.ge [sflag:s10], $0x2000  }
0x15b: {  	[sflag:s10] =	ssyncset.done $0x0  }
0x15c: {  	[sflag:s10] =	ssyncadd.s32 $0xFFFFE000  }
0x15d: {  	_ =	swait.ge [sflag:s10], $0x2000  }
0x15e: {  	[sflag:s10] =	ssyncset.done $0x0  }
0x15f: {  	[sflag:s10] =	ssyncadd.s32 $0xFFFFE000  }
0x160: {  	_ =	swait.ge [sflag:s10], $0x2000  }
0x161: {  	[sflag:s10] =	ssyncset.done $0x0  }
0x162: {  	[sflag:s10] =	ssyncadd.s32 $0xFFFFE000  }
0x163: {  	_ =	swait.ge [sflag:s10], $0x2000  }
0x164: {  	[sflag:s10] =	ssyncset.done $0x0  }
0x165: {  	s0 =	simm.s32 $0x1000;
	s31 =	rddreg [dreg:$0xb];
	[sflag:s10] =	ssyncadd.s32 $0xFFFFE000  }
0x166: {  	[hbm4b:s31+s2] =	stream.linear.scatter [tilespmem:s0], [sflag:$0x3], $0xA000, $0x38;
	[tilespmem:$0x15000] =	vst v63  }
0x167: {  	_ =	swait.ge [sflag:s6], $0xA000  }
0x168: {  	[sflag:s6] =	ssyncset.done $0x0  }
0x169: {  	[sflag:s6] =	ssyncadd.s32 $0xFFFF6000  }
0x16a: {  	v3 =	vld [tilespmem:$0x400];
	_ =	sdelay $0x4  }
0x16b: {  	v56 =	vperm.xlane v3, v0;
	_ =	sdelay $0x1  }
0x16c: {  	v3 =	vperm.xlane v3, v2;
	v4 =	vadd.s32 v1, v56;
	_ =	sdelay $0x1  }
0x16d: {  	v3 =	vadd.s32 v1, v3;
	_ =	sdelay $0x2  }
0x16e: {  	[tilespmem:s0], [sflag:$0x1] =	stream.indirect_vreg.gather [hbm4b:s4+s2], $0x80, v4, vm0, $0xb8;
	[tilespmem:$0x15000] =	vst v63  }
0x16f: {  	s3 =	simm.s32 $0x2400  }
0x170: {  	[tilespmem:s3], [sflag:$0x1] =	stream.indirect_vreg.gather [hbm4b:s4+s2], $0x80, v3, vm0, $0xb8;
	[tilespmem:$0x15000] =	vst v63  }
0x171: {  	v3 =	vld [tilespmem:$0x410];
	_ =	sdelay $0x4  }
0x172: {  	v57 =	vperm.xlane v3, v0;
	_ =	sdelay $0x1  }
0x173: {  	v3 =	vperm.xlane v3, v2;
	v4 =	vadd.s32 v1, v57;
	_ =	sdelay $0x1  }
0x174: {  	v3 =	vadd.s32 v1, v3;
	_ =	sdelay $0x1  }
0x175: {  	s21 =	simm.s32 $0x3800  }
0x176: {  	[tilespmem:s21], [sflag:$0x1] =	stream.indirect_vreg.gather [hbm4b:s4+s2], $0x80, v4, vm0, $0xb8;
	[tilespmem:$0x15000] =	vst v63  }
0x177: {  	s7 =	simm.s32 $0x4C00  }
0x178: {  	[tilespmem:s7], [sflag:$0x1] =	stream.indirect_vreg.gather [hbm4b:s4+s2], $0x80, v3, vm0, $0xb8;
	[tilespmem:$0x15000] =	vst v63  }
0x179: {  	v3 =	vld [tilespmem:$0x420];
	_ =	sdelay $0x4  }
0x17a: {  	v58 =	vperm.xlane v3, v0;
	_ =	sdelay $0x1  }
0x17b: {  	v3 =	vperm.xlane v3, v2;
	v4 =	vadd.s32 v1, v58;
	_ =	sdelay $0x1  }
0x17c: {  	v3 =	vadd.s32 v1, v3;
	_ =	sdelay $0x1  }
0x17d: {  	s25 =	simm.s32 $0x6000  }
0x17e: {  	[tilespmem:s25], [sflag:$0x1] =	stream.indirect_vreg.gather [hbm4b:s4+s2], $0x80, v4, vm0, $0xb8;
	[tilespmem:$0x15000] =	vst v63  }
0x17f: {  	s8 =	simm.s32 $0x7400  }
0x180: {  	[tilespmem:s8], [sflag:$0x1] =	stream.indirect_vreg.gather [hbm4b:s4+s2], $0x80, v3, vm0, $0xb8;
	[tilespmem:$0x15000] =	vst v63  }
0x181: {  	v3 =	vld [tilespmem:$0x430];
	_ =	sdelay $0x4  }
0x182: {  	v59 =	vperm.xlane v3, v0;
	_ =	sdelay $0x1  }
0x183: {  	v3 =	vperm.xlane v3, v2;
	v4 =	vadd.s32 v1, v59;
	_ =	sdelay $0x1  }
0x184: {  	v3 =	vadd.s32 v1, v3;
	_ =	sdelay $0x1  }
0x185: {  	s26 =	simm.s32 $0x8800  }
0x186: {  	[tilespmem:s26], [sflag:$0x1] =	stream.indirect_vreg.gather [hbm4b:s4+s2], $0x80, v4, vm0, $0xb8;
	[tilespmem:$0x15000] =	vst v63  }
0x187: {  	s9 =	simm.s32 $0x9C00  }
0x188: {  	[tilespmem:s9], [sflag:$0x1] =	stream.indirect_vreg.gather [hbm4b:s4+s2], $0x80, v3, vm0, $0xb8;
	[tilespmem:$0x15000] =	vst v63  }
0x189: {  	v3 =	vld [tilespmem:$0x480];
	_ =	sdelay $0x4  }
0x18a: {  	v60 =	vperm.xlane v3, v0;
	_ =	sdelay $0x1  }
0x18b: {  	v3 =	vperm.xlane v3, v2;
	v4 =	vadd.s32 v1, v60;
	_ =	sdelay $0x1  }
0x18c: {  	v3 =	vadd.s32 v1, v3;
	_ =	sdelay $0x1  }
0x18d: {  	s3 =	simm.s32 $0x1400  }
0x18e: {  	[tilespmem:s3], [sflag:$0x1] =	stream.indirect_vreg.gather [hbm4b:s4+s2], $0x80, v4, vm0, $0xb8;
	[tilespmem:$0x15000] =	vst v63  }
0x18f: {  	s13 =	simm.s32 $0x2800  }
0x190: {  	[tilespmem:s13], [sflag:$0x1] =	stream.indirect_vreg.gather [hbm4b:s4+s2], $0x80, v3, vm0, $0xb8;
	[tilespmem:$0x15000] =	vst v63  }
0x191: {  	v3 =	vld [tilespmem:$0x490];
	_ =	sdelay $0x4  }
0x192: {  	v61 =	vperm.xlane v3, v0;
	_ =	sdelay $0x1  }
0x193: {  	v3 =	vperm.xlane v3, v2;
	v4 =	vadd.s32 v1, v61;
	_ =	sdelay $0x1  }
0x194: {  	v3 =	vadd.s32 v1, v3;
	_ =	sdelay $0x1  }
0x195: {  	s7 =	simm.s32 $0x3C00  }
0x196: {  	[tilespmem:s7], [sflag:$0x1] =	stream.indirect_vreg.gather [hbm4b:s4+s2], $0x80, v4, vm0, $0xb8;
	[tilespmem:$0x15000] =	vst v63  }
0x197: {  	s14 =	simm.s32 $0x5000  }
0x198: {  	[tilespmem:s14], [sflag:$0x1] =	stream.indirect_vreg.gather [hbm4b:s4+s2], $0x80, v3, vm0, $0xb8;
	[tilespmem:$0x15000] =	vst v63  }
0x199: {  	v3 =	vld [tilespmem:$0x4A0];
	_ =	sdelay $0x4  }
0x19a: {  	v62 =	vperm.xlane v3, v0;
	_ =	sdelay $0x1  }
0x19b: {  	v3 =	vperm.xlane v3, v2;
	v4 =	vadd.s32 v1, v62;
	_ =	sdelay $0x1  }
0x19c: {  	v3 =	vadd.s32 v1, v3;
	_ =	sdelay $0x1  }
0x19d: {  	s8 =	simm.s32 $0x6400  }
0x19e: {  	[tilespmem:s8], [sflag:$0x1] =	stream.indirect_vreg.gather [hbm4b:s4+s2], $0x80, v4, vm0, $0xb8;
	[tilespmem:$0x15000] =	vst v63  }
0x19f: {  	s15 =	simm.s32 $0x7800  }
0x1a0: {  	[tilespmem:s15], [sflag:$0x1] =	stream.indirect_vreg.gather [hbm4b:s4+s2], $0x80, v3, vm0, $0xb8;
	[tilespmem:$0x15000] =	vst v63  }
0x1a1: {  	v3 =	vld [tilespmem:$0x4B0];
	_ =	sdelay $0x4  }
0x1a2: {  	v63 =	vperm.xlane v3, v0;
	_ =	sdelay $0x1  }
0x1a3: {  	v3 =	vperm.xlane v3, v2;
	v4 =	vadd.s32 v1, v63;
	_ =	sdelay $0x1  }
0x1a4: {  	v3 =	vadd.s32 v1, v3;
	_ =	sdelay $0x1  }
0x1a5: {  	s9 =	simm.s32 $0x8C00  }
0x1a6: {  	[tilespmem:s9], [sflag:$0x1] =	stream.indirect_vreg.gather [hbm4b:s4+s2], $0x80, v4, vm0, $0xb8;
	[tilespmem:$0x15000] =	vst v63  }
0x1a7: {  	s16 =	simm.s32 $0xA000  }
0x1a8: {  	[tilespmem:s16], [sflag:$0x1] =	stream.indirect_vreg.gather [hbm4b:s4+s2], $0x80, v3, vm0, $0xb8;
	[tilespmem:$0x15000] =	vst v63  }
0x1a9: {  	v3 =	vld [tilespmem:$0x500];
	_ =	sdelay $0x4  }
0x1aa: {  	v8 =	vperm.xlane v3, v0;
	_ =	sdelay $0x1  }
0x1ab: {  	v3 =	vperm.xlane v3, v2;
	v4 =	vadd.s32 v1, v8;
	_ =	sdelay $0x1  }
0x1ac: {  	v3 =	vadd.s32 v1, v3;
	_ =	sdelay $0x1  }
0x1ad: {  	s13 =	simm.s32 $0x1800  }
0x1ae: {  	[tilespmem:s13], [sflag:$0x1] =	stream.indirect_vreg.gather [hbm4b:s4+s2], $0x80, v4, vm0, $0xb8;
	[tilespmem:$0x15000] =	vst v63  }
0x1af: {  	s17 =	simm.s32 $0x2C00  }
0x1b0: {  	[tilespmem:s17], [sflag:$0x1] =	stream.indirect_vreg.gather [hbm4b:s4+s2], $0x80, v3, vm0, $0xb8;
	[tilespmem:$0x15000] =	vst v63  }
0x1b1: {  	v3 =	vld [tilespmem:$0x510];
	_ =	sdelay $0x4  }
0x1b2: {  	v9 =	vperm.xlane v3, v0;
	_ =	sdelay $0x1  }
0x1b3: {  	v3 =	vperm.xlane v3, v2;
	v4 =	vadd.s32 v1, v9;
	_ =	sdelay $0x1  }
0x1b4: {  	v3 =	vadd.s32 v1, v3;
	_ =	sdelay $0x1  }
0x1b5: {  	s14 =	simm.s32 $0x4000  }
0x1b6: {  	[tilespmem:s14], [sflag:$0x1] =	stream.indirect_vreg.gather [hbm4b:s4+s2], $0x80, v4, vm0, $0xb8;
	[tilespmem:$0x15000] =	vst v63  }
0x1b7: {  	s18 =	simm.s32 $0x5400  }
0x1b8: {  	[tilespmem:s18], [sflag:$0x1] =	stream.indirect_vreg.gather [hbm4b:s4+s2], $0x80, v3, vm0, $0xb8;
	[tilespmem:$0x15000] =	vst v63  }
0x1b9: {  	v3 =	vld [tilespmem:$0x520];
	_ =	sdelay $0x4  }
0x1ba: {  	v10 =	vperm.xlane v3, v0;
	_ =	sdelay $0x1  }
0x1bb: {  	v3 =	vperm.xlane v3, v2;
	v4 =	vadd.s32 v1, v10;
	_ =	sdelay $0x1  }
0x1bc: {  	v3 =	vadd.s32 v1, v3;
	_ =	sdelay $0x1  }
0x1bd: {  	s15 =	simm.s32 $0x6800  }
0x1be: {  	[tilespmem:s15], [sflag:$0x1] =	stream.indirect_vreg.gather [hbm4b:s4+s2], $0x80, v4, vm0, $0xb8;
	[tilespmem:$0x15000] =	vst v63  }
0x1bf: {  	s19 =	simm.s32 $0x7C00  }
0x1c0: {  	[tilespmem:s19], [sflag:$0x1] =	stream.indirect_vreg.gather [hbm4b:s4+s2], $0x80, v3, vm0, $0xb8;
	[tilespmem:$0x15000] =	vst v63  }
0x1c1: {  	v3 =	vld [tilespmem:$0x530];
	_ =	sdelay $0x4  }
0x1c2: {  	v11 =	vperm.xlane v3, v0;
	_ =	sdelay $0x1  }
0x1c3: {  	v3 =	vperm.xlane v3, v2;
	v4 =	vadd.s32 v1, v11;
	_ =	sdelay $0x1  }
0x1c4: {  	v3 =	vadd.s32 v1, v3;
	_ =	sdelay $0x1  }
0x1c5: {  	s16 =	simm.s32 $0x9000  }
0x1c6: {  	[tilespmem:s16], [sflag:$0x1] =	stream.indirect_vreg.gather [hbm4b:s4+s2], $0x80, v4, vm0, $0xb8;
	[tilespmem:$0x15000] =	vst v63  }
0x1c7: {  	s20 =	simm.s32 $0xA400  }
0x1c8: {  	[tilespmem:s20], [sflag:$0x1] =	stream.indirect_vreg.gather [hbm4b:s4+s2], $0x80, v3, vm0, $0xb8;
	[tilespmem:$0x15000] =	vst v63  }
0x1c9: {  	v3 =	vld [tilespmem:$0x580];
	_ =	sdelay $0x4  }
0x1ca: {  	v12 =	vperm.xlane v3, v0;
	_ =	sdelay $0x1  }
0x1cb: {  	v3 =	vperm.xlane v3, v2;
	v4 =	vadd.s32 v1, v12;
	_ =	sdelay $0x1  }
0x1cc: {  	v3 =	vadd.s32 v1, v3;
	_ =	sdelay $0x1  }
0x1cd: {  	s17 =	simm.s32 $0x1C00  }
0x1ce: {  	[tilespmem:s17], [sflag:$0x1] =	stream.indirect_vreg.gather [hbm4b:s4+s2], $0x80, v4, vm0, $0xb8;
	[tilespmem:$0x15000] =	vst v63  }
0x1cf: {  	s22 =	simm.s32 $0x3000  }
0x1d0: {  	[tilespmem:s22], [sflag:$0x1] =	stream.indirect_vreg.gather [hbm4b:s4+s2], $0x80, v3, vm0, $0xb8;
	[tilespmem:$0x15000] =	vst v63  }
0x1d1: {  	v3 =	vld [tilespmem:$0x590];
	_ =	sdelay $0x4  }
0x1d2: {  	v13 =	vperm.xlane v3, v0;
	_ =	sdelay $0x1  }
0x1d3: {  	v3 =	vperm.xlane v3, v2;
	v4 =	vadd.s32 v1, v13;
	_ =	sdelay $0x1  }
0x1d4: {  	v3 =	vadd.s32 v1, v3;
	_ =	sdelay $0x1  }
0x1d5: {  	s18 =	simm.s32 $0x4400  }
0x1d6: {  	[tilespmem:s18], [sflag:$0x1] =	stream.indirect_vreg.gather [hbm4b:s4+s2], $0x80, v4, vm0, $0xb8;
	[tilespmem:$0x15000] =	vst v63  }
0x1d7: {  	s23 =	simm.s32 $0x5800  }
0x1d8: {  	[tilespmem:s23], [sflag:$0x1] =	stream.indirect_vreg.gather [hbm4b:s4+s2], $0x80, v3, vm0, $0xb8;
	[tilespmem:$0x15000] =	vst v63  }
0x1d9: {  	v3 =	vld [tilespmem:$0x5A0];
	_ =	sdelay $0x4  }
0x1da: {  	v14 =	vperm.xlane v3, v0;
	_ =	sdelay $0x1  }
0x1db: {  	v3 =	vperm.xlane v3, v2;
	v4 =	vadd.s32 v1, v14;
	_ =	sdelay $0x1  }
0x1dc: {  	v3 =	vadd.s32 v1, v3;
	_ =	sdelay $0x1  }
0x1dd: {  	s19 =	simm.s32 $0x6C00  }
0x1de: {  	[tilespmem:s19], [sflag:$0x1] =	stream.indirect_vreg.gather [hbm4b:s4+s2], $0x80, v4, vm0, $0xb8;
	[tilespmem:$0x15000] =	vst v63  }
0x1df: {  	s24 =	simm.s32 $0x8000  }
0x1e0: {  	[tilespmem:s24], [sflag:$0x1] =	stream.indirect_vreg.gather [hbm4b:s4+s2], $0x80, v3, vm0, $0xb8;
	[tilespmem:$0x15000] =	vst v63  }
0x1e1: {  	v3 =	vld [tilespmem:$0x5B0];
	_ =	sdelay $0x4  }
0x1e2: {  	v15 =	vperm.xlane v3, v0;
	_ =	sdelay $0x1  }
0x1e3: {  	v3 =	vperm.xlane v3, v2;
	v4 =	vadd.s32 v1, v15;
	_ =	sdelay $0x1  }
0x1e4: {  	v3 =	vadd.s32 v1, v3;
	_ =	sdelay $0x1  }
0x1e5: {  	s20 =	simm.s32 $0x9400  }
0x1e6: {  	[tilespmem:s20], [sflag:$0x1] =	stream.indirect_vreg.gather [hbm4b:s4+s2], $0x80, v4, vm0, $0xb8;
	[tilespmem:$0x15000] =	vst v63  }
0x1e7: {  	s28 =	simm.s32 $0xA800  }
0x1e8: {  	[tilespmem:s28], [sflag:$0x1] =	stream.indirect_vreg.gather [hbm4b:s4+s2], $0x80, v3, vm0, $0xb8;
	[tilespmem:$0x15000] =	vst v63  }
0x1e9: {  	v3 =	vld [tilespmem:$0x600];
	_ =	sdelay $0x4  }
0x1ea: {  	v16 =	vperm.xlane v3, v0;
	_ =	sdelay $0x1  }
0x1eb: {  	v3 =	vperm.xlane v3, v2;
	v4 =	vadd.s32 v1, v16;
	_ =	sdelay $0x1  }
0x1ec: {  	v3 =	vadd.s32 v1, v3;
	_ =	sdelay $0x1  }
0x1ed: {  	s22 =	simm.s32 $0x2000  }
0x1ee: {  	[tilespmem:s22], [sflag:$0x1] =	stream.indirect_vreg.gather [hbm4b:s4+s2], $0x80, v4, vm0, $0xb8;
	[tilespmem:$0x15000] =	vst v63  }
0x1ef: {  	s29 =	simm.s32 $0x3400  }
0x1f0: {  	[tilespmem:s29], [sflag:$0x1] =	stream.indirect_vreg.gather [hbm4b:s4+s2], $0x80, v3, vm0, $0xb8;
	[tilespmem:$0x15000] =	vst v63  }
0x1f1: {  	v3 =	vld [tilespmem:$0x610];
	_ =	sdelay $0x4  }
0x1f2: {  	v17 =	vperm.xlane v3, v0;
	_ =	sdelay $0x1  }
0x1f3: {  	v3 =	vperm.xlane v3, v2;
	v4 =	vadd.s32 v1, v17;
	_ =	sdelay $0x1  }
0x1f4: {  	v3 =	vadd.s32 v1, v3;
	_ =	sdelay $0x1  }
0x1f5: {  	s23 =	simm.s32 $0x4800  }
0x1f6: {  	[tilespmem:s23], [sflag:$0x1] =	stream.indirect_vreg.gather [hbm4b:s4+s2], $0x80, v4, vm0, $0xb8;
	[tilespmem:$0x15000] =	vst v63  }
0x1f7: {  	s30 =	simm.s32 $0x5C00  }
0x1f8: {  	[tilespmem:s30], [sflag:$0x1] =	stream.indirect_vreg.gather [hbm4b:s4+s2], $0x80, v3, vm0, $0xb8;
	[tilespmem:$0x15000] =	vst v63  }
0x1f9: {  	v3 =	vld [tilespmem:$0x620];
	_ =	sdelay $0x4  }
0x1fa: {  	v18 =	vperm.xlane v3, v0;
	_ =	sdelay $0x1  }
0x1fb: {  	v3 =	vperm.xlane v3, v2;
	v4 =	vadd.s32 v1, v18;
	_ =	sdelay $0x1  }
0x1fc: {  	v3 =	vadd.s32 v1, v3;
	_ =	sdelay $0x1  }
0x1fd: {  	s24 =	simm.s32 $0x7000  }
0x1fe: {  	[tilespmem:s24], [sflag:$0x1] =	stream.indirect_vreg.gather [hbm4b:s4+s2], $0x80, v4, vm0, $0xb8;
	[tilespmem:$0x15000] =	vst v63  }
0x1ff: {  	s31 =	simm.s32 $0x8400  }
0x200: {  	[tilespmem:s31], [sflag:$0x1] =	stream.indirect_vreg.gather [hbm4b:s4+s2], $0x80, v3, vm0, $0xb8;
	[tilespmem:$0x15000] =	vst v63  }
0x201: {  	v3 =	vld [tilespmem:$0x630];
	_ =	sdelay $0x4  }
0x202: {  	v19 =	vperm.xlane v3, v0;
	_ =	sdelay $0x1  }
0x203: {  	v3 =	vperm.xlane v3, v2;
	v4 =	vadd.s32 v1, v19;
	_ =	sdelay $0x1  }
0x204: {  	v3 =	vadd.s32 v1, v3;
	_ =	sdelay $0x1  }
0x205: {  	s28 =	simm.s32 $0x9800  }
0x206: {  	[tilespmem:s28], [sflag:$0x1] =	stream.indirect_vreg.gather [hbm4b:s4+s2], $0x80, v4, vm0, $0xb8;
	[tilespmem:$0x15000] =	vst v63  }
0x207: {  	s12 =	simm.s32 $0xAC00  }
0x208: {  	[tilespmem:s12], [sflag:$0x1] =	stream.indirect_vreg.gather [hbm4b:s4+s2], $0x80, v3, vm0, $0xb8;
	[tilespmem:$0x15000] =	vst v63  }
0x209: {  	_ =	swait.ge [sflag:s11], $0x2000  }
0x20a: {  	[sflag:s11] =	ssyncset.done $0x0  }
0x20b: {  	[sflag:s11] =	ssyncadd.s32 $0xFFFFE000  }
0x20c: {  	_ =	swait.ge [sflag:s11], $0x2000  }
0x20d: {  	[sflag:s11] =	ssyncset.done $0x0  }
0x20e: {  	[sflag:s11] =	ssyncadd.s32 $0xFFFFE000  }
0x20f: {  	_ =	swait.ge [sflag:s11], $0x2000  }
0x210: {  	[sflag:s11] =	ssyncset.done $0x0  }
0x211: {  	[sflag:s11] =	ssyncadd.s32 $0xFFFFE000  }
0x212: {  	_ =	swait.ge [sflag:s11], $0x2000  }
0x213: {  	[sflag:s11] =	ssyncset.done $0x0  }
0x214: {  	[sflag:s11] =	ssyncadd.s32 $0xFFFFE000  }
0x215: {  	_ =	swait.ge [sflag:s11], $0x2000  }
0x216: {  	[sflag:s11] =	ssyncset.done $0x0  }
0x217: {  	s0 =	simm.s32 $0xB000;
	s1 =	rddreg [dreg:$0x4];
	[sflag:s11] =	ssyncadd.s32 $0xFFFFE000  }
0x218: {  	[hbm4b:s1+s2] =	stream.linear.scatter [tilespmem:s0], [sflag:$0x3], $0xA000, $0x38;
	[tilespmem:$0x15000] =	vst v63  }
0x219: {  	_ =	swait.ge [sflag:s6], $0xA000  }
0x21a: {  	[sflag:s6] =	ssyncset.done $0x0  }
0x21b: {  	[sflag:s6] =	ssyncadd.s32 $0xFFFF6000  }
0x21c: {  	v3 =	vld [tilespmem:$0x440];
	_ =	sdelay $0x4  }
0x21d: {  	v20 =	vperm.xlane v3, v0;
	_ =	sdelay $0x1  }
0x21e: {  	v3 =	vperm.xlane v3, v2;
	v4 =	vadd.s32 v1, v20;
	_ =	sdelay $0x1  }
0x21f: {  	v3 =	vadd.s32 v1, v3;
	_ =	sdelay $0x2  }
0x220: {  	[tilespmem:s0], [sflag:$0x2] =	stream.indirect_vreg.gather [hbm4b:s4+s2], $0x80, v4, vm0, $0xb8;
	[tilespmem:$0x15000] =	vst v63  }
0x221: {  	s12 =	simm.s32 $0xC400  }
0x222: {  	[tilespmem:s12], [sflag:$0x2] =	stream.indirect_vreg.gather [hbm4b:s4+s2], $0x80, v3, vm0, $0xb8;
	[tilespmem:$0x15000] =	vst v63  }
0x223: {  	v3 =	vld [tilespmem:$0x450];
	_ =	sdelay $0x4  }
0x224: {  	v21 =	vperm.xlane v3, v0;
	_ =	sdelay $0x1  }
0x225: {  	v3 =	vperm.xlane v3, v2;
	v4 =	vadd.s32 v1, v21;
	_ =	sdelay $0x1  }
0x226: {  	v3 =	vadd.s32 v1, v3;
	_ =	sdelay $0x1  }
0x227: {  	s1 =	simm.s32 $0xD800  }
0x228: {  	[tilespmem:s1], [sflag:$0x2] =	stream.indirect_vreg.gather [hbm4b:s4+s2], $0x80, v4, vm0, $0xb8;
	[tilespmem:$0x15000] =	vst v63  }
0x229: {  	s12 =	simm.s32 $0xEC00  }
0x22a: {  	[tilespmem:s12], [sflag:$0x2] =	stream.indirect_vreg.gather [hbm4b:s4+s2], $0x80, v3, vm0, $0xb8;
	[tilespmem:$0x15000] =	vst v63  }
0x22b: {  	v3 =	vld [tilespmem:$0x460];
	_ =	sdelay $0x4  }
0x22c: {  	v22 =	vperm.xlane v3, v0;
	_ =	sdelay $0x1  }
0x22d: {  	v3 =	vperm.xlane v3, v2;
	v4 =	vadd.s32 v1, v22;
	_ =	sdelay $0x1  }
0x22e: {  	v3 =	vadd.s32 v1, v3;
	_ =	sdelay $0x1  }
0x22f: {  	s1 =	simm.s32 $0x10000  }
0x230: {  	[tilespmem:s1], [sflag:$0x2] =	stream.indirect_vreg.gather [hbm4b:s4+s2], $0x80, v4, vm0, $0xb8;
	[tilespmem:$0x15000] =	vst v63  }
0x231: {  	s12 =	simm.s32 $0x11400  }
0x232: {  	[tilespmem:s12], [sflag:$0x2] =	stream.indirect_vreg.gather [hbm4b:s4+s2], $0x80, v3, vm0, $0xb8;
	[tilespmem:$0x15000] =	vst v63  }
0x233: {  	v3 =	vld [tilespmem:$0x470];
	_ =	sdelay $0x4  }
0x234: {  	v23 =	vperm.xlane v3, v0;
	_ =	sdelay $0x1  }
0x235: {  	v3 =	vperm.xlane v3, v2;
	v4 =	vadd.s32 v1, v23;
	_ =	sdelay $0x1  }
0x236: {  	v3 =	vadd.s32 v1, v3;
	_ =	sdelay $0x1  }
0x237: {  	s1 =	simm.s32 $0x12800  }
0x238: {  	[tilespmem:s1], [sflag:$0x2] =	stream.indirect_vreg.gather [hbm4b:s4+s2], $0x80, v4, vm0, $0xb8;
	[tilespmem:$0x15000] =	vst v63  }
0x239: {  	s12 =	simm.s32 $0x13C00  }
0x23a: {  	[tilespmem:s12], [sflag:$0x2] =	stream.indirect_vreg.gather [hbm4b:s4+s2], $0x80, v3, vm0, $0xb8;
	[tilespmem:$0x15000] =	vst v63  }
0x23b: {  	v3 =	vld [tilespmem:$0x4C0];
	_ =	sdelay $0x4  }
0x23c: {  	v24 =	vperm.xlane v3, v0;
	_ =	sdelay $0x1  }
0x23d: {  	v3 =	vperm.xlane v3, v2;
	v4 =	vadd.s32 v1, v24;
	_ =	sdelay $0x1  }
0x23e: {  	v3 =	vadd.s32 v1, v3;
	_ =	sdelay $0x1  }
0x23f: {  	s1 =	simm.s32 $0xB400  }
0x240: {  	[tilespmem:s1], [sflag:$0x2] =	stream.indirect_vreg.gather [hbm4b:s4+s2], $0x80, v4, vm0, $0xb8;
	[tilespmem:$0x15000] =	vst v63  }
0x241: {  	s12 =	simm.s32 $0xC800  }
0x242: {  	[tilespmem:s12], [sflag:$0x2] =	stream.indirect_vreg.gather [hbm4b:s4+s2], $0x80, v3, vm0, $0xb8;
	[tilespmem:$0x15000] =	vst v63  }
0x243: {  	v3 =	vld [tilespmem:$0x4D0];
	_ =	sdelay $0x4  }
0x244: {  	v25 =	vperm.xlane v3, v0;
	_ =	sdelay $0x1  }
0x245: {  	v3 =	vperm.xlane v3, v2;
	v4 =	vadd.s32 v1, v25;
	_ =	sdelay $0x1  }
0x246: {  	v3 =	vadd.s32 v1, v3;
	_ =	sdelay $0x1  }
0x247: {  	s1 =	simm.s32 $0xDC00  }
0x248: {  	[tilespmem:s1], [sflag:$0x2] =	stream.indirect_vreg.gather [hbm4b:s4+s2], $0x80, v4, vm0, $0xb8;
	[tilespmem:$0x15000] =	vst v63  }
0x249: {  	s12 =	simm.s32 $0xF000  }
0x24a: {  	[tilespmem:s12], [sflag:$0x2] =	stream.indirect_vreg.gather [hbm4b:s4+s2], $0x80, v3, vm0, $0xb8;
	[tilespmem:$0x15000] =	vst v63  }
0x24b: {  	v3 =	vld [tilespmem:$0x4E0];
	_ =	sdelay $0x4  }
0x24c: {  	v26 =	vperm.xlane v3, v0;
	_ =	sdelay $0x1  }
0x24d: {  	v3 =	vperm.xlane v3, v2;
	v4 =	vadd.s32 v1, v26;
	_ =	sdelay $0x1  }
0x24e: {  	v3 =	vadd.s32 v1, v3;
	_ =	sdelay $0x1  }
0x24f: {  	s1 =	simm.s32 $0x10400  }
0x250: {  	[tilespmem:s1], [sflag:$0x2] =	stream.indirect_vreg.gather [hbm4b:s4+s2], $0x80, v4, vm0, $0xb8;
	[tilespmem:$0x15000] =	vst v63  }
0x251: {  	s12 =	simm.s32 $0x11800  }
0x252: {  	[tilespmem:s12], [sflag:$0x2] =	stream.indirect_vreg.gather [hbm4b:s4+s2], $0x80, v3, vm0, $0xb8;
	[tilespmem:$0x15000] =	vst v63  }
0x253: {  	v3 =	vld [tilespmem:$0x4F0];
	_ =	sdelay $0x4  }
0x254: {  	v27 =	vperm.xlane v3, v0;
	_ =	sdelay $0x1  }
0x255: {  	v3 =	vperm.xlane v3, v2;
	v4 =	vadd.s32 v1, v27;
	_ =	sdelay $0x1  }
0x256: {  	v3 =	vadd.s32 v1, v3;
	_ =	sdelay $0x1  }
0x257: {  	s1 =	simm.s32 $0x12C00  }
0x258: {  	[tilespmem:s1], [sflag:$0x2] =	stream.indirect_vreg.gather [hbm4b:s4+s2], $0x80, v4, vm0, $0xb8;
	[tilespmem:$0x15000] =	vst v63  }
0x259: {  	s12 =	simm.s32 $0x14000  }
0x25a: {  	[tilespmem:s12], [sflag:$0x2] =	stream.indirect_vreg.gather [hbm4b:s4+s2], $0x80, v3, vm0, $0xb8;
	[tilespmem:$0x15000] =	vst v63  }
0x25b: {  	v3 =	vld [tilespmem:$0x540];
	_ =	sdelay $0x4  }
0x25c: {  	v28 =	vperm.xlane v3, v0;
	_ =	sdelay $0x1  }
0x25d: {  	v3 =	vperm.xlane v3, v2;
	v4 =	vadd.s32 v1, v28;
	_ =	sdelay $0x1  }
0x25e: {  	v3 =	vadd.s32 v1, v3;
	_ =	sdelay $0x1  }
0x25f: {  	s1 =	simm.s32 $0xB800  }
0x260: {  	[tilespmem:s1], [sflag:$0x2] =	stream.indirect_vreg.gather [hbm4b:s4+s2], $0x80, v4, vm0, $0xb8;
	[tilespmem:$0x15000] =	vst v63  }
0x261: {  	s12 =	simm.s32 $0xCC00  }
0x262: {  	[tilespmem:s12], [sflag:$0x2] =	stream.indirect_vreg.gather [hbm4b:s4+s2], $0x80, v3, vm0, $0xb8;
	[tilespmem:$0x15000] =	vst v63  }
0x263: {  	v3 =	vld [tilespmem:$0x550];
	_ =	sdelay $0x4  }
0x264: {  	v29 =	vperm.xlane v3, v0;
	_ =	sdelay $0x1  }
0x265: {  	v3 =	vperm.xlane v3, v2;
	v4 =	vadd.s32 v1, v29;
	_ =	sdelay $0x1  }
0x266: {  	v3 =	vadd.s32 v1, v3;
	_ =	sdelay $0x1  }
0x267: {  	s1 =	simm.s32 $0xE000  }
0x268: {  	[tilespmem:s1], [sflag:$0x2] =	stream.indirect_vreg.gather [hbm4b:s4+s2], $0x80, v4, vm0, $0xb8;
	[tilespmem:$0x15000] =	vst v63  }
0x269: {  	s12 =	simm.s32 $0xF400  }
0x26a: {  	[tilespmem:s12], [sflag:$0x2] =	stream.indirect_vreg.gather [hbm4b:s4+s2], $0x80, v3, vm0, $0xb8;
	[tilespmem:$0x15000] =	vst v63  }
0x26b: {  	v3 =	vld [tilespmem:$0x560];
	_ =	sdelay $0x4  }
0x26c: {  	v30 =	vperm.xlane v3, v0;
	_ =	sdelay $0x1  }
0x26d: {  	v3 =	vperm.xlane v3, v2;
	v4 =	vadd.s32 v1, v30;
	_ =	sdelay $0x1  }
0x26e: {  	v3 =	vadd.s32 v1, v3;
	_ =	sdelay $0x1  }
0x26f: {  	s1 =	simm.s32 $0x10800  }
0x270: {  	[tilespmem:s1], [sflag:$0x2] =	stream.indirect_vreg.gather [hbm4b:s4+s2], $0x80, v4, vm0, $0xb8;
	[tilespmem:$0x15000] =	vst v63  }
0x271: {  	s12 =	simm.s32 $0x11C00  }
0x272: {  	[tilespmem:s12], [sflag:$0x2] =	stream.indirect_vreg.gather [hbm4b:s4+s2], $0x80, v3, vm0, $0xb8;
	[tilespmem:$0x15000] =	vst v63  }
0x273: {  	v3 =	vld [tilespmem:$0x570];
	_ =	sdelay $0x4  }
0x274: {  	v31 =	vperm.xlane v3, v0;
	_ =	sdelay $0x1  }
0x275: {  	v3 =	vperm.xlane v3, v2;
	v4 =	vadd.s32 v1, v31;
	_ =	sdelay $0x1  }
0x276: {  	v3 =	vadd.s32 v1, v3;
	_ =	sdelay $0x1  }
0x277: {  	s1 =	simm.s32 $0x13000  }
0x278: {  	[tilespmem:s1], [sflag:$0x2] =	stream.indirect_vreg.gather [hbm4b:s4+s2], $0x80, v4, vm0, $0xb8;
	[tilespmem:$0x15000] =	vst v63  }
0x279: {  	s12 =	simm.s32 $0x14400  }
0x27a: {  	[tilespmem:s12], [sflag:$0x2] =	stream.indirect_vreg.gather [hbm4b:s4+s2], $0x80, v3, vm0, $0xb8;
	[tilespmem:$0x15000] =	vst v63  }
0x27b: {  	v3 =	vld [tilespmem:$0x5C0];
	_ =	sdelay $0x4  }
0x27c: {  	v32 =	vperm.xlane v3, v0;
	_ =	sdelay $0x1  }
0x27d: {  	v3 =	vperm.xlane v3, v2;
	v4 =	vadd.s32 v1, v32;
	_ =	sdelay $0x1  }
0x27e: {  	v3 =	vadd.s32 v1, v3;
	_ =	sdelay $0x1  }
0x27f: {  	s1 =	simm.s32 $0xBC00  }
0x280: {  	[tilespmem:s1], [sflag:$0x2] =	stream.indirect_vreg.gather [hbm4b:s4+s2], $0x80, v4, vm0, $0xb8;
	[tilespmem:$0x15000] =	vst v63  }
0x281: {  	s12 =	simm.s32 $0xD000  }
0x282: {  	[tilespmem:s12], [sflag:$0x2] =	stream.indirect_vreg.gather [hbm4b:s4+s2], $0x80, v3, vm0, $0xb8;
	[tilespmem:$0x15000] =	vst v63  }
0x283: {  	v3 =	vld [tilespmem:$0x5D0];
	_ =	sdelay $0x4  }
0x284: {  	v33 =	vperm.xlane v3, v0;
	_ =	sdelay $0x1  }
0x285: {  	v3 =	vperm.xlane v3, v2;
	v4 =	vadd.s32 v1, v33;
	_ =	sdelay $0x1  }
0x286: {  	v3 =	vadd.s32 v1, v3;
	_ =	sdelay $0x1  }
0x287: {  	s1 =	simm.s32 $0xE400  }
0x288: {  	[tilespmem:s1], [sflag:$0x2] =	stream.indirect_vreg.gather [hbm4b:s4+s2], $0x80, v4, vm0, $0xb8;
	[tilespmem:$0x15000] =	vst v63  }
0x289: {  	s12 =	simm.s32 $0xF800  }
0x28a: {  	[tilespmem:s12], [sflag:$0x2] =	stream.indirect_vreg.gather [hbm4b:s4+s2], $0x80, v3, vm0, $0xb8;
	[tilespmem:$0x15000] =	vst v63  }
0x28b: {  	v3 =	vld [tilespmem:$0x5E0];
	_ =	sdelay $0x4  }
0x28c: {  	v34 =	vperm.xlane v3, v0;
	_ =	sdelay $0x1  }
0x28d: {  	v3 =	vperm.xlane v3, v2;
	v4 =	vadd.s32 v1, v34;
	_ =	sdelay $0x1  }
0x28e: {  	v3 =	vadd.s32 v1, v3;
	_ =	sdelay $0x1  }
0x28f: {  	s1 =	simm.s32 $0x10C00  }
0x290: {  	[tilespmem:s1], [sflag:$0x2] =	stream.indirect_vreg.gather [hbm4b:s4+s2], $0x80, v4, vm0, $0xb8;
	[tilespmem:$0x15000] =	vst v63  }
0x291: {  	s12 =	simm.s32 $0x12000  }
0x292: {  	[tilespmem:s12], [sflag:$0x2] =	stream.indirect_vreg.gather [hbm4b:s4+s2], $0x80, v3, vm0, $0xb8;
	[tilespmem:$0x15000] =	vst v63  }
0x293: {  	v3 =	vld [tilespmem:$0x5F0];
	_ =	sdelay $0x4  }
0x294: {  	v35 =	vperm.xlane v3, v0;
	_ =	sdelay $0x1  }
0x295: {  	v3 =	vperm.xlane v3, v2;
	v4 =	vadd.s32 v1, v35;
	_ =	sdelay $0x1  }
0x296: {  	v3 =	vadd.s32 v1, v3;
	_ =	sdelay $0x1  }
0x297: {  	s1 =	simm.s32 $0x13400  }
0x298: {  	[tilespmem:s1], [sflag:$0x2] =	stream.indirect_vreg.gather [hbm4b:s4+s2], $0x80, v4, vm0, $0xb8;
	[tilespmem:$0x15000] =	vst v63  }
0x299: {  	s12 =	simm.s32 $0x14800  }
0x29a: {  	[tilespmem:s12], [sflag:$0x2] =	stream.indirect_vreg.gather [hbm4b:s4+s2], $0x80, v3, vm0, $0xb8;
	[tilespmem:$0x15000] =	vst v63  }
0x29b: {  	v3 =	vld [tilespmem:$0x640];
	_ =	sdelay $0x4  }
0x29c: {  	v36 =	vperm.xlane v3, v0;
	_ =	sdelay $0x1  }
0x29d: {  	v3 =	vperm.xlane v3, v2;
	v4 =	vadd.s32 v1, v36;
	_ =	sdelay $0x1  }
0x29e: {  	v3 =	vadd.s32 v1, v3;
	_ =	sdelay $0x1  }
0x29f: {  	s1 =	simm.s32 $0xC000  }
0x2a0: {  	[tilespmem:s1], [sflag:$0x2] =	stream.indirect_vreg.gather [hbm4b:s4+s2], $0x80, v4, vm0, $0xb8;
	[tilespmem:$0x15000] =	vst v63  }
0x2a1: {  	s12 =	simm.s32 $0xD400  }
0x2a2: {  	[tilespmem:s12], [sflag:$0x2] =	stream.indirect_vreg.gather [hbm4b:s4+s2], $0x80, v3, vm0, $0xb8;
	[tilespmem:$0x15000] =	vst v63  }
0x2a3: {  	v3 =	vld [tilespmem:$0x650];
	_ =	sdelay $0x4  }
0x2a4: {  	v37 =	vperm.xlane v3, v0;
	_ =	sdelay $0x1  }
0x2a5: {  	v3 =	vperm.xlane v3, v2;
	v4 =	vadd.s32 v1, v37;
	_ =	sdelay $0x1  }
0x2a6: {  	v3 =	vadd.s32 v1, v3;
	_ =	sdelay $0x1  }
0x2a7: {  	s1 =	simm.s32 $0xE800  }
0x2a8: {  	[tilespmem:s1], [sflag:$0x2] =	stream.indirect_vreg.gather [hbm4b:s4+s2], $0x80, v4, vm0, $0xb8;
	[tilespmem:$0x15000] =	vst v63  }
0x2a9: {  	s12 =	simm.s32 $0xFC00  }
0x2aa: {  	[tilespmem:s12], [sflag:$0x2] =	stream.indirect_vreg.gather [hbm4b:s4+s2], $0x80, v3, vm0, $0xb8;
	[tilespmem:$0x15000] =	vst v63  }
0x2ab: {  	v3 =	vld [tilespmem:$0x660];
	_ =	sdelay $0x4  }
0x2ac: {  	v38 =	vperm.xlane v3, v0;
	_ =	sdelay $0x1  }
0x2ad: {  	v3 =	vperm.xlane v3, v2;
	v4 =	vadd.s32 v1, v38;
	_ =	sdelay $0x1  }
0x2ae: {  	v3 =	vadd.s32 v1, v3;
	_ =	sdelay $0x1  }
0x2af: {  	s1 =	simm.s32 $0x11000  }
0x2b0: {  	[tilespmem:s1], [sflag:$0x2] =	stream.indirect_vreg.gather [hbm4b:s4+s2], $0x80, v4, vm0, $0xb8;
	[tilespmem:$0x15000] =	vst v63  }
0x2b1: {  	s12 =	simm.s32 $0x12400  }
0x2b2: {  	[tilespmem:s12], [sflag:$0x2] =	stream.indirect_vreg.gather [hbm4b:s4+s2], $0x80, v3, vm0, $0xb8;
	[tilespmem:$0x15000] =	vst v63  }
0x2b3: {  	v3 =	vld [tilespmem:$0x670];
	_ =	sdelay $0x4  }
0x2b4: {  	v39 =	vperm.xlane v3, v0;
	_ =	sdelay $0x1  }
0x2b5: {  	v3 =	vperm.xlane v3, v2;
	v4 =	vadd.s32 v1, v39;
	_ =	sdelay $0x1  }
0x2b6: {  	v3 =	vadd.s32 v1, v3;
	_ =	sdelay $0x1  }
0x2b7: {  	s1 =	simm.s32 $0x13800  }
0x2b8: {  	[tilespmem:s1], [sflag:$0x2] =	stream.indirect_vreg.gather [hbm4b:s4+s2], $0x80, v4, vm0, $0xb8;
	[tilespmem:$0x15000] =	vst v63  }
0x2b9: {  	s12 =	simm.s32 $0x14C00  }
0x2ba: {  	[tilespmem:s12], [sflag:$0x2] =	stream.indirect_vreg.gather [hbm4b:s4+s2], $0x80, v3, vm0, $0xb8;
	[tilespmem:$0x15000] =	vst v63  }
0x2bb: {  	_ =	swait.ge [sflag:s10], $0x2000  }
0x2bc: {  	[sflag:s10] =	ssyncset.done $0x0  }
0x2bd: {  	[sflag:s10] =	ssyncadd.s32 $0xFFFFE000  }
0x2be: {  	_ =	swait.ge [sflag:s10], $0x2000  }
0x2bf: {  	[sflag:s10] =	ssyncset.done $0x0  }
0x2c0: {  	[sflag:s10] =	ssyncadd.s32 $0xFFFFE000  }
0x2c1: {  	_ =	swait.ge [sflag:s10], $0x2000  }
0x2c2: {  	[sflag:s10] =	ssyncset.done $0x0  }
0x2c3: {  	[sflag:s10] =	ssyncadd.s32 $0xFFFFE000  }
0x2c4: {  	_ =	swait.ge [sflag:s10], $0x2000  }
0x2c5: {  	[sflag:s10] =	ssyncset.done $0x0  }
0x2c6: {  	[sflag:s10] =	ssyncadd.s32 $0xFFFFE000  }
0x2c7: {  	_ =	swait.ge [sflag:s10], $0x2000  }
0x2c8: {  	[sflag:s10] =	ssyncset.done $0x0  }
0x2c9: {  	s1 =	simm.s32 $0x1000;
	s0 =	rddreg [dreg:$0x5];
	[sflag:s10] =	ssyncadd.s32 $0xFFFFE000  }
0x2ca: {  	[hbm4b:s0+s2] =	stream.linear.scatter [tilespmem:s1], [sflag:$0x3], $0xA000, $0x38;
	[tilespmem:$0x15000] =	vst v63  }
0x2cb: {  	_ =	swait.ge [sflag:s6], $0xA000  }
0x2cc: {  	[sflag:s6] =	ssyncset.done $0x0  }
0x2cd: {  	[sflag:s6] =	ssyncadd.s32 $0xFFFF6000  }
0x2ce: {  	v3 =	vld [tilespmem:$0x800];
	_ =	sdelay $0x4  }
0x2cf: {  	v40 =	vperm.xlane v3, v0;
	_ =	sdelay $0x1  }
0x2d0: {  	v3 =	vperm.xlane v3, v2;
	v4 =	vadd.s32 v1, v40;
	_ =	sdelay $0x1  }
0x2d1: {  	v3 =	vadd.s32 v1, v3;
	_ =	sdelay $0x2  }
0x2d2: {  	[tilespmem:s1], [sflag:$0x1] =	stream.indirect_vreg.gather [hbm4b:s4+s2], $0x80, v4, vm0, $0xb8;
	[tilespmem:$0x15000] =	vst v63  }
0x2d3: {  	s1 =	simm.s32 $0x2400  }
0x2d4: {  	[tilespmem:s1], [sflag:$0x1] =	stream.indirect_vreg.gather [hbm4b:s4+s2], $0x80, v3, vm0, $0xb8;
	[tilespmem:$0x15000] =	vst v63  }
0x2d5: {  	v3 =	vld [tilespmem:$0x810];
	_ =	sdelay $0x4  }
0x2d6: {  	v41 =	vperm.xlane v3, v0;
	_ =	sdelay $0x1  }
0x2d7: {  	v3 =	vperm.xlane v3, v2;
	v4 =	vadd.s32 v1, v41;
	_ =	sdelay $0x1  }
0x2d8: {  	v3 =	vadd.s32 v1, v3;
	_ =	sdelay $0x2  }
0x2d9: {  	[tilespmem:s21], [sflag:$0x1] =	stream.indirect_vreg.gather [hbm4b:s4+s2], $0x80, v4, vm0, $0xb8;
	[tilespmem:$0x15000] =	vst v63  }
0x2da: {  	s12 =	simm.s32 $0x4C00  }
0x2db: {  	[tilespmem:s12], [sflag:$0x1] =	stream.indirect_vreg.gather [hbm4b:s4+s2], $0x80, v3, vm0, $0xb8;
	[tilespmem:$0x15000] =	vst v63  }
0x2dc: {  	v3 =	vld [tilespmem:$0x820];
	_ =	sdelay $0x4  }
0x2dd: {  	v42 =	vperm.xlane v3, v0;
	_ =	sdelay $0x1  }
0x2de: {  	v3 =	vperm.xlane v3, v2;
	v4 =	vadd.s32 v1, v42;
	_ =	sdelay $0x1  }
0x2df: {  	v3 =	vadd.s32 v1, v3;
	_ =	sdelay $0x2  }
0x2e0: {  	[tilespmem:s25], [sflag:$0x1] =	stream.indirect_vreg.gather [hbm4b:s4+s2], $0x80, v4, vm0, $0xb8;
	[tilespmem:$0x15000] =	vst v63  }
0x2e1: {  	s25 =	simm.s32 $0x7400  }
0x2e2: {  	[tilespmem:s25], [sflag:$0x1] =	stream.indirect_vreg.gather [hbm4b:s4+s2], $0x80, v3, vm0, $0xb8;
	[tilespmem:$0x15000] =	vst v63  }
0x2e3: {  	v3 =	vld [tilespmem:$0x830];
	_ =	sdelay $0x4  }
0x2e4: {  	v43 =	vperm.xlane v3, v0;
	_ =	sdelay $0x1  }
0x2e5: {  	v3 =	vperm.xlane v3, v2;
	v4 =	vadd.s32 v1, v43;
	_ =	sdelay $0x1  }
0x2e6: {  	v3 =	vadd.s32 v1, v3;
	_ =	sdelay $0x2  }
0x2e7: {  	[tilespmem:s26], [sflag:$0x1] =	stream.indirect_vreg.gather [hbm4b:s4+s2], $0x80, v4, vm0, $0xb8;
	[tilespmem:$0x15000] =	vst v63  }
0x2e8: {  	s26 =	simm.s32 $0x9C00  }
0x2e9: {  	[tilespmem:s26], [sflag:$0x1] =	stream.indirect_vreg.gather [hbm4b:s4+s2], $0x80, v3, vm0, $0xb8;
	[tilespmem:$0x15000] =	vst v63  }
0x2ea: {  	v3 =	vld [tilespmem:$0x880];
	_ =	sdelay $0x4  }
0x2eb: {  	v44 =	vperm.xlane v3, v0;
	_ =	sdelay $0x1  }
0x2ec: {  	v3 =	vperm.xlane v3, v2;
	v4 =	vadd.s32 v1, v44;
	_ =	sdelay $0x1  }
0x2ed: {  	v3 =	vadd.s32 v1, v3;
	_ =	sdelay $0x2  }
0x2ee: {  	[tilespmem:s3], [sflag:$0x1] =	stream.indirect_vreg.gather [hbm4b:s4+s2], $0x80, v4, vm0, $0xb8;
	[tilespmem:$0x15000] =	vst v63  }
0x2ef: {  	s3 =	simm.s32 $0x2800  }
0x2f0: {  	[tilespmem:s3], [sflag:$0x1] =	stream.indirect_vreg.gather [hbm4b:s4+s2], $0x80, v3, vm0, $0xb8;
	[tilespmem:$0x15000] =	vst v63  }
0x2f1: {  	v3 =	vld [tilespmem:$0x890];
	_ =	sdelay $0x4  }
0x2f2: {  	v45 =	vperm.xlane v3, v0;
	_ =	sdelay $0x1  }
0x2f3: {  	v3 =	vperm.xlane v3, v2;
	v4 =	vadd.s32 v1, v45;
	_ =	sdelay $0x1  }
0x2f4: {  	v3 =	vadd.s32 v1, v3;
	_ =	sdelay $0x2  }
0x2f5: {  	[tilespmem:s7], [sflag:$0x1] =	stream.indirect_vreg.gather [hbm4b:s4+s2], $0x80, v4, vm0, $0xb8;
	[tilespmem:$0x15000] =	vst v63  }
0x2f6: {  	s7 =	simm.s32 $0x5000  }
0x2f7: {  	[tilespmem:s7], [sflag:$0x1] =	stream.indirect_vreg.gather [hbm4b:s4+s2], $0x80, v3, vm0, $0xb8;
	[tilespmem:$0x15000] =	vst v63  }
0x2f8: {  	v3 =	vld [tilespmem:$0x8A0];
	_ =	sdelay $0x4  }
0x2f9: {  	v46 =	vperm.xlane v3, v0;
	_ =	sdelay $0x1  }
0x2fa: {  	v3 =	vperm.xlane v3, v2;
	v4 =	vadd.s32 v1, v46;
	_ =	sdelay $0x1  }
0x2fb: {  	v3 =	vadd.s32 v1, v3;
	_ =	sdelay $0x2  }
0x2fc: {  	[tilespmem:s8], [sflag:$0x1] =	stream.indirect_vreg.gather [hbm4b:s4+s2], $0x80, v4, vm0, $0xb8;
	[tilespmem:$0x15000] =	vst v63  }
0x2fd: {  	s12 =	simm.s32 $0x7800  }
0x2fe: {  	[tilespmem:s12], [sflag:$0x1] =	stream.indirect_vreg.gather [hbm4b:s4+s2], $0x80, v3, vm0, $0xb8;
	[tilespmem:$0x15000] =	vst v63  }
0x2ff: {  	v3 =	vld [tilespmem:$0x8B0];
	_ =	sdelay $0x4  }
0x300: {  	v47 =	vperm.xlane v3, v0;
	_ =	sdelay $0x1  }
0x301: {  	v3 =	vperm.xlane v3, v2;
	v4 =	vadd.s32 v1, v47;
	_ =	sdelay $0x1  }
0x302: {  	v3 =	vadd.s32 v1, v3;
	_ =	sdelay $0x2  }
0x303: {  	[tilespmem:s9], [sflag:$0x1] =	stream.indirect_vreg.gather [hbm4b:s4+s2], $0x80, v4, vm0, $0xb8;
	[tilespmem:$0x15000] =	vst v63  }
0x304: {  	s26 =	simm.s32 $0xA000  }
0x305: {  	[tilespmem:s26], [sflag:$0x1] =	stream.indirect_vreg.gather [hbm4b:s4+s2], $0x80, v3, vm0, $0xb8;
	[tilespmem:$0x15000] =	vst v63  }
0x306: {  	v3 =	vld [tilespmem:$0x900];
	_ =	sdelay $0x4  }
0x307: {  	v48 =	vperm.xlane v3, v0;
	_ =	sdelay $0x1  }
0x308: {  	v3 =	vperm.xlane v3, v2;
	v4 =	vadd.s32 v1, v48;
	_ =	sdelay $0x1  }
0x309: {  	v3 =	vadd.s32 v1, v3;
	_ =	sdelay $0x2  }
0x30a: {  	[tilespmem:s13], [sflag:$0x1] =	stream.indirect_vreg.gather [hbm4b:s4+s2], $0x80, v4, vm0, $0xb8;
	[tilespmem:$0x15000] =	vst v63  }
0x30b: {  	s3 =	simm.s32 $0x2C00  }
0x30c: {  	[tilespmem:s3], [sflag:$0x1] =	stream.indirect_vreg.gather [hbm4b:s4+s2], $0x80, v3, vm0, $0xb8;
	[tilespmem:$0x15000] =	vst v63  }
0x30d: {  	v3 =	vld [tilespmem:$0x910];
	_ =	sdelay $0x4  }
0x30e: {  	v49 =	vperm.xlane v3, v0;
	_ =	sdelay $0x1  }
0x30f: {  	v3 =	vperm.xlane v3, v2;
	v4 =	vadd.s32 v1, v49;
	_ =	sdelay $0x1  }
0x310: {  	v3 =	vadd.s32 v1, v3;
	_ =	sdelay $0x2  }
0x311: {  	[tilespmem:s14], [sflag:$0x1] =	stream.indirect_vreg.gather [hbm4b:s4+s2], $0x80, v4, vm0, $0xb8;
	[tilespmem:$0x15000] =	vst v63  }
0x312: {  	s7 =	simm.s32 $0x5400  }
0x313: {  	[tilespmem:s7], [sflag:$0x1] =	stream.indirect_vreg.gather [hbm4b:s4+s2], $0x80, v3, vm0, $0xb8;
	[tilespmem:$0x15000] =	vst v63  }
0x314: {  	v3 =	vld [tilespmem:$0x920];
	_ =	sdelay $0x4  }
0x315: {  	v50 =	vperm.xlane v3, v0;
	_ =	sdelay $0x1  }
0x316: {  	v3 =	vperm.xlane v3, v2;
	v4 =	vadd.s32 v1, v50;
	_ =	sdelay $0x1  }
0x317: {  	v3 =	vadd.s32 v1, v3;
	_ =	sdelay $0x2  }
0x318: {  	[tilespmem:s15], [sflag:$0x1] =	stream.indirect_vreg.gather [hbm4b:s4+s2], $0x80, v4, vm0, $0xb8;
	[tilespmem:$0x15000] =	vst v63  }
0x319: {  	s12 =	simm.s32 $0x7C00  }
0x31a: {  	[tilespmem:s12], [sflag:$0x1] =	stream.indirect_vreg.gather [hbm4b:s4+s2], $0x80, v3, vm0, $0xb8;
	[tilespmem:$0x15000] =	vst v63  }
0x31b: {  	v3 =	vld [tilespmem:$0x930];
	_ =	sdelay $0x4  }
0x31c: {  	v51 =	vperm.xlane v3, v0;
	_ =	sdelay $0x1  }
0x31d: {  	v3 =	vperm.xlane v3, v2;
	v4 =	vadd.s32 v1, v51;
	_ =	sdelay $0x1  }
0x31e: {  	v3 =	vadd.s32 v1, v3;
	_ =	sdelay $0x2  }
0x31f: {  	[tilespmem:s16], [sflag:$0x1] =	stream.indirect_vreg.gather [hbm4b:s4+s2], $0x80, v4, vm0, $0xb8;
	[tilespmem:$0x15000] =	vst v63  }
0x320: {  	s26 =	simm.s32 $0xA400  }
0x321: {  	[tilespmem:s26], [sflag:$0x1] =	stream.indirect_vreg.gather [hbm4b:s4+s2], $0x80, v3, vm0, $0xb8;
	[tilespmem:$0x15000] =	vst v63  }
0x322: {  	v3 =	vld [tilespmem:$0x980];
	_ =	sdelay $0x4  }
0x323: {  	v52 =	vperm.xlane v3, v0;
	_ =	sdelay $0x1  }
0x324: {  	v3 =	vperm.xlane v3, v2;
	v4 =	vadd.s32 v1, v52;
	_ =	sdelay $0x1  }
0x325: {  	v3 =	vadd.s32 v1, v3;
	_ =	sdelay $0x2  }
0x326: {  	[tilespmem:s17], [sflag:$0x1] =	stream.indirect_vreg.gather [hbm4b:s4+s2], $0x80, v4, vm0, $0xb8;
	[tilespmem:$0x15000] =	vst v63  }
0x327: {  	s3 =	simm.s32 $0x3000  }
0x328: {  	[tilespmem:s3], [sflag:$0x1] =	stream.indirect_vreg.gather [hbm4b:s4+s2], $0x80, v3, vm0, $0xb8;
	[tilespmem:$0x15000] =	vst v63  }
0x329: {  	v3 =	vld [tilespmem:$0x990];
	_ =	sdelay $0x4  }
0x32a: {  	v53 =	vperm.xlane v3, v0;
	_ =	sdelay $0x1  }
0x32b: {  	v3 =	vperm.xlane v3, v2;
	v4 =	vadd.s32 v1, v53;
	_ =	sdelay $0x1  }
0x32c: {  	v3 =	vadd.s32 v1, v3;
	_ =	sdelay $0x2  }
0x32d: {  	[tilespmem:s18], [sflag:$0x1] =	stream.indirect_vreg.gather [hbm4b:s4+s2], $0x80, v4, vm0, $0xb8;
	[tilespmem:$0x15000] =	vst v63  }
0x32e: {  	s7 =	simm.s32 $0x5800  }
0x32f: {  	[tilespmem:s7], [sflag:$0x1] =	stream.indirect_vreg.gather [hbm4b:s4+s2], $0x80, v3, vm0, $0xb8;
	[tilespmem:$0x15000] =	vst v63  }
0x330: {  	v3 =	vld [tilespmem:$0x9A0];
	_ =	sdelay $0x4  }
0x331: {  	v54 =	vperm.xlane v3, v0;
	_ =	sdelay $0x1  }
0x332: {  	v3 =	vperm.xlane v3, v2;
	v4 =	vadd.s32 v1, v54;
	_ =	sdelay $0x1  }
0x333: {  	v3 =	vadd.s32 v1, v3;
	_ =	sdelay $0x2  }
0x334: {  	[tilespmem:s19], [sflag:$0x1] =	stream.indirect_vreg.gather [hbm4b:s4+s2], $0x80, v4, vm0, $0xb8;
	[tilespmem:$0x15000] =	vst v63  }
0x335: {  	s12 =	simm.s32 $0x8000  }
0x336: {  	[tilespmem:s12], [sflag:$0x1] =	stream.indirect_vreg.gather [hbm4b:s4+s2], $0x80, v3, vm0, $0xb8;
	[tilespmem:$0x15000] =	vst v63  }
0x337: {  	v3 =	vld [tilespmem:$0x9B0];
	_ =	sdelay $0x4  }
0x338: {  	v55 =	vperm.xlane v3, v0;
	_ =	sdelay $0x1  }
0x339: {  	v3 =	vperm.xlane v3, v2;
	v4 =	vadd.s32 v1, v55;
	_ =	sdelay $0x1  }
0x33a: {  	v3 =	vadd.s32 v1, v3;
	_ =	sdelay $0x2  }
0x33b: {  	[tilespmem:s20], [sflag:$0x1] =	stream.indirect_vreg.gather [hbm4b:s4+s2], $0x80, v4, vm0, $0xb8;
	[tilespmem:$0x15000] =	vst v63  }
0x33c: {  	s26 =	simm.s32 $0xA800  }
0x33d: {  	[tilespmem:s26], [sflag:$0x1] =	stream.indirect_vreg.gather [hbm4b:s4+s2], $0x80, v3, vm0, $0xb8;
	[tilespmem:$0x15000] =	vst v63  }
0x33e: {  	v3 =	vld [tilespmem:$0xA00];
	_ =	sdelay $0x4  }
0x33f: {  	v56 =	vperm.xlane v3, v0;
	_ =	sdelay $0x1  }
0x340: {  	v3 =	vperm.xlane v3, v2;
	v4 =	vadd.s32 v1, v56;
	_ =	sdelay $0x1  }
0x341: {  	v3 =	vadd.s32 v1, v3;
	_ =	sdelay $0x2  }
0x342: {  	[tilespmem:s22], [sflag:$0x1] =	stream.indirect_vreg.gather [hbm4b:s4+s2], $0x80, v4, vm0, $0xb8;
	[tilespmem:$0x15000] =	vst v63  }
0x343: {  	_ = 	snop  }
0x344: {  	[tilespmem:s29], [sflag:$0x1] =	stream.indirect_vreg.gather [hbm4b:s4+s2], $0x80, v3, vm0, $0xb8;
	[tilespmem:$0x15000] =	vst v63  }
0x345: {  	v3 =	vld [tilespmem:$0xA10];
	_ =	sdelay $0x4  }
0x346: {  	v57 =	vperm.xlane v3, v0;
	_ =	sdelay $0x1  }
0x347: {  	v3 =	vperm.xlane v3, v2;
	v4 =	vadd.s32 v1, v57;
	_ =	sdelay $0x1  }
0x348: {  	v3 =	vadd.s32 v1, v3;
	_ =	sdelay $0x2  }
0x349: {  	[tilespmem:s23], [sflag:$0x1] =	stream.indirect_vreg.gather [hbm4b:s4+s2], $0x80, v4, vm0, $0xb8;
	[tilespmem:$0x15000] =	vst v63  }
0x34a: {  	_ = 	snop  }
0x34b: {  	[tilespmem:s30], [sflag:$0x1] =	stream.indirect_vreg.gather [hbm4b:s4+s2], $0x80, v3, vm0, $0xb8;
	[tilespmem:$0x15000] =	vst v63  }
0x34c: {  	v3 =	vld [tilespmem:$0xA20];
	_ =	sdelay $0x4  }
0x34d: {  	v58 =	vperm.xlane v3, v0;
	_ =	sdelay $0x1  }
0x34e: {  	v3 =	vperm.xlane v3, v2;
	v4 =	vadd.s32 v1, v58;
	_ =	sdelay $0x1  }
0x34f: {  	v3 =	vadd.s32 v1, v3;
	_ =	sdelay $0x2  }
0x350: {  	[tilespmem:s24], [sflag:$0x1] =	stream.indirect_vreg.gather [hbm4b:s4+s2], $0x80, v4, vm0, $0xb8;
	[tilespmem:$0x15000] =	vst v63  }
0x351: {  	_ = 	snop  }
0x352: {  	[tilespmem:s31], [sflag:$0x1] =	stream.indirect_vreg.gather [hbm4b:s4+s2], $0x80, v3, vm0, $0xb8;
	[tilespmem:$0x15000] =	vst v63  }
0x353: {  	v3 =	vld [tilespmem:$0xA30];
	_ =	sdelay $0x4  }
0x354: {  	v59 =	vperm.xlane v3, v0;
	_ =	sdelay $0x1  }
0x355: {  	v3 =	vperm.xlane v3, v2;
	v4 =	vadd.s32 v1, v59;
	_ =	sdelay $0x1  }
0x356: {  	v3 =	vadd.s32 v1, v3;
	_ =	sdelay $0x2  }
0x357: {  	[tilespmem:s28], [sflag:$0x1] =	stream.indirect_vreg.gather [hbm4b:s4+s2], $0x80, v4, vm0, $0xb8;
	[tilespmem:$0x15000] =	vst v63  }
0x358: {  	s28 =	simm.s32 $0xAC00  }
0x359: {  	[tilespmem:s28], [sflag:$0x1] =	stream.indirect_vreg.gather [hbm4b:s4+s2], $0x80, v3, vm0, $0xb8;
	[tilespmem:$0x15000] =	vst v63  }
0x35a: {  	_ =	swait.ge [sflag:s11], $0x2000  }
0x35b: {  	[sflag:s11] =	ssyncset.done $0x0  }
0x35c: {  	[sflag:s11] =	ssyncadd.s32 $0xFFFFE000  }
0x35d: {  	_ =	swait.ge [sflag:s11], $0x2000  }
0x35e: {  	[sflag:s11] =	ssyncset.done $0x0  }
0x35f: {  	[sflag:s11] =	ssyncadd.s32 $0xFFFFE000  }
0x360: {  	_ =	swait.ge [sflag:s11], $0x2000  }
0x361: {  	[sflag:s11] =	ssyncset.done $0x0  }
0x362: {  	[sflag:s11] =	ssyncadd.s32 $0xFFFFE000  }
0x363: {  	_ =	swait.ge [sflag:s11], $0x2000  }
0x364: {  	[sflag:s11] =	ssyncset.done $0x0  }
0x365: {  	[sflag:s11] =	ssyncadd.s32 $0xFFFFE000  }
0x366: {  	_ =	swait.ge [sflag:s11], $0x2000  }
0x367: {  	[sflag:s11] =	ssyncset.done $0x0  }
0x368: {  	s3 =	simm.s32 $0xB000;
	s0 =	rddreg [dreg:$0x6];
	[sflag:s11] =	ssyncadd.s32 $0xFFFFE000  }
0x369: {  	[hbm4b:s0+s2] =	stream.linear.scatter [tilespmem:s3], [sflag:$0x3], $0xA000, $0x38;
	[tilespmem:$0x15000] =	vst v63  }
0x36a: {  	_ =	swait.ge [sflag:s6], $0xA000  }
0x36b: {  	[sflag:s6] =	ssyncset.done $0x0  }
0x36c: {  	[sflag:s6] =	ssyncadd.s32 $0xFFFF6000  }
0x36d: {  	v3 =	vld [tilespmem:$0x840];
	_ =	sdelay $0x4  }
0x36e: {  	v60 =	vperm.xlane v3, v0;
	_ =	sdelay $0x1  }
0x36f: {  	v3 =	vperm.xlane v3, v2;
	v4 =	vadd.s32 v1, v60;
	_ =	sdelay $0x1  }
0x370: {  	v3 =	vadd.s32 v1, v3;
	_ =	sdelay $0x2  }
0x371: {  	[tilespmem:s3], [sflag:$0x2] =	stream.indirect_vreg.gather [hbm4b:s4+s2], $0x80, v4, vm0, $0xb8;
	[tilespmem:$0x15000] =	vst v63  }
0x372: {  	s7 =	simm.s32 $0xC400  }
0x373: {  	[tilespmem:s7], [sflag:$0x2] =	stream.indirect_vreg.gather [hbm4b:s4+s2], $0x80, v3, vm0, $0xb8;
	[tilespmem:$0x15000] =	vst v63  }
0x374: {  	v3 =	vld [tilespmem:$0x850];
	_ =	sdelay $0x4  }
0x375: {  	v61 =	vperm.xlane v3, v0;
	_ =	sdelay $0x1  }
0x376: {  	v3 =	vperm.xlane v3, v2;
	v4 =	vadd.s32 v1, v61;
	_ =	sdelay $0x1  }
0x377: {  	v3 =	vadd.s32 v1, v3;
	_ =	sdelay $0x1  }
0x378: {  	s28 =	simm.s32 $0xD800  }
0x379: {  	[tilespmem:s28], [sflag:$0x2] =	stream.indirect_vreg.gather [hbm4b:s4+s2], $0x80, v4, vm0, $0xb8;
	[tilespmem:$0x15000] =	vst v63  }
0x37a: {  	s12 =	simm.s32 $0xEC00  }
0x37b: {  	[tilespmem:s12], [sflag:$0x2] =	stream.indirect_vreg.gather [hbm4b:s4+s2], $0x80, v3, vm0, $0xb8;
	[tilespmem:$0x15000] =	vst v63  }
0x37c: {  	v3 =	vld [tilespmem:$0x860];
	_ =	sdelay $0x4  }
0x37d: {  	v62 =	vperm.xlane v3, v0;
	_ =	sdelay $0x1  }
0x37e: {  	v3 =	vperm.xlane v3, v2;
	v4 =	vadd.s32 v1, v62;
	_ =	sdelay $0x1  }
0x37f: {  	v3 =	vadd.s32 v1, v3;
	_ =	sdelay $0x1  }
0x380: {  	s0 =	simm.s32 $0x10000  }
0x381: {  	[tilespmem:s0], [sflag:$0x2] =	stream.indirect_vreg.gather [hbm4b:s4+s2], $0x80, v4, vm0, $0xb8;
	[tilespmem:$0x15000] =	vst v63  }
0x382: {  	s7 =	simm.s32 $0x11400  }
0x383: {  	[tilespmem:s7], [sflag:$0x2] =	stream.indirect_vreg.gather [hbm4b:s4+s2], $0x80, v3, vm0, $0xb8;
	[tilespmem:$0x15000] =	vst v63  }
0x384: {  	v3 =	vld [tilespmem:$0x870];
	_ =	sdelay $0x4  }
0x385: {  	v63 =	vperm.xlane v3, v0;
	_ =	sdelay $0x1  }
0x386: {  	v3 =	vperm.xlane v3, v2;
	v4 =	vadd.s32 v1, v63;
	_ =	sdelay $0x1  }
0x387: {  	v3 =	vadd.s32 v1, v3;
	_ =	sdelay $0x1  }
0x388: {  	s7 =	simm.s32 $0x12800  }
0x389: {  	[tilespmem:s7], [sflag:$0x2] =	stream.indirect_vreg.gather [hbm4b:s4+s2], $0x80, v4, vm0, $0xb8;
	[tilespmem:$0x15000] =	vst v63  }
0x38a: {  	s7 =	simm.s32 $0x13C00  }
0x38b: {  	[tilespmem:s7], [sflag:$0x2] =	stream.indirect_vreg.gather [hbm4b:s4+s2], $0x80, v3, vm0, $0xb8;
	[tilespmem:$0x15000] =	vst v63  }
0x38c: {  	v3 =	vld [tilespmem:$0x8C0];
	_ =	sdelay $0x4  }
0x38d: {  	v8 =	vperm.xlane v3, v0;
	_ =	sdelay $0x1  }
0x38e: {  	v3 =	vperm.xlane v3, v2;
	v4 =	vadd.s32 v1, v8;
	_ =	sdelay $0x1  }
0x38f: {  	v3 =	vadd.s32 v1, v3;
	_ =	sdelay $0x1  }
0x390: {  	s7 =	simm.s32 $0xB400  }
0x391: {  	[tilespmem:s7], [sflag:$0x2] =	stream.indirect_vreg.gather [hbm4b:s4+s2], $0x80, v4, vm0, $0xb8;
	[tilespmem:$0x15000] =	vst v63  }
0x392: {  	s7 =	simm.s32 $0xC800  }
0x393: {  	[tilespmem:s7], [sflag:$0x2] =	stream.indirect_vreg.gather [hbm4b:s4+s2], $0x80, v3, vm0, $0xb8;
	[tilespmem:$0x15000] =	vst v63  }
0x394: {  	v3 =	vld [tilespmem:$0x8D0];
	_ =	sdelay $0x4  }
0x395: {  	v9 =	vperm.xlane v3, v0;
	_ =	sdelay $0x1  }
0x396: {  	v3 =	vperm.xlane v3, v2;
	v4 =	vadd.s32 v1, v9;
	_ =	sdelay $0x1  }
0x397: {  	v3 =	vadd.s32 v1, v3;
	_ =	sdelay $0x1  }
0x398: {  	s7 =	simm.s32 $0xDC00  }
0x399: {  	[tilespmem:s7], [sflag:$0x2] =	stream.indirect_vreg.gather [hbm4b:s4+s2], $0x80, v4, vm0, $0xb8;
	[tilespmem:$0x15000] =	vst v63  }
0x39a: {  	s7 =	simm.s32 $0xF000  }
0x39b: {  	[tilespmem:s7], [sflag:$0x2] =	stream.indirect_vreg.gather [hbm4b:s4+s2], $0x80, v3, vm0, $0xb8;
	[tilespmem:$0x15000] =	vst v63  }
0x39c: {  	v3 =	vld [tilespmem:$0x8E0];
	_ =	sdelay $0x4  }
0x39d: {  	v10 =	vperm.xlane v3, v0;
	_ =	sdelay $0x1  }
0x39e: {  	v3 =	vperm.xlane v3, v2;
	v4 =	vadd.s32 v1, v10;
	_ =	sdelay $0x1  }
0x39f: {  	v3 =	vadd.s32 v1, v3;
	_ =	sdelay $0x1  }
0x3a0: {  	s7 =	simm.s32 $0x10400  }
0x3a1: {  	[tilespmem:s7], [sflag:$0x2] =	stream.indirect_vreg.gather [hbm4b:s4+s2], $0x80, v4, vm0, $0xb8;
	[tilespmem:$0x15000] =	vst v63  }
0x3a2: {  	s7 =	simm.s32 $0x11800  }
0x3a3: {  	[tilespmem:s7], [sflag:$0x2] =	stream.indirect_vreg.gather [hbm4b:s4+s2], $0x80, v3, vm0, $0xb8;
	[tilespmem:$0x15000] =	vst v63  }
0x3a4: {  	v3 =	vld [tilespmem:$0x8F0];
	_ =	sdelay $0x4  }
0x3a5: {  	v11 =	vperm.xlane v3, v0;
	_ =	sdelay $0x1  }
0x3a6: {  	v3 =	vperm.xlane v3, v2;
	v4 =	vadd.s32 v1, v11;
	_ =	sdelay $0x1  }
0x3a7: {  	v3 =	vadd.s32 v1, v3;
	_ =	sdelay $0x1  }
0x3a8: {  	s7 =	simm.s32 $0x12C00  }
0x3a9: {  	[tilespmem:s7], [sflag:$0x2] =	stream.indirect_vreg.gather [hbm4b:s4+s2], $0x80, v4, vm0, $0xb8;
	[tilespmem:$0x15000] =	vst v63  }
0x3aa: {  	s7 =	simm.s32 $0x14000  }
0x3ab: {  	[tilespmem:s7], [sflag:$0x2] =	stream.indirect_vreg.gather [hbm4b:s4+s2], $0x80, v3, vm0, $0xb8;
	[tilespmem:$0x15000] =	vst v63  }
0x3ac: {  	v3 =	vld [tilespmem:$0x940];
	_ =	sdelay $0x4  }
0x3ad: {  	v12 =	vperm.xlane v3, v0;
	_ =	sdelay $0x1  }
0x3ae: {  	v3 =	vperm.xlane v3, v2;
	v4 =	vadd.s32 v1, v12;
	_ =	sdelay $0x1  }
0x3af: {  	v3 =	vadd.s32 v1, v3;
	_ =	sdelay $0x1  }
0x3b0: {  	s7 =	simm.s32 $0xB800  }
0x3b1: {  	[tilespmem:s7], [sflag:$0x2] =	stream.indirect_vreg.gather [hbm4b:s4+s2], $0x80, v4, vm0, $0xb8;
	[tilespmem:$0x15000] =	vst v63  }
0x3b2: {  	s7 =	simm.s32 $0xCC00  }
0x3b3: {  	[tilespmem:s7], [sflag:$0x2] =	stream.indirect_vreg.gather [hbm4b:s4+s2], $0x80, v3, vm0, $0xb8;
	[tilespmem:$0x15000] =	vst v63  }
0x3b4: {  	v3 =	vld [tilespmem:$0x950];
	_ =	sdelay $0x4  }
0x3b5: {  	v13 =	vperm.xlane v3, v0;
	_ =	sdelay $0x1  }
0x3b6: {  	v3 =	vperm.xlane v3, v2;
	v4 =	vadd.s32 v1, v13;
	_ =	sdelay $0x1  }
0x3b7: {  	v3 =	vadd.s32 v1, v3;
	_ =	sdelay $0x1  }
0x3b8: {  	s7 =	simm.s32 $0xE000  }
0x3b9: {  	[tilespmem:s7], [sflag:$0x2] =	stream.indirect_vreg.gather [hbm4b:s4+s2], $0x80, v4, vm0, $0xb8;
	[tilespmem:$0x15000] =	vst v63  }
0x3ba: {  	s7 =	simm.s32 $0xF400  }
0x3bb: {  	[tilespmem:s7], [sflag:$0x2] =	stream.indirect_vreg.gather [hbm4b:s4+s2], $0x80, v3, vm0, $0xb8;
	[tilespmem:$0x15000] =	vst v63  }
0x3bc: {  	v3 =	vld [tilespmem:$0x960];
	_ =	sdelay $0x4  }
0x3bd: {  	v14 =	vperm.xlane v3, v0;
	_ =	sdelay $0x1  }
0x3be: {  	v3 =	vperm.xlane v3, v2;
	v4 =	vadd.s32 v1, v14;
	_ =	sdelay $0x1  }
0x3bf: {  	v3 =	vadd.s32 v1, v3;
	_ =	sdelay $0x1  }
0x3c0: {  	s7 =	simm.s32 $0x10800  }
0x3c1: {  	[tilespmem:s7], [sflag:$0x2] =	stream.indirect_vreg.gather [hbm4b:s4+s2], $0x80, v4, vm0, $0xb8;
	[tilespmem:$0x15000] =	vst v63  }
0x3c2: {  	s7 =	simm.s32 $0x11C00  }
0x3c3: {  	[tilespmem:s7], [sflag:$0x2] =	stream.indirect_vreg.gather [hbm4b:s4+s2], $0x80, v3, vm0, $0xb8;
	[tilespmem:$0x15000] =	vst v63  }
0x3c4: {  	v3 =	vld [tilespmem:$0x970];
	_ =	sdelay $0x4  }
0x3c5: {  	v15 =	vperm.xlane v3, v0;
	_ =	sdelay $0x1  }
0x3c6: {  	v3 =	vperm.xlane v3, v2;
	v4 =	vadd.s32 v1, v15;
	_ =	sdelay $0x1  }
0x3c7: {  	v3 =	vadd.s32 v1, v3;
	_ =	sdelay $0x1  }
0x3c8: {  	s7 =	simm.s32 $0x13000  }
0x3c9: {  	[tilespmem:s7], [sflag:$0x2] =	stream.indirect_vreg.gather [hbm4b:s4+s2], $0x80, v4, vm0, $0xb8;
	[tilespmem:$0x15000] =	vst v63  }
0x3ca: {  	s7 =	simm.s32 $0x14400  }
0x3cb: {  	[tilespmem:s7], [sflag:$0x2] =	stream.indirect_vreg.gather [hbm4b:s4+s2], $0x80, v3, vm0, $0xb8;
	[tilespmem:$0x15000] =	vst v63  }
0x3cc: {  	v3 =	vld [tilespmem:$0x9C0];
	_ =	sdelay $0x4  }
0x3cd: {  	v16 =	vperm.xlane v3, v0;
	_ =	sdelay $0x1  }
0x3ce: {  	v3 =	vperm.xlane v3, v2;
	v4 =	vadd.s32 v1, v16;
	_ =	sdelay $0x1  }
0x3cf: {  	v3 =	vadd.s32 v1, v3;
	_ =	sdelay $0x1  }
0x3d0: {  	s7 =	simm.s32 $0xBC00  }
0x3d1: {  	[tilespmem:s7], [sflag:$0x2] =	stream.indirect_vreg.gather [hbm4b:s4+s2], $0x80, v4, vm0, $0xb8;
	[tilespmem:$0x15000] =	vst v63  }
0x3d2: {  	s7 =	simm.s32 $0xD000  }
0x3d3: {  	[tilespmem:s7], [sflag:$0x2] =	stream.indirect_vreg.gather [hbm4b:s4+s2], $0x80, v3, vm0, $0xb8;
	[tilespmem:$0x15000] =	vst v63  }
0x3d4: {  	v3 =	vld [tilespmem:$0x9D0];
	_ =	sdelay $0x4  }
0x3d5: {  	v17 =	vperm.xlane v3, v0;
	_ =	sdelay $0x1  }
0x3d6: {  	v3 =	vperm.xlane v3, v2;
	v4 =	vadd.s32 v1, v17;
	_ =	sdelay $0x1  }
0x3d7: {  	v3 =	vadd.s32 v1, v3;
	_ =	sdelay $0x1  }
0x3d8: {  	s7 =	simm.s32 $0xE400  }
0x3d9: {  	[tilespmem:s7], [sflag:$0x2] =	stream.indirect_vreg.gather [hbm4b:s4+s2], $0x80, v4, vm0, $0xb8;
	[tilespmem:$0x15000] =	vst v63  }
0x3da: {  	s7 =	simm.s32 $0xF800  }
0x3db: {  	[tilespmem:s7], [sflag:$0x2] =	stream.indirect_vreg.gather [hbm4b:s4+s2], $0x80, v3, vm0, $0xb8;
	[tilespmem:$0x15000] =	vst v63  }
0x3dc: {  	v3 =	vld [tilespmem:$0x9E0];
	_ =	sdelay $0x4  }
0x3dd: {  	v18 =	vperm.xlane v3, v0;
	_ =	sdelay $0x1  }
0x3de: {  	v3 =	vperm.xlane v3, v2;
	v4 =	vadd.s32 v1, v18;
	_ =	sdelay $0x1  }
0x3df: {  	v3 =	vadd.s32 v1, v3;
	_ =	sdelay $0x1  }
0x3e0: {  	s7 =	simm.s32 $0x10C00  }
0x3e1: {  	[tilespmem:s7], [sflag:$0x2] =	stream.indirect_vreg.gather [hbm4b:s4+s2], $0x80, v4, vm0, $0xb8;
	[tilespmem:$0x15000] =	vst v63  }
0x3e2: {  	s7 =	simm.s32 $0x12000  }
0x3e3: {  	[tilespmem:s7], [sflag:$0x2] =	stream.indirect_vreg.gather [hbm4b:s4+s2], $0x80, v3, vm0, $0xb8;
	[tilespmem:$0x15000] =	vst v63  }
0x3e4: {  	v3 =	vld [tilespmem:$0x9F0];
	_ =	sdelay $0x4  }
0x3e5: {  	v19 =	vperm.xlane v3, v0;
	_ =	sdelay $0x1  }
0x3e6: {  	v3 =	vperm.xlane v3, v2;
	v4 =	vadd.s32 v1, v19;
	_ =	sdelay $0x1  }
0x3e7: {  	v3 =	vadd.s32 v1, v3;
	_ =	sdelay $0x1  }
0x3e8: {  	s7 =	simm.s32 $0x13400  }
0x3e9: {  	[tilespmem:s7], [sflag:$0x2] =	stream.indirect_vreg.gather [hbm4b:s4+s2], $0x80, v4, vm0, $0xb8;
	[tilespmem:$0x15000] =	vst v63  }
0x3ea: {  	s7 =	simm.s32 $0x14800  }
0x3eb: {  	[tilespmem:s7], [sflag:$0x2] =	stream.indirect_vreg.gather [hbm4b:s4+s2], $0x80, v3, vm0, $0xb8;
	[tilespmem:$0x15000] =	vst v63  }
0x3ec: {  	v3 =	vld [tilespmem:$0xA40];
	_ =	sdelay $0x4  }
0x3ed: {  	v20 =	vperm.xlane v3, v0;
	_ =	sdelay $0x1  }
0x3ee: {  	v3 =	vperm.xlane v3, v2;
	v4 =	vadd.s32 v1, v20;
	_ =	sdelay $0x1  }
0x3ef: {  	v3 =	vadd.s32 v1, v3;
	_ =	sdelay $0x1  }
0x3f0: {  	s7 =	simm.s32 $0xC000  }
0x3f1: {  	[tilespmem:s7], [sflag:$0x2] =	stream.indirect_vreg.gather [hbm4b:s4+s2], $0x80, v4, vm0, $0xb8;
	[tilespmem:$0x15000] =	vst v63  }
0x3f2: {  	s7 =	simm.s32 $0xD400  }
0x3f3: {  	[tilespmem:s7], [sflag:$0x2] =	stream.indirect_vreg.gather [hbm4b:s4+s2], $0x80, v3, vm0, $0xb8;
	[tilespmem:$0x15000] =	vst v63  }
0x3f4: {  	v3 =	vld [tilespmem:$0xA50];
	_ =	sdelay $0x4  }
0x3f5: {  	v21 =	vperm.xlane v3, v0;
	_ =	sdelay $0x1  }
0x3f6: {  	v3 =	vperm.xlane v3, v2;
	v4 =	vadd.s32 v1, v21;
	_ =	sdelay $0x1  }
0x3f7: {  	v3 =	vadd.s32 v1, v3;
	_ =	sdelay $0x1  }
0x3f8: {  	s7 =	simm.s32 $0xE800  }
0x3f9: {  	[tilespmem:s7], [sflag:$0x2] =	stream.indirect_vreg.gather [hbm4b:s4+s2], $0x80, v4, vm0, $0xb8;
	[tilespmem:$0x15000] =	vst v63  }
0x3fa: {  	s7 =	simm.s32 $0xFC00  }
0x3fb: {  	[tilespmem:s7], [sflag:$0x2] =	stream.indirect_vreg.gather [hbm4b:s4+s2], $0x80, v3, vm0, $0xb8;
	[tilespmem:$0x15000] =	vst v63  }
0x3fc: {  	v3 =	vld [tilespmem:$0xA60];
	_ =	sdelay $0x4  }
0x3fd: {  	v22 =	vperm.xlane v3, v0;
	_ =	sdelay $0x1  }
0x3fe: {  	v3 =	vperm.xlane v3, v2;
	v4 =	vadd.s32 v1, v22;
	_ =	sdelay $0x1  }
0x3ff: {  	v3 =	vadd.s32 v1, v3;
	_ =	sdelay $0x1  }
0x400: {  	s7 =	simm.s32 $0x11000  }
0x401: {  	[tilespmem:s7], [sflag:$0x2] =	stream.indirect_vreg.gather [hbm4b:s4+s2], $0x80, v4, vm0, $0xb8;
	[tilespmem:$0x15000] =	vst v63  }
0x402: {  	s7 =	simm.s32 $0x12400  }
0x403: {  	[tilespmem:s7], [sflag:$0x2] =	stream.indirect_vreg.gather [hbm4b:s4+s2], $0x80, v3, vm0, $0xb8;
	[tilespmem:$0x15000] =	vst v63  }
0x404: {  	v3 =	vld [tilespmem:$0xA70];
	_ =	sdelay $0x4  }
0x405: {  	v23 =	vperm.xlane v3, v0;
	_ =	sdelay $0x1  }
0x406: {  	v3 =	vperm.xlane v3, v2;
	v4 =	vadd.s32 v1, v23;
	_ =	sdelay $0x1  }
0x407: {  	v3 =	vadd.s32 v1, v3;
	_ =	sdelay $0x1  }
0x408: {  	s7 =	simm.s32 $0x13800  }
0x409: {  	[tilespmem:s7], [sflag:$0x2] =	stream.indirect_vreg.gather [hbm4b:s4+s2], $0x80, v4, vm0, $0xb8;
	[tilespmem:$0x15000] =	vst v63  }
0x40a: {  	s7 =	simm.s32 $0x14C00  }
0x40b: {  	[tilespmem:s7], [sflag:$0x2] =	stream.indirect_vreg.gather [hbm4b:s4+s2], $0x80, v3, vm0, $0xb8;
	[tilespmem:$0x15000] =	vst v63  }
0x40c: {  	_ =	swait.ge [sflag:s10], $0x2000  }
0x40d: {  	[sflag:s10] =	ssyncset.done $0x0  }
0x40e: {  	[sflag:s10] =	ssyncadd.s32 $0xFFFFE000  }
0x40f: {  	_ =	swait.ge [sflag:s10], $0x2000  }
0x410: {  	[sflag:s10] =	ssyncset.done $0x0  }
0x411: {  	[sflag:s10] =	ssyncadd.s32 $0xFFFFE000  }
0x412: {  	_ =	swait.ge [sflag:s10], $0x2000  }
0x413: {  	[sflag:s10] =	ssyncset.done $0x0  }
0x414: {  	[sflag:s10] =	ssyncadd.s32 $0xFFFFE000  }
0x415: {  	_ =	swait.ge [sflag:s10], $0x2000  }
0x416: {  	[sflag:s10] =	ssyncset.done $0x0  }
0x417: {  	[sflag:s10] =	ssyncadd.s32 $0xFFFFE000  }
0x418: {  	_ =	swait.ge [sflag:s10], $0x2000  }
0x419: {  	[sflag:s10] =	ssyncset.done $0x0  }
0x41a: {  	s7 =	simm.s32 $0x1000;
	s12 =	rddreg [dreg:$0x7];
	[sflag:s10] =	ssyncadd.s32 $0xFFFFE000  }
0x41b: {  	[hbm4b:s12+s2] =	stream.linear.scatter [tilespmem:s7], [sflag:$0x3], $0xA000, $0x38;
	[tilespmem:$0x15000] =	vst v63  }
0x41c: {  	_ =	swait.ge [sflag:s6], $0xA000  }
0x41d: {  	[sflag:s6] =	ssyncset.done $0x0  }
0x41e: {  	[sflag:s6] =	ssyncadd.s32 $0xFFFF6000  }
0x41f: {  	v3 =	vld [tilespmem:$0xC00];
	_ =	sdelay $0x4  }
0x420: {  	v24 =	vperm.xlane v3, v0;
	_ =	sdelay $0x1  }
0x421: {  	v3 =	vperm.xlane v3, v2;
	v4 =	vadd.s32 v1, v24;
	_ =	sdelay $0x1  }
0x422: {  	v3 =	vadd.s32 v1, v3;
	_ =	sdelay $0x2  }
0x423: {  	[tilespmem:s7], [sflag:$0x1] =	stream.indirect_vreg.gather [hbm4b:s4+s2], $0x80, v4, vm0, $0xb8;
	[tilespmem:$0x15000] =	vst v63  }
0x424: {  	_ = 	snop  }
0x425: {  	[tilespmem:s1], [sflag:$0x1] =	stream.indirect_vreg.gather [hbm4b:s4+s2], $0x80, v3, vm0, $0xb8;
	[tilespmem:$0x15000] =	vst v63  }
0x426: {  	v3 =	vld [tilespmem:$0xC10];
	_ =	sdelay $0x4  }
0x427: {  	v25 =	vperm.xlane v3, v0;
	_ =	sdelay $0x1  }
0x428: {  	v3 =	vperm.xlane v3, v2;
	v4 =	vadd.s32 v1, v25;
	_ =	sdelay $0x1  }
0x429: {  	v3 =	vadd.s32 v1, v3;
	_ =	sdelay $0x1  }
0x42a: {  	s21 =	simm.s32 $0x3800  }
0x42b: {  	[tilespmem:s21], [sflag:$0x1] =	stream.indirect_vreg.gather [hbm4b:s4+s2], $0x80, v4, vm0, $0xb8;
	[tilespmem:$0x15000] =	vst v63  }
0x42c: {  	s12 =	simm.s32 $0x4C00  }
0x42d: {  	[tilespmem:s12], [sflag:$0x1] =	stream.indirect_vreg.gather [hbm4b:s4+s2], $0x80, v3, vm0, $0xb8;
	[tilespmem:$0x15000] =	vst v63  }
0x42e: {  	v3 =	vld [tilespmem:$0xC20];
	_ =	sdelay $0x4  }
0x42f: {  	v26 =	vperm.xlane v3, v0;
	_ =	sdelay $0x1  }
0x430: {  	v3 =	vperm.xlane v3, v2;
	v4 =	vadd.s32 v1, v26;
	_ =	sdelay $0x1  }
0x431: {  	v3 =	vadd.s32 v1, v3;
	_ =	sdelay $0x1  }
0x432: {  	s21 =	simm.s32 $0x6000  }
0x433: {  	[tilespmem:s21], [sflag:$0x1] =	stream.indirect_vreg.gather [hbm4b:s4+s2], $0x80, v4, vm0, $0xb8;
	[tilespmem:$0x15000] =	vst v63  }
0x434: {  	s12 =	simm.s32 $0x7400  }
0x435: {  	[tilespmem:s12], [sflag:$0x1] =	stream.indirect_vreg.gather [hbm4b:s4+s2], $0x80, v3, vm0, $0xb8;
	[tilespmem:$0x15000] =	vst v63  }
0x436: {  	v3 =	vld [tilespmem:$0xC30];
	_ =	sdelay $0x4  }
0x437: {  	v27 =	vperm.xlane v3, v0;
	_ =	sdelay $0x1  }
0x438: {  	v3 =	vperm.xlane v3, v2;
	v4 =	vadd.s32 v1, v27;
	_ =	sdelay $0x1  }
0x439: {  	v3 =	vadd.s32 v1, v3;
	_ =	sdelay $0x1  }
0x43a: {  	s25 =	simm.s32 $0x8800  }
0x43b: {  	[tilespmem:s25], [sflag:$0x1] =	stream.indirect_vreg.gather [hbm4b:s4+s2], $0x80, v4, vm0, $0xb8;
	[tilespmem:$0x15000] =	vst v63  }
0x43c: {  	s21 =	simm.s32 $0x9C00  }
0x43d: {  	[tilespmem:s21], [sflag:$0x1] =	stream.indirect_vreg.gather [hbm4b:s4+s2], $0x80, v3, vm0, $0xb8;
	[tilespmem:$0x15000] =	vst v63  }
0x43e: {  	v3 =	vld [tilespmem:$0xC80];
	_ =	sdelay $0x4  }
0x43f: {  	v28 =	vperm.xlane v3, v0;
	_ =	sdelay $0x1  }
0x440: {  	v3 =	vperm.xlane v3, v2;
	v4 =	vadd.s32 v1, v28;
	_ =	sdelay $0x1  }
0x441: {  	v3 =	vadd.s32 v1, v3;
	_ =	sdelay $0x1  }
0x442: {  	s25 =	simm.s32 $0x1400  }
0x443: {  	[tilespmem:s25], [sflag:$0x1] =	stream.indirect_vreg.gather [hbm4b:s4+s2], $0x80, v4, vm0, $0xb8;
	[tilespmem:$0x15000] =	vst v63  }
0x444: {  	s12 =	simm.s32 $0x2800  }
0x445: {  	[tilespmem:s12], [sflag:$0x1] =	stream.indirect_vreg.gather [hbm4b:s4+s2], $0x80, v3, vm0, $0xb8;
	[tilespmem:$0x15000] =	vst v63  }
0x446: {  	v3 =	vld [tilespmem:$0xC90];
	_ =	sdelay $0x4  }
0x447: {  	v29 =	vperm.xlane v3, v0;
	_ =	sdelay $0x1  }
0x448: {  	v3 =	vperm.xlane v3, v2;
	v4 =	vadd.s32 v1, v29;
	_ =	sdelay $0x1  }
0x449: {  	v3 =	vadd.s32 v1, v3;
	_ =	sdelay $0x1  }
0x44a: {  	s21 =	simm.s32 $0x3C00  }
0x44b: {  	[tilespmem:s21], [sflag:$0x1] =	stream.indirect_vreg.gather [hbm4b:s4+s2], $0x80, v4, vm0, $0xb8;
	[tilespmem:$0x15000] =	vst v63  }
0x44c: {  	s25 =	simm.s32 $0x5000  }
0x44d: {  	[tilespmem:s25], [sflag:$0x1] =	stream.indirect_vreg.gather [hbm4b:s4+s2], $0x80, v3, vm0, $0xb8;
	[tilespmem:$0x15000] =	vst v63  }
0x44e: {  	v3 =	vld [tilespmem:$0xCA0];
	_ =	sdelay $0x4  }
0x44f: {  	v30 =	vperm.xlane v3, v0;
	_ =	sdelay $0x1  }
0x450: {  	v3 =	vperm.xlane v3, v2;
	v4 =	vadd.s32 v1, v30;
	_ =	sdelay $0x1  }
0x451: {  	v3 =	vadd.s32 v1, v3;
	_ =	sdelay $0x1  }
0x452: {  	s8 =	simm.s32 $0x6400  }
0x453: {  	[tilespmem:s8], [sflag:$0x1] =	stream.indirect_vreg.gather [hbm4b:s4+s2], $0x80, v4, vm0, $0xb8;
	[tilespmem:$0x15000] =	vst v63  }
0x454: {  	s8 =	simm.s32 $0x7800  }
0x455: {  	[tilespmem:s8], [sflag:$0x1] =	stream.indirect_vreg.gather [hbm4b:s4+s2], $0x80, v3, vm0, $0xb8;
	[tilespmem:$0x15000] =	vst v63  }
0x456: {  	v3 =	vld [tilespmem:$0xCB0];
	_ =	sdelay $0x4  }
0x457: {  	v31 =	vperm.xlane v3, v0;
	_ =	sdelay $0x1  }
0x458: {  	v3 =	vperm.xlane v3, v2;
	v4 =	vadd.s32 v1, v31;
	_ =	sdelay $0x1  }
0x459: {  	v3 =	vadd.s32 v1, v3;
	_ =	sdelay $0x1  }
0x45a: {  	s9 =	simm.s32 $0x8C00  }
0x45b: {  	[tilespmem:s9], [sflag:$0x1] =	stream.indirect_vreg.gather [hbm4b:s4+s2], $0x80, v4, vm0, $0xb8;
	[tilespmem:$0x15000] =	vst v63  }
0x45c: {  	s12 =	simm.s32 $0xA000  }
0x45d: {  	[tilespmem:s12], [sflag:$0x1] =	stream.indirect_vreg.gather [hbm4b:s4+s2], $0x80, v3, vm0, $0xb8;
	[tilespmem:$0x15000] =	vst v63  }
0x45e: {  	v3 =	vld [tilespmem:$0xD00];
	_ =	sdelay $0x4  }
0x45f: {  	v32 =	vperm.xlane v3, v0;
	_ =	sdelay $0x1  }
0x460: {  	v3 =	vperm.xlane v3, v2;
	v4 =	vadd.s32 v1, v32;
	_ =	sdelay $0x1  }
0x461: {  	v3 =	vadd.s32 v1, v3;
	_ =	sdelay $0x1  }
0x462: {  	s13 =	simm.s32 $0x1800  }
0x463: {  	[tilespmem:s13], [sflag:$0x1] =	stream.indirect_vreg.gather [hbm4b:s4+s2], $0x80, v4, vm0, $0xb8;
	[tilespmem:$0x15000] =	vst v63  }
0x464: {  	s13 =	simm.s32 $0x2C00  }
0x465: {  	[tilespmem:s13], [sflag:$0x1] =	stream.indirect_vreg.gather [hbm4b:s4+s2], $0x80, v3, vm0, $0xb8;
	[tilespmem:$0x15000] =	vst v63  }
0x466: {  	v3 =	vld [tilespmem:$0xD10];
	_ =	sdelay $0x4  }
0x467: {  	v33 =	vperm.xlane v3, v0;
	_ =	sdelay $0x1  }
0x468: {  	v3 =	vperm.xlane v3, v2;
	v4 =	vadd.s32 v1, v33;
	_ =	sdelay $0x1  }
0x469: {  	v3 =	vadd.s32 v1, v3;
	_ =	sdelay $0x1  }
0x46a: {  	s14 =	simm.s32 $0x4000  }
0x46b: {  	[tilespmem:s14], [sflag:$0x1] =	stream.indirect_vreg.gather [hbm4b:s4+s2], $0x80, v4, vm0, $0xb8;
	[tilespmem:$0x15000] =	vst v63  }
0x46c: {  	s14 =	simm.s32 $0x5400  }
0x46d: {  	[tilespmem:s14], [sflag:$0x1] =	stream.indirect_vreg.gather [hbm4b:s4+s2], $0x80, v3, vm0, $0xb8;
	[tilespmem:$0x15000] =	vst v63  }
0x46e: {  	v3 =	vld [tilespmem:$0xD20];
	_ =	sdelay $0x4  }
0x46f: {  	v34 =	vperm.xlane v3, v0;
	_ =	sdelay $0x1  }
0x470: {  	v3 =	vperm.xlane v3, v2;
	v4 =	vadd.s32 v1, v34;
	_ =	sdelay $0x1  }
0x471: {  	v3 =	vadd.s32 v1, v3;
	_ =	sdelay $0x1  }
0x472: {  	s15 =	simm.s32 $0x6800  }
0x473: {  	[tilespmem:s15], [sflag:$0x1] =	stream.indirect_vreg.gather [hbm4b:s4+s2], $0x80, v4, vm0, $0xb8;
	[tilespmem:$0x15000] =	vst v63  }
0x474: {  	s15 =	simm.s32 $0x7C00  }
0x475: {  	[tilespmem:s15], [sflag:$0x1] =	stream.indirect_vreg.gather [hbm4b:s4+s2], $0x80, v3, vm0, $0xb8;
	[tilespmem:$0x15000] =	vst v63  }
0x476: {  	v3 =	vld [tilespmem:$0xD30];
	_ =	sdelay $0x4  }
0x477: {  	v35 =	vperm.xlane v3, v0;
	_ =	sdelay $0x1  }
0x478: {  	v3 =	vperm.xlane v3, v2;
	v4 =	vadd.s32 v1, v35;
	_ =	sdelay $0x1  }
0x479: {  	v3 =	vadd.s32 v1, v3;
	_ =	sdelay $0x1  }
0x47a: {  	s16 =	simm.s32 $0x9000  }
0x47b: {  	[tilespmem:s16], [sflag:$0x1] =	stream.indirect_vreg.gather [hbm4b:s4+s2], $0x80, v4, vm0, $0xb8;
	[tilespmem:$0x15000] =	vst v63  }
0x47c: {  	s16 =	simm.s32 $0xA400  }
0x47d: {  	[tilespmem:s16], [sflag:$0x1] =	stream.indirect_vreg.gather [hbm4b:s4+s2], $0x80, v3, vm0, $0xb8;
	[tilespmem:$0x15000] =	vst v63  }
0x47e: {  	v3 =	vld [tilespmem:$0xD80];
	_ =	sdelay $0x4  }
0x47f: {  	v36 =	vperm.xlane v3, v0;
	_ =	sdelay $0x1  }
0x480: {  	v3 =	vperm.xlane v3, v2;
	v4 =	vadd.s32 v1, v36;
	_ =	sdelay $0x1  }
0x481: {  	v3 =	vadd.s32 v1, v3;
	_ =	sdelay $0x1  }
0x482: {  	s17 =	simm.s32 $0x1C00  }
0x483: {  	[tilespmem:s17], [sflag:$0x1] =	stream.indirect_vreg.gather [hbm4b:s4+s2], $0x80, v4, vm0, $0xb8;
	[tilespmem:$0x15000] =	vst v63  }
0x484: {  	s21 =	simm.s32 $0x3000  }
0x485: {  	[tilespmem:s21], [sflag:$0x1] =	stream.indirect_vreg.gather [hbm4b:s4+s2], $0x80, v3, vm0, $0xb8;
	[tilespmem:$0x15000] =	vst v63  }
0x486: {  	v3 =	vld [tilespmem:$0xD90];
	_ =	sdelay $0x4  }
0x487: {  	v37 =	vperm.xlane v3, v0;
	_ =	sdelay $0x1  }
0x488: {  	v3 =	vperm.xlane v3, v2;
	v4 =	vadd.s32 v1, v37;
	_ =	sdelay $0x1  }
0x489: {  	v3 =	vadd.s32 v1, v3;
	_ =	sdelay $0x1  }
0x48a: {  	s18 =	simm.s32 $0x4400  }
0x48b: {  	[tilespmem:s18], [sflag:$0x1] =	stream.indirect_vreg.gather [hbm4b:s4+s2], $0x80, v4, vm0, $0xb8;
	[tilespmem:$0x15000] =	vst v63  }
0x48c: {  	s25 =	simm.s32 $0x5800  }
0x48d: {  	[tilespmem:s25], [sflag:$0x1] =	stream.indirect_vreg.gather [hbm4b:s4+s2], $0x80, v3, vm0, $0xb8;
	[tilespmem:$0x15000] =	vst v63  }
0x48e: {  	v3 =	vld [tilespmem:$0xDA0];
	_ =	sdelay $0x4  }
0x48f: {  	v38 =	vperm.xlane v3, v0;
	_ =	sdelay $0x1  }
0x490: {  	v3 =	vperm.xlane v3, v2;
	v4 =	vadd.s32 v1, v38;
	_ =	sdelay $0x1  }
0x491: {  	v3 =	vadd.s32 v1, v3;
	_ =	sdelay $0x1  }
0x492: {  	s19 =	simm.s32 $0x6C00  }
0x493: {  	[tilespmem:s19], [sflag:$0x1] =	stream.indirect_vreg.gather [hbm4b:s4+s2], $0x80, v4, vm0, $0xb8;
	[tilespmem:$0x15000] =	vst v63  }
0x494: {  	s8 =	simm.s32 $0x8000  }
0x495: {  	[tilespmem:s8], [sflag:$0x1] =	stream.indirect_vreg.gather [hbm4b:s4+s2], $0x80, v3, vm0, $0xb8;
	[tilespmem:$0x15000] =	vst v63  }
0x496: {  	v3 =	vld [tilespmem:$0xDB0];
	_ =	sdelay $0x4  }
0x497: {  	v39 =	vperm.xlane v3, v0;
	_ =	sdelay $0x1  }
0x498: {  	v3 =	vperm.xlane v3, v2;
	v4 =	vadd.s32 v1, v39;
	_ =	sdelay $0x1  }
0x499: {  	v3 =	vadd.s32 v1, v3;
	_ =	sdelay $0x1  }
0x49a: {  	s20 =	simm.s32 $0x9400  }
0x49b: {  	[tilespmem:s20], [sflag:$0x1] =	stream.indirect_vreg.gather [hbm4b:s4+s2], $0x80, v4, vm0, $0xb8;
	[tilespmem:$0x15000] =	vst v63  }
0x49c: {  	s9 =	simm.s32 $0xA800  }
0x49d: {  	[tilespmem:s9], [sflag:$0x1] =	stream.indirect_vreg.gather [hbm4b:s4+s2], $0x80, v3, vm0, $0xb8;
	[tilespmem:$0x15000] =	vst v63  }
0x49e: {  	v3 =	vld [tilespmem:$0xE00];
	_ =	sdelay $0x4  }
0x49f: {  	v40 =	vperm.xlane v3, v0;
	_ =	sdelay $0x1  }
0x4a0: {  	v3 =	vperm.xlane v3, v2;
	v4 =	vadd.s32 v1, v40;
	_ =	sdelay $0x1  }
0x4a1: {  	v3 =	vadd.s32 v1, v3;
	_ =	sdelay $0x1  }
0x4a2: {  	s22 =	simm.s32 $0x2000  }
0x4a3: {  	[tilespmem:s22], [sflag:$0x1] =	stream.indirect_vreg.gather [hbm4b:s4+s2], $0x80, v4, vm0, $0xb8;
	[tilespmem:$0x15000] =	vst v63  }
0x4a4: {  	s29 =	simm.s32 $0x3400  }
0x4a5: {  	[tilespmem:s29], [sflag:$0x1] =	stream.indirect_vreg.gather [hbm4b:s4+s2], $0x80, v3, vm0, $0xb8;
	[tilespmem:$0x15000] =	vst v63  }
0x4a6: {  	v3 =	vld [tilespmem:$0xE10];
	_ =	sdelay $0x4  }
0x4a7: {  	v41 =	vperm.xlane v3, v0;
	_ =	sdelay $0x1  }
0x4a8: {  	v3 =	vperm.xlane v3, v2;
	v4 =	vadd.s32 v1, v41;
	_ =	sdelay $0x1  }
0x4a9: {  	v3 =	vadd.s32 v1, v3;
	_ =	sdelay $0x1  }
0x4aa: {  	s23 =	simm.s32 $0x4800  }
0x4ab: {  	[tilespmem:s23], [sflag:$0x1] =	stream.indirect_vreg.gather [hbm4b:s4+s2], $0x80, v4, vm0, $0xb8;
	[tilespmem:$0x15000] =	vst v63  }
0x4ac: {  	s30 =	simm.s32 $0x5C00  }
0x4ad: {  	[tilespmem:s30], [sflag:$0x1] =	stream.indirect_vreg.gather [hbm4b:s4+s2], $0x80, v3, vm0, $0xb8;
	[tilespmem:$0x15000] =	vst v63  }
0x4ae: {  	v3 =	vld [tilespmem:$0xE20];
	_ =	sdelay $0x4  }
0x4af: {  	v42 =	vperm.xlane v3, v0;
	_ =	sdelay $0x1  }
0x4b0: {  	v3 =	vperm.xlane v3, v2;
	v4 =	vadd.s32 v1, v42;
	_ =	sdelay $0x1  }
0x4b1: {  	v3 =	vadd.s32 v1, v3;
	_ =	sdelay $0x1  }
0x4b2: {  	s24 =	simm.s32 $0x7000  }
0x4b3: {  	[tilespmem:s24], [sflag:$0x1] =	stream.indirect_vreg.gather [hbm4b:s4+s2], $0x80, v4, vm0, $0xb8;
	[tilespmem:$0x15000] =	vst v63  }
0x4b4: {  	s31 =	simm.s32 $0x8400  }
0x4b5: {  	[tilespmem:s31], [sflag:$0x1] =	stream.indirect_vreg.gather [hbm4b:s4+s2], $0x80, v3, vm0, $0xb8;
	[tilespmem:$0x15000] =	vst v63  }
0x4b6: {  	v3 =	vld [tilespmem:$0xE30];
	_ =	sdelay $0x4  }
0x4b7: {  	v43 =	vperm.xlane v3, v0;
	_ =	sdelay $0x1  }
0x4b8: {  	v3 =	vperm.xlane v3, v2;
	v4 =	vadd.s32 v1, v43;
	_ =	sdelay $0x1  }
0x4b9: {  	v3 =	vadd.s32 v1, v3;
	_ =	sdelay $0x1  }
0x4ba: {  	s26 =	simm.s32 $0x9800  }
0x4bb: {  	[tilespmem:s26], [sflag:$0x1] =	stream.indirect_vreg.gather [hbm4b:s4+s2], $0x80, v4, vm0, $0xb8;
	[tilespmem:$0x15000] =	vst v63  }
0x4bc: {  	s12 =	simm.s32 $0xAC00  }
0x4bd: {  	[tilespmem:s12], [sflag:$0x1] =	stream.indirect_vreg.gather [hbm4b:s4+s2], $0x80, v3, vm0, $0xb8;
	[tilespmem:$0x15000] =	vst v63  }
0x4be: {  	_ =	swait.ge [sflag:s11], $0x2000  }
0x4bf: {  	[sflag:s11] =	ssyncset.done $0x0  }
0x4c0: {  	[sflag:s11] =	ssyncadd.s32 $0xFFFFE000  }
0x4c1: {  	_ =	swait.ge [sflag:s11], $0x2000  }
0x4c2: {  	[sflag:s11] =	ssyncset.done $0x0  }
0x4c3: {  	[sflag:s11] =	ssyncadd.s32 $0xFFFFE000  }
0x4c4: {  	_ =	swait.ge [sflag:s11], $0x2000  }
0x4c5: {  	[sflag:s11] =	ssyncset.done $0x0  }
0x4c6: {  	[sflag:s11] =	ssyncadd.s32 $0xFFFFE000  }
0x4c7: {  	_ =	swait.ge [sflag:s11], $0x2000  }
0x4c8: {  	[sflag:s11] =	ssyncset.done $0x0  }
0x4c9: {  	[sflag:s11] =	ssyncadd.s32 $0xFFFFE000  }
0x4ca: {  	_ =	swait.ge [sflag:s11], $0x2000  }
0x4cb: {  	[sflag:s11] =	ssyncset.done $0x0  }
0x4cc: {  	s3 =	simm.s32 $0xB000;
	s13 =	rddreg [dreg:$0x8];
	[sflag:s11] =	ssyncadd.s32 $0xFFFFE000  }
0x4cd: {  	[hbm4b:s13+s2] =	stream.linear.scatter [tilespmem:s3], [sflag:$0x3], $0xA000, $0x38;
	[tilespmem:$0x15000] =	vst v63  }
0x4ce: {  	_ =	swait.ge [sflag:s6], $0xA000  }
0x4cf: {  	[sflag:s6] =	ssyncset.done $0x0  }
0x4d0: {  	[sflag:s6] =	ssyncadd.s32 $0xFFFF6000  }
0x4d1: {  	v3 =	vld [tilespmem:$0xC40];
	_ =	sdelay $0x4  }
0x4d2: {  	v44 =	vperm.xlane v3, v0;
	_ =	sdelay $0x1  }
0x4d3: {  	v3 =	vperm.xlane v3, v2;
	v4 =	vadd.s32 v1, v44;
	_ =	sdelay $0x1  }
0x4d4: {  	v3 =	vadd.s32 v1, v3;
	_ =	sdelay $0x2  }
0x4d5: {  	[tilespmem:s3], [sflag:$0x2] =	stream.indirect_vreg.gather [hbm4b:s4+s2], $0x80, v4, vm0, $0xb8;
	[tilespmem:$0x15000] =	vst v63  }
0x4d6: {  	s14 =	simm.s32 $0xC400  }
0x4d7: {  	[tilespmem:s14], [sflag:$0x2] =	stream.indirect_vreg.gather [hbm4b:s4+s2], $0x80, v3, vm0, $0xb8;
	[tilespmem:$0x15000] =	vst v63  }
0x4d8: {  	v3 =	vld [tilespmem:$0xC50];
	_ =	sdelay $0x4  }
0x4d9: {  	v45 =	vperm.xlane v3, v0;
	_ =	sdelay $0x1  }
0x4da: {  	v3 =	vperm.xlane v3, v2;
	v4 =	vadd.s32 v1, v45;
	_ =	sdelay $0x1  }
0x4db: {  	v3 =	vadd.s32 v1, v3;
	_ =	sdelay $0x2  }
0x4dc: {  	[tilespmem:s28], [sflag:$0x2] =	stream.indirect_vreg.gather [hbm4b:s4+s2], $0x80, v4, vm0, $0xb8;
	[tilespmem:$0x15000] =	vst v63  }
0x4dd: {  	s15 =	simm.s32 $0xEC00  }
0x4de: {  	[tilespmem:s15], [sflag:$0x2] =	stream.indirect_vreg.gather [hbm4b:s4+s2], $0x80, v3, vm0, $0xb8;
	[tilespmem:$0x15000] =	vst v63  }
0x4df: {  	v3 =	vld [tilespmem:$0xC60];
	_ =	sdelay $0x4  }
0x4e0: {  	v46 =	vperm.xlane v3, v0;
	_ =	sdelay $0x1  }
0x4e1: {  	v3 =	vperm.xlane v3, v2;
	v4 =	vadd.s32 v1, v46;
	_ =	sdelay $0x1  }
0x4e2: {  	v3 =	vadd.s32 v1, v3;
	_ =	sdelay $0x2  }
0x4e3: {  	[tilespmem:s0], [sflag:$0x2] =	stream.indirect_vreg.gather [hbm4b:s4+s2], $0x80, v4, vm0, $0xb8;
	[tilespmem:$0x15000] =	vst v63  }
0x4e4: {  	s16 =	simm.s32 $0x11400  }
0x4e5: {  	[tilespmem:s16], [sflag:$0x2] =	stream.indirect_vreg.gather [hbm4b:s4+s2], $0x80, v3, vm0, $0xb8;
	[tilespmem:$0x15000] =	vst v63  }
0x4e6: {  	v3 =	vld [tilespmem:$0xC70];
	_ =	sdelay $0x4  }
0x4e7: {  	v47 =	vperm.xlane v3, v0;
	_ =	sdelay $0x1  }
0x4e8: {  	v3 =	vperm.xlane v3, v2;
	v4 =	vadd.s32 v1, v47;
	_ =	sdelay $0x1  }
0x4e9: {  	v3 =	vadd.s32 v1, v3;
	_ =	sdelay $0x1  }
0x4ea: {  	s17 =	simm.s32 $0x12800  }
0x4eb: {  	[tilespmem:s17], [sflag:$0x2] =	stream.indirect_vreg.gather [hbm4b:s4+s2], $0x80, v4, vm0, $0xb8;
	[tilespmem:$0x15000] =	vst v63  }
0x4ec: {  	s18 =	simm.s32 $0x13C00  }
0x4ed: {  	[tilespmem:s18], [sflag:$0x2] =	stream.indirect_vreg.gather [hbm4b:s4+s2], $0x80, v3, vm0, $0xb8;
	[tilespmem:$0x15000] =	vst v63  }
0x4ee: {  	v3 =	vld [tilespmem:$0xCC0];
	_ =	sdelay $0x4  }
0x4ef: {  	v48 =	vperm.xlane v3, v0;
	_ =	sdelay $0x1  }
0x4f0: {  	v3 =	vperm.xlane v3, v2;
	v4 =	vadd.s32 v1, v48;
	_ =	sdelay $0x1  }
0x4f1: {  	v3 =	vadd.s32 v1, v3;
	_ =	sdelay $0x1  }
0x4f2: {  	s19 =	simm.s32 $0xB400  }
0x4f3: {  	[tilespmem:s19], [sflag:$0x2] =	stream.indirect_vreg.gather [hbm4b:s4+s2], $0x80, v4, vm0, $0xb8;
	[tilespmem:$0x15000] =	vst v63  }
0x4f4: {  	s20 =	simm.s32 $0xC800  }
0x4f5: {  	[tilespmem:s20], [sflag:$0x2] =	stream.indirect_vreg.gather [hbm4b:s4+s2], $0x80, v3, vm0, $0xb8;
	[tilespmem:$0x15000] =	vst v63  }
0x4f6: {  	v3 =	vld [tilespmem:$0xCD0];
	_ =	sdelay $0x4  }
0x4f7: {  	v49 =	vperm.xlane v3, v0;
	_ =	sdelay $0x1  }
0x4f8: {  	v3 =	vperm.xlane v3, v2;
	v4 =	vadd.s32 v1, v49;
	_ =	sdelay $0x1  }
0x4f9: {  	v3 =	vadd.s32 v1, v3;
	_ =	sdelay $0x1  }
0x4fa: {  	s21 =	simm.s32 $0xDC00  }
0x4fb: {  	[tilespmem:s21], [sflag:$0x2] =	stream.indirect_vreg.gather [hbm4b:s4+s2], $0x80, v4, vm0, $0xb8;
	[tilespmem:$0x15000] =	vst v63  }
0x4fc: {  	s22 =	simm.s32 $0xF000  }
0x4fd: {  	[tilespmem:s22], [sflag:$0x2] =	stream.indirect_vreg.gather [hbm4b:s4+s2], $0x80, v3, vm0, $0xb8;
	[tilespmem:$0x15000] =	vst v63  }
0x4fe: {  	v3 =	vld [tilespmem:$0xCE0];
	_ =	sdelay $0x4  }
0x4ff: {  	v50 =	vperm.xlane v3, v0;
	_ =	sdelay $0x1  }
0x500: {  	v3 =	vperm.xlane v3, v2;
	v4 =	vadd.s32 v1, v50;
	_ =	sdelay $0x1  }
0x501: {  	v3 =	vadd.s32 v1, v3;
	_ =	sdelay $0x1  }
0x502: {  	s23 =	simm.s32 $0x10400  }
0x503: {  	[tilespmem:s23], [sflag:$0x2] =	stream.indirect_vreg.gather [hbm4b:s4+s2], $0x80, v4, vm0, $0xb8;
	[tilespmem:$0x15000] =	vst v63  }
0x504: {  	s24 =	simm.s32 $0x11800  }
0x505: {  	[tilespmem:s24], [sflag:$0x2] =	stream.indirect_vreg.gather [hbm4b:s4+s2], $0x80, v3, vm0, $0xb8;
	[tilespmem:$0x15000] =	vst v63  }
0x506: {  	v3 =	vld [tilespmem:$0xCF0];
	_ =	sdelay $0x4  }
0x507: {  	v51 =	vperm.xlane v3, v0;
	_ =	sdelay $0x1  }
0x508: {  	v3 =	vperm.xlane v3, v2;
	v4 =	vadd.s32 v1, v51;
	_ =	sdelay $0x1  }
0x509: {  	v3 =	vadd.s32 v1, v3;
	_ =	sdelay $0x1  }
0x50a: {  	s25 =	simm.s32 $0x12C00  }
0x50b: {  	[tilespmem:s25], [sflag:$0x2] =	stream.indirect_vreg.gather [hbm4b:s4+s2], $0x80, v4, vm0, $0xb8;
	[tilespmem:$0x15000] =	vst v63  }
0x50c: {  	s26 =	simm.s32 $0x14000  }
0x50d: {  	[tilespmem:s26], [sflag:$0x2] =	stream.indirect_vreg.gather [hbm4b:s4+s2], $0x80, v3, vm0, $0xb8;
	[tilespmem:$0x15000] =	vst v63  }
0x50e: {  	v3 =	vld [tilespmem:$0xD40];
	_ =	sdelay $0x4  }
0x50f: {  	v52 =	vperm.xlane v3, v0;
	_ =	sdelay $0x1  }
0x510: {  	v3 =	vperm.xlane v3, v2;
	v4 =	vadd.s32 v1, v52;
	_ =	sdelay $0x1  }
0x511: {  	v3 =	vadd.s32 v1, v3;
	_ =	sdelay $0x1  }
0x512: {  	s28 =	simm.s32 $0xB800  }
0x513: {  	[tilespmem:s28], [sflag:$0x2] =	stream.indirect_vreg.gather [hbm4b:s4+s2], $0x80, v4, vm0, $0xb8;
	[tilespmem:$0x15000] =	vst v63  }
0x514: {  	s29 =	simm.s32 $0xCC00  }
0x515: {  	[tilespmem:s29], [sflag:$0x2] =	stream.indirect_vreg.gather [hbm4b:s4+s2], $0x80, v3, vm0, $0xb8;
	[tilespmem:$0x15000] =	vst v63  }
0x516: {  	v3 =	vld [tilespmem:$0xD50];
	_ =	sdelay $0x4  }
0x517: {  	v53 =	vperm.xlane v3, v0;
	_ =	sdelay $0x1  }
0x518: {  	v3 =	vperm.xlane v3, v2;
	v4 =	vadd.s32 v1, v53;
	_ =	sdelay $0x1  }
0x519: {  	v3 =	vadd.s32 v1, v3;
	_ =	sdelay $0x1  }
0x51a: {  	s30 =	simm.s32 $0xE000  }
0x51b: {  	[tilespmem:s30], [sflag:$0x2] =	stream.indirect_vreg.gather [hbm4b:s4+s2], $0x80, v4, vm0, $0xb8;
	[tilespmem:$0x15000] =	vst v63  }
0x51c: {  	s31 =	simm.s32 $0xF400  }
0x51d: {  	[tilespmem:s31], [sflag:$0x2] =	stream.indirect_vreg.gather [hbm4b:s4+s2], $0x80, v3, vm0, $0xb8;
	[tilespmem:$0x15000] =	vst v63  }
0x51e: {  	v3 =	vld [tilespmem:$0xD60];
	_ =	sdelay $0x4  }
0x51f: {  	v54 =	vperm.xlane v3, v0;
	_ =	sdelay $0x1  }
0x520: {  	v3 =	vperm.xlane v3, v2;
	v4 =	vadd.s32 v1, v54;
	_ =	sdelay $0x1  }
0x521: {  	v3 =	vadd.s32 v1, v3;
	_ =	sdelay $0x1  }
0x522: {  	s1 =	simm.s32 $0x10800  }
0x523: {  	[tilespmem:s1], [sflag:$0x2] =	stream.indirect_vreg.gather [hbm4b:s4+s2], $0x80, v4, vm0, $0xb8;
	[tilespmem:$0x15000] =	vst v63  }
0x524: {  	s8 =	simm.s32 $0x11C00  }
0x525: {  	[tilespmem:s8], [sflag:$0x2] =	stream.indirect_vreg.gather [hbm4b:s4+s2], $0x80, v3, vm0, $0xb8;
	[tilespmem:$0x15000] =	vst v63  }
0x526: {  	v3 =	vld [tilespmem:$0xD70];
	_ =	sdelay $0x4  }
0x527: {  	v55 =	vperm.xlane v3, v0;
	_ =	sdelay $0x1  }
0x528: {  	v3 =	vperm.xlane v3, v2;
	v4 =	vadd.s32 v1, v55;
	_ =	sdelay $0x1  }
0x529: {  	v3 =	vadd.s32 v1, v3;
	_ =	sdelay $0x1  }
0x52a: {  	s9 =	simm.s32 $0x13000  }
0x52b: {  	[tilespmem:s9], [sflag:$0x2] =	stream.indirect_vreg.gather [hbm4b:s4+s2], $0x80, v4, vm0, $0xb8;
	[tilespmem:$0x15000] =	vst v63  }
0x52c: {  	s12 =	simm.s32 $0x14400  }
0x52d: {  	[tilespmem:s12], [sflag:$0x2] =	stream.indirect_vreg.gather [hbm4b:s4+s2], $0x80, v3, vm0, $0xb8;
	[tilespmem:$0x15000] =	vst v63  }
0x52e: {  	v3 =	vld [tilespmem:$0xDC0];
	_ =	sdelay $0x4  }
0x52f: {  	v56 =	vperm.xlane v3, v0;
	_ =	sdelay $0x1  }
0x530: {  	v3 =	vperm.xlane v3, v2;
	v4 =	vadd.s32 v1, v56;
	_ =	sdelay $0x1  }
0x531: {  	v3 =	vadd.s32 v1, v3;
	_ =	sdelay $0x1  }
0x532: {  	s13 =	simm.s32 $0xBC00  }
0x533: {  	[tilespmem:s13], [sflag:$0x2] =	stream.indirect_vreg.gather [hbm4b:s4+s2], $0x80, v4, vm0, $0xb8;
	[tilespmem:$0x15000] =	vst v63  }
0x534: {  	s14 =	simm.s32 $0xD000  }
0x535: {  	[tilespmem:s14], [sflag:$0x2] =	stream.indirect_vreg.gather [hbm4b:s4+s2], $0x80, v3, vm0, $0xb8;
	[tilespmem:$0x15000] =	vst v63  }
0x536: {  	v3 =	vld [tilespmem:$0xDD0];
	_ =	sdelay $0x4  }
0x537: {  	v57 =	vperm.xlane v3, v0;
	_ =	sdelay $0x1  }
0x538: {  	v3 =	vperm.xlane v3, v2;
	v4 =	vadd.s32 v1, v57;
	_ =	sdelay $0x1  }
0x539: {  	v3 =	vadd.s32 v1, v3;
	_ =	sdelay $0x1  }
0x53a: {  	s15 =	simm.s32 $0xE400  }
0x53b: {  	[tilespmem:s15], [sflag:$0x2] =	stream.indirect_vreg.gather [hbm4b:s4+s2], $0x80, v4, vm0, $0xb8;
	[tilespmem:$0x15000] =	vst v63  }
0x53c: {  	s16 =	simm.s32 $0xF800  }
0x53d: {  	[tilespmem:s16], [sflag:$0x2] =	stream.indirect_vreg.gather [hbm4b:s4+s2], $0x80, v3, vm0, $0xb8;
	[tilespmem:$0x15000] =	vst v63  }
0x53e: {  	v3 =	vld [tilespmem:$0xDE0];
	_ =	sdelay $0x4  }
0x53f: {  	v58 =	vperm.xlane v3, v0;
	_ =	sdelay $0x1  }
0x540: {  	v3 =	vperm.xlane v3, v2;
	v4 =	vadd.s32 v1, v58;
	_ =	sdelay $0x1  }
0x541: {  	v3 =	vadd.s32 v1, v3;
	_ =	sdelay $0x1  }
0x542: {  	s17 =	simm.s32 $0x10C00  }
0x543: {  	[tilespmem:s17], [sflag:$0x2] =	stream.indirect_vreg.gather [hbm4b:s4+s2], $0x80, v4, vm0, $0xb8;
	[tilespmem:$0x15000] =	vst v63  }
0x544: {  	s18 =	simm.s32 $0x12000  }
0x545: {  	[tilespmem:s18], [sflag:$0x2] =	stream.indirect_vreg.gather [hbm4b:s4+s2], $0x80, v3, vm0, $0xb8;
	[tilespmem:$0x15000] =	vst v63  }
0x546: {  	v3 =	vld [tilespmem:$0xDF0];
	_ =	sdelay $0x4  }
0x547: {  	v59 =	vperm.xlane v3, v0;
	_ =	sdelay $0x1  }
0x548: {  	v3 =	vperm.xlane v3, v2;
	v4 =	vadd.s32 v1, v59;
	_ =	sdelay $0x1  }
0x549: {  	v3 =	vadd.s32 v1, v3;
	_ =	sdelay $0x1  }
0x54a: {  	s19 =	simm.s32 $0x13400  }
0x54b: {  	[tilespmem:s19], [sflag:$0x2] =	stream.indirect_vreg.gather [hbm4b:s4+s2], $0x80, v4, vm0, $0xb8;
	[tilespmem:$0x15000] =	vst v63  }
0x54c: {  	s20 =	simm.s32 $0x14800  }
0x54d: {  	[tilespmem:s20], [sflag:$0x2] =	stream.indirect_vreg.gather [hbm4b:s4+s2], $0x80, v3, vm0, $0xb8;
	[tilespmem:$0x15000] =	vst v63  }
0x54e: {  	v3 =	vld [tilespmem:$0xE40];
	_ =	sdelay $0x4  }
0x54f: {  	v60 =	vperm.xlane v3, v0;
	_ =	sdelay $0x1  }
0x550: {  	v3 =	vperm.xlane v3, v2;
	v4 =	vadd.s32 v1, v60;
	_ =	sdelay $0x1  }
0x551: {  	v3 =	vadd.s32 v1, v3;
	_ =	sdelay $0x1  }
0x552: {  	s21 =	simm.s32 $0xC000  }
0x553: {  	[tilespmem:s21], [sflag:$0x2] =	stream.indirect_vreg.gather [hbm4b:s4+s2], $0x80, v4, vm0, $0xb8;
	[tilespmem:$0x15000] =	vst v63  }
0x554: {  	s22 =	simm.s32 $0xD400  }
0x555: {  	[tilespmem:s22], [sflag:$0x2] =	stream.indirect_vreg.gather [hbm4b:s4+s2], $0x80, v3, vm0, $0xb8;
	[tilespmem:$0x15000] =	vst v63  }
0x556: {  	v3 =	vld [tilespmem:$0xE50];
	_ =	sdelay $0x4  }
0x557: {  	v61 =	vperm.xlane v3, v0;
	_ =	sdelay $0x1  }
0x558: {  	v3 =	vperm.xlane v3, v2;
	v4 =	vadd.s32 v1, v61;
	_ =	sdelay $0x1  }
0x559: {  	v3 =	vadd.s32 v1, v3;
	_ =	sdelay $0x1  }
0x55a: {  	s23 =	simm.s32 $0xE800  }
0x55b: {  	[tilespmem:s23], [sflag:$0x2] =	stream.indirect_vreg.gather [hbm4b:s4+s2], $0x80, v4, vm0, $0xb8;
	[tilespmem:$0x15000] =	vst v63  }
0x55c: {  	s24 =	simm.s32 $0xFC00  }
0x55d: {  	[tilespmem:s24], [sflag:$0x2] =	stream.indirect_vreg.gather [hbm4b:s4+s2], $0x80, v3, vm0, $0xb8;
	[tilespmem:$0x15000] =	vst v63  }
0x55e: {  	v3 =	vld [tilespmem:$0xE60];
	_ =	sdelay $0x4  }
0x55f: {  	v62 =	vperm.xlane v3, v0;
	_ =	sdelay $0x1  }
0x560: {  	v3 =	vperm.xlane v3, v2;
	v4 =	vadd.s32 v1, v62;
	_ =	sdelay $0x1  }
0x561: {  	v3 =	vadd.s32 v1, v3;
	_ =	sdelay $0x1  }
0x562: {  	s25 =	simm.s32 $0x11000  }
0x563: {  	[tilespmem:s25], [sflag:$0x2] =	stream.indirect_vreg.gather [hbm4b:s4+s2], $0x80, v4, vm0, $0xb8;
	[tilespmem:$0x15000] =	vst v63  }
0x564: {  	s26 =	simm.s32 $0x12400  }
0x565: {  	[tilespmem:s26], [sflag:$0x2] =	stream.indirect_vreg.gather [hbm4b:s4+s2], $0x80, v3, vm0, $0xb8;
	[tilespmem:$0x15000] =	vst v63  }
0x566: {  	v3 =	vld [tilespmem:$0xE70];
	_ =	sdelay $0x4  }
0x567: {  	v63 =	vperm.xlane v3, v0;
	_ =	sdelay $0x1  }
0x568: {  	v3 =	vperm.xlane v3, v2;
	v4 =	vadd.s32 v1, v63;
	_ =	sdelay $0x1  }
0x569: {  	v3 =	vadd.s32 v1, v3;
	_ =	sdelay $0x1  }
0x56a: {  	s28 =	simm.s32 $0x13800  }
0x56b: {  	[tilespmem:s28], [sflag:$0x2] =	stream.indirect_vreg.gather [hbm4b:s4+s2], $0x80, v4, vm0, $0xb8;
	[tilespmem:$0x15000] =	vst v63  }
0x56c: {  	s29 =	simm.s32 $0x14C00  }
0x56d: {  	[tilespmem:s29], [sflag:$0x2] =	stream.indirect_vreg.gather [hbm4b:s4+s2], $0x80, v3, vm0, $0xb8;
	[tilespmem:$0x15000] =	vst v63  }
0x56e: {  	_ =	swait.ge [sflag:s10], $0x2000  }
0x56f: {  	[sflag:s10] =	ssyncset.done $0x0  }
0x570: {  	[sflag:s10] =	ssyncadd.s32 $0xFFFFE000  }
0x571: {  	_ =	swait.ge [sflag:s10], $0x2000  }
0x572: {  	[sflag:s10] =	ssyncset.done $0x0  }
0x573: {  	[sflag:s10] =	ssyncadd.s32 $0xFFFFE000  }
0x574: {  	_ =	swait.ge [sflag:s10], $0x2000  }
0x575: {  	[sflag:s10] =	ssyncset.done $0x0  }
0x576: {  	[sflag:s10] =	ssyncadd.s32 $0xFFFFE000  }
0x577: {  	_ =	swait.ge [sflag:s10], $0x2000  }
0x578: {  	[sflag:s10] =	ssyncset.done $0x0  }
0x579: {  	[sflag:s10] =	ssyncadd.s32 $0xFFFFE000  }
0x57a: {  	_ =	swait.ge [sflag:s10], $0x2000  }
0x57b: {  	[sflag:s10] =	ssyncset.done $0x0  }
0x57c: {  	s7 =	simm.s32 $0x1000;
	s30 =	rddreg [dreg:$0x9];
	[sflag:s10] =	ssyncadd.s32 $0xFFFFE000  }
0x57d: {  	[hbm4b:s30+s2] =	stream.linear.scatter [tilespmem:s7], [sflag:$0x3], $0xA000, $0x38;
	[tilespmem:$0x15000] =	vst v63  }
0x57e: {  	_ =	swait.ge [sflag:s6], $0xA000  }
0x57f: {  	[sflag:s6] =	ssyncset.done $0x0  }
0x580: {  	[sflag:s6] =	ssyncadd.s32 $0xFFFF6000  }
0x581: {  	_ =	swait.ge [sflag:s11], $0x2000  }
0x582: {  	[sflag:s11] =	ssyncset.done $0x0  }
0x583: {  	[sflag:s11] =	ssyncadd.s32 $0xFFFFE000  }
0x584: {  	_ =	swait.ge [sflag:s11], $0x2000  }
0x585: {  	[sflag:s11] =	ssyncset.done $0x0  }
0x586: {  	[sflag:s11] =	ssyncadd.s32 $0xFFFFE000  }
0x587: {  	_ =	swait.ge [sflag:s11], $0x2000  }
0x588: {  	[sflag:s11] =	ssyncset.done $0x0  }
0x589: {  	[sflag:s11] =	ssyncadd.s32 $0xFFFFE000  }
0x58a: {  	_ =	swait.ge [sflag:s11], $0x2000  }
0x58b: {  	[sflag:s11] =	ssyncset.done $0x0  }
0x58c: {  	[sflag:s11] =	ssyncadd.s32 $0xFFFFE000  }
0x58d: {  	_ =	swait.ge [sflag:s11], $0x2000  }
0x58e: {  	p0 =	sne.s32 s5, $0x1;
	[sflag:s11] =	ssyncset.done $0x0  }
.Ltmp0:
0x58f: {  	s31 =	rddreg [dreg:$0xa];
	[sflag:s11] =	ssyncadd.s32 $0xFFFFE000;
	(pc) =	sbr.rel @p0 .LBB2_1-.Ltmp0, $4  }
0x590: {  	[hbm4b:s31+s2] =	stream.linear.scatter [tilespmem:s3], [sflag:$0x3], $0xA000, $0x38;
	[tilespmem:$0x15000] =	vst v63  }
0x591: {  	_ =	swait.ge [sflag:s6], $0xA000  }
0x592: {  	[sflag:s6] =	ssyncset.done $0x0  }
0x593: {  	s5 =	sadd.s32 $0xFFFFFFFF, s5;
	[sflag:s6] =	ssyncadd.s32 $0xFFFF6000  }
0x594: {  	_ =	sfence.sel $0x180000  }
0x595: {  	[bflag:$0x0] =	sbarrier.arrive $0xFFFF  }
0x596: {  	_ =	strace $0x90000047  }
0x597: {  	s0 =	stileid.u32;
	[bflag:$0x2] =	sbarrier.arrive $0xFFFF  }
0x598: {  	p0 =	sne.s32 s0, $0x0;
	s0 =	rddreg [dreg:$0x2]  }
0x599: {  	s0 =	sadd.s32 @!p0 $0x100000, s0  }
0x59a: {  	[sflag:s0] =	ssyncadd.tile.s32 @!p0 $0x1;
	_ =	shalt  }
.Lfunc_end2:
_tile_overlayer_lowered:
.L_overlay_start_2:
0x59b: {  	(tag) =	ssettag $0x2  }
0x59c: {  	s0 =	rddreg [dreg:$0x0];
	s2 =	stileid.u32  }
0x59d: {  	s1 =	rddreg [dreg:$0x1];
	p0 =	sne.s32 s2, $0x0  }
0x59e: {  	s3 =	rddreg [dreg:$0x2];
	[bflag:$0x3] =	sbarrier.arrive $0xFFFF;
	s2 =	simm.s32 @!p0 $0x1C03  }
0x59f: {  	[timem:s3], [sflag:s2] =	dma.local @!p0 [hbm:s0], s1  }
0x5a0: {  	s0 =	simm.s32 @!p0 $0x3  }
0x5a1: {  	_ =	swait.ge @!p0 [sflag:s0], s1  }
0x5a2: {  	s1 =	ssub.s32 @!p0 $0x0, s1;
	[sflag:s0] =	ssyncset.done @!p0 $0x0  }
0x5a3: {  	[sflag:s0] =	ssyncadd.s32 @!p0 s1  }
0x5a4: {  	[bflag:$0x3] =	sbarrier.arrive $0xFFFF  }
0x5a5: {  	_ =	shalt  }

</sc_bundles>
